<compile_context>
chip_gen: v7x
topology: tpu7x:2x2x1
jax: 0.10.2.dev20260603
libtpu: 0.0.44.dev20260713+nightly
codegen_flags: <defaults>
</compile_context>

<pallas_src>
import jax
import jax.numpy as jnp
from jax import lax
from jax.experimental import pallas as pl
from jax.experimental.pallas import tpu as pltpu
from jax.experimental.pallas import tpu_sc as plsc

E = 320000
D = 128
_NC, _NS = 2, 16
_NW = _NC * _NS
_EPW = E // _NW
_CHUNK = 80
_G = 5
_GROUP = _CHUNK * _G
_NGRP = _EPW // _GROUP
_NPAIR = (_NGRP - 1) // 2


def _sc_body(xt_hbm, t_hbm, out_hbm,
             t_v, xg0, xg1, cg0, cg1, rows0, rows1,
             xsem0, xsem1, gsem0, gsem1, wsem0, wsem1):
    wid = lax.axis_index("s") * _NC + lax.axis_index("c")
    base_e = wid * _EPW
    lanes = lax.iota(jnp.int32, 16)
    @pl.when(lax.axis_index("s") == 0)
    def _():
        pltpu.sync_copy(t_hbm, t_v)
    plsc.subcore_barrier()

    bufA = (xg0, cg0, rows0, xsem0, gsem0, wsem0)
    bufB = (xg1, cg1, rows1, xsem1, gsem1, wsem1)

    def out_slice(o):
        return out_hbm.at[pl.ds(base_e + o * _GROUP, _GROUP)]

    def stage_x(o, b):
        for k in range(3):
            pltpu.async_copy(
                xt_hbm.at[pl.ds(k * E + base_e + o * _GROUP, _GROUP)],
                b[0].at[pl.ds(k * _GROUP, _GROUP)], b[3])

    def wait_x(o, b):
        for k in range(3):
            pltpu.make_async_copy(
                xt_hbm.at[pl.ds(k * E + base_e + o * _GROUP, _GROUP)],
                b[0].at[pl.ds(k * _GROUP, _GROUP)], b[3]).wait()

    def compute_idx(b):
        xg, cg = b[0], b[1]
        for t in range(_GROUP // 16):
            s = t * 16
            x0 = xg[pl.ds(s, 16)]
            x1 = xg[pl.ds(_GROUP + s, 16)]
            x2 = xg[pl.ds(2 * _GROUP + s, 16)]
            cg[t // _G, pl.ds((t % _G) * 16, 16)] = x0 * 12 + x1 * 2 + x2

    def fire_g(b):
        cg, rows = b[1], b[2]
        for i in range(_G):
            pltpu.async_copy(t_v.at[cg.at[i]],
                             rows.at[pl.ds(i * _CHUNK, _CHUNK)], b[4])

    def wait_g(b):
        cg, rows = b[1], b[2]
        for i in range(_G):
            pltpu.make_async_copy(t_v.at[cg.at[i]],
                                  rows.at[pl.ds(i * _CHUNK, _CHUNK)],
                                  b[4]).wait()

    def fire_w(o, b):
        pltpu.async_copy(b[2], out_slice(o), b[5])

    def wait_w(o, b):
        pltpu.make_async_copy(b[2], out_slice(o), b[5]).wait()

    stage_x(0, bufA)
    stage_x(1, bufB)
    wait_x(0, bufA)
    compute_idx(bufA)
    fire_g(bufA)
    wait_x(1, bufB)
    compute_idx(bufB)

    def pair(oo, carry):
        o = 2 * oo + 1
        stage_x(o + 1, bufA)

        @pl.when(o >= 3)
        def _():
            wait_w(o - 2, bufB)
        wait_g(bufA)
        fire_w(o - 1, bufA)
        fire_g(bufB)
        wait_x(o + 1, bufA)
        compute_idx(bufA)

        @pl.when(o < _NGRP - 2)
        def _():
            stage_x(o + 2, bufB)
        wait_w(o - 1, bufA)
        wait_g(bufB)
        fire_w(o, bufB)
        fire_g(bufA)

        @pl.when(o < _NGRP - 2)
        def _():
            wait_x(o + 2, bufB)
            compute_idx(bufB)
        return carry

    lax.fori_loop(0, _NPAIR, pair, None)

    wait_g(bufA)
    fire_w(_NGRP - 1, bufA)
    wait_w(_NGRP - 2, bufB)
    wait_w(_NGRP - 1, bufA)


def _lookup(xt, table):
    mesh = plsc.VectorSubcoreMesh(core_axis_name="c", subcore_axis_name="s")
    f = pl.kernel(
        _sc_body,
        out_type=jax.ShapeDtypeStruct((E, D), jnp.float32),
        mesh=mesh,
        compiler_params=pltpu.CompilerParams(needs_layout_passes=False),
        scratch_types=[
            pltpu.VMEM_SHARED((60, D), jnp.float32),
            pltpu.VMEM((3 * _GROUP,), jnp.int32),
            pltpu.VMEM((3 * _GROUP,), jnp.int32),
            pltpu.VMEM((_G, _CHUNK), jnp.int32),
            pltpu.VMEM((_G, _CHUNK), jnp.int32),
            pltpu.VMEM((_GROUP, D), jnp.float32),
            pltpu.VMEM((_GROUP, D), jnp.float32),
            pltpu.SemaphoreType.DMA,
            pltpu.SemaphoreType.DMA,
            pltpu.SemaphoreType.DMA,
            pltpu.SemaphoreType.DMA,
            pltpu.SemaphoreType.DMA,
            pltpu.SemaphoreType.DMA,
        ],
    )
    return f(xt, table)


def kernel(x_1, W0, W1, W2):
    x = x_1.astype(jnp.int32)
    table = (W0[:, None, None, :] + W1[None, :, None, :]
             + W2[None, None, :, :]).reshape(-1, D)
    return _lookup(x.T.reshape(-1), table)

# --- scband reference (transcript-rebuilt; emitter-appended) ---
"""Pipeline reference for scband-bond-embedding-6227702579791 (READ-ONLY COPY).

The authoritative reference and input builder live on the scoring server;
editing this copy changes nothing except your own understanding.
"""

import jax, jax.numpy as jnp
import numpy as np

E = 320000
D = 128
BOND_FEATURE_DIMS = [5, 6, 2]

def setup_inputs(seed: int = 0) -> dict:
    key = jax.random.key(seed)
    k0, k1, k2, k3 = jax.random.split(key, 4)
    x_1 = jax.random.randint(k0, (E, 3), 0, 2, dtype=jnp.int64)
    # Embedding tables, one per bond feature column (OGB BondEncoder style,
    # xavier_uniform-ish init approximated with normal scaling)
    W0 = jax.random.normal(k1, (BOND_FEATURE_DIMS[0], D), dtype=jnp.float32) * 0.1
    W1 = jax.random.normal(k2, (BOND_FEATURE_DIMS[1], D), dtype=jnp.float32) * 0.1
    W2 = jax.random.normal(k3, (BOND_FEATURE_DIMS[2], D), dtype=jnp.float32) * 0.1
    return {"x_1": x_1, "W0": W0, "W1": W1, "W2": W2}

def reference(x_1, W0, W1, W2):
    # BondEncoder: sum of per-column embedding lookups
    idx = x_1.astype(jnp.int32)
    e0 = jnp.take(W0, idx[:, 0], axis=0)
    e1 = jnp.take(W1, idx[:, 1], axis=0)
    e2 = jnp.take(W2, idx[:, 2], axis=0)
    return e0 + e1 + e2

if __name__ == "__main__":
    import jax
    _d = setup_inputs()
    print(jax.jit(kernel)(*tuple(_d.values())))

</pallas_src>

<mosaic_0001>
#map = affine_map<(d0, d1) -> (0)>
#map1 = affine_map<(d0, d1) -> (0, 0)>
module attributes {stable_mosaic.version = 14 : i64} {
  func.func @_sc_body(%arg0: i32, %arg1: i32, %arg2: memref<960000xi32, #tpu.memory_space<hbm>>, %arg3: memref<60x128xf32, #tpu.memory_space<hbm>>, %arg4: memref<320000x128xf32, #tpu.memory_space<hbm>>, %arg5: memref<60x128xf32, #tpu.memory_space<vmem_shared>>, %arg6: memref<1200xi32, #tpu.memory_space<vmem>>, %arg7: memref<1200xi32, #tpu.memory_space<vmem>>, %arg8: memref<5x80xi32, #tpu.memory_space<vmem>>, %arg9: memref<5x80xi32, #tpu.memory_space<vmem>>, %arg10: memref<400x128xf32, #tpu.memory_space<vmem>>, %arg11: memref<400x128xf32, #tpu.memory_space<vmem>>, %arg12: memref<!tpu.dma_semaphore, #tpu.memory_space<semaphore_mem>>, %arg13: memref<!tpu.dma_semaphore, #tpu.memory_space<semaphore_mem>>, %arg14: memref<!tpu.dma_semaphore, #tpu.memory_space<semaphore_mem>>, %arg15: memref<!tpu.dma_semaphore, #tpu.memory_space<semaphore_mem>>, %arg16: memref<!tpu.dma_semaphore, #tpu.memory_space<semaphore_mem>>, %arg17: memref<!tpu.dma_semaphore, #tpu.memory_space<semaphore_mem>>) attributes {dimension_semantics = [#tpu.dimension_semantics<core_parallel>, #tpu.dimension_semantics<subcore_parallel>], iteration_bounds = array<i64: 2, 16>, scalar_prefetch = 0 : i64, scratch_operands = 13 : i64, tpu.core_type = #tpu.core_type<sc_vector_subcore>, window_params = [{transform_indices = #map}, {transform_indices = #map1}, {transform_indices = #map1}]} {
    %mul3A = arith.constant 2 : i32
    %mul3A_0 = arith.muli %arg1, %mul3A : i32
    %add3A = arith.addi %mul3A_0, %arg0 : i32
    %mul3A_1 = arith.constant 10000 : i32
    %mul3A_2 = arith.muli %add3A, %mul3A_1 : i32
    %iota3A = tpu.iota {dimensions = array<i32: 0>} : vector<16xi32>
    %eq3A = arith.constant 0 : i32
    %eq3A_3 = arith.cmpi eq, %arg1, %eq3A : i32
    %convert_element_type3A = arith.extui %eq3A_3 : i1 to i32
    %cond3A = arith.constant 0 : i32
    %cond3A_4 = arith.cmpi ne, %convert_element_type3A, %cond3A : i32
    scf.if %cond3A_4 {
      "tpu.region"() ({
        %run_scoped3A = tpu.sem_alloc : memref<!tpu.dma_semaphore, #tpu.memory_space<semaphore_mem>>
        tpu.enqueue_dma source(%arg3 : memref<60x128xf32, #tpu.memory_space<hbm>>) target(%arg5 : memref<60x128xf32, #tpu.memory_space<vmem_shared>>) target_semaphore(%run_scoped3A : memref<!tpu.dma_semaphore, #tpu.memory_space<semaphore_mem>>)
        tpu.wait_dma2 semaphore(%run_scoped3A : memref<!tpu.dma_semaphore, #tpu.memory_space<semaphore_mem>>) src(%arg3 : memref<60x128xf32, #tpu.memory_space<hbm>>) dst(%arg5 : memref<60x128xf32, #tpu.memory_space<vmem_shared>>)
        tpu.yield
      }) : () -> ()
    } else {
    }
    %barrier3A = arith.constant 0 : index
    tpu.barrier barrier_id(%barrier3A)
    %add3A_5 = arith.constant 0 : i32
    %add3A_6 = arith.addi %add3A_5, %mul3A_2 : i32
    %add3A_7 = arith.constant 0 : i32
    %add3A_8 = arith.addi %add3A_6, %add3A_7 : i32
    %dma_start3A = arith.constant 0 : i32
    %dma_start3A_9 = tpu.memref_slice %arg6[%dma_start3A] : memref<1200xi32, #tpu.memory_space<vmem>> -> memref<400xi32, #tpu.memory_space<vmem>>
    %dma_start3A_10 = tpu.memref_slice %arg2[%add3A_8] : memref<960000xi32, #tpu.memory_space<hbm>> -> memref<400xi32, #tpu.memory_space<hbm>>
    %dma_start3A_11 = arith.constant 0 : i32
    %dma_start3A_12 = tpu.memref_slice %arg6[%dma_start3A_11] : memref<1200xi32, #tpu.memory_space<vmem>> -> memref<400xi32, #tpu.memory_space<vmem>>
    %dma_start3A_13 = tpu.memref_slice %arg2[%add3A_8] : memref<960000xi32, #tpu.memory_space<hbm>> -> memref<400xi32, #tpu.memory_space<hbm>>
    tpu.enqueue_dma source(%dma_start3A_13 : memref<400xi32, #tpu.memory_space<hbm>>) target(%dma_start3A_12 : memref<400xi32, #tpu.memory_space<vmem>>) target_semaphore(%arg12 : memref<!tpu.dma_semaphore, #tpu.memory_space<semaphore_mem>>)
    %add3A_14 = arith.constant 320000 : i32
    %add3A_15 = arith.addi %add3A_14, %mul3A_2 : i32
    %add3A_16 = arith.constant 0 : i32
    %add3A_17 = arith.addi %add3A_15, %add3A_16 : i32
    %dma_start3A_18 = arith.constant 400 : i32
    %dma_start3A_19 = tpu.memref_slice %arg6[%dma_start3A_18] : memref<1200xi32, #tpu.memory_space<vmem>> -> memref<400xi32, #tpu.memory_space<vmem>>
    %dma_start3A_20 = tpu.memref_slice %arg2[%add3A_17] : memref<960000xi32, #tpu.memory_space<hbm>> -> memref<400xi32, #tpu.memory_space<hbm>>
    %dma_start3A_21 = arith.constant 400 : i32
    %dma_start3A_22 = tpu.memref_slice %arg6[%dma_start3A_21] : memref<1200xi32, #tpu.memory_space<vmem>> -> memref<400xi32, #tpu.memory_space<vmem>>
    %dma_start3A_23 = tpu.memref_slice %arg2[%add3A_17] : memref<960000xi32, #tpu.memory_space<hbm>> -> memref<400xi32, #tpu.memory_space<hbm>>
    tpu.enqueue_dma source(%dma_start3A_23 : memref<400xi32, #tpu.memory_space<hbm>>) target(%dma_start3A_22 : memref<400xi32, #tpu.memory_space<vmem>>) target_semaphore(%arg12 : memref<!tpu.dma_semaphore, #tpu.memory_space<semaphore_mem>>)
    %add3A_24 = arith.constant 640000 : i32
    %add3A_25 = arith.addi %add3A_24, %mul3A_2 : i32
    %add3A_26 = arith.constant 0 : i32
    %add3A_27 = arith.addi %add3A_25, %add3A_26 : i32
    %dma_start3A_28 = arith.constant 800 : i32
    %dma_start3A_29 = tpu.memref_slice %arg6[%dma_start3A_28] : memref<1200xi32, #tpu.memory_space<vmem>> -> memref<400xi32, #tpu.memory_space<vmem>>
    %dma_start3A_30 = tpu.memref_slice %arg2[%add3A_27] : memref<960000xi32, #tpu.memory_space<hbm>> -> memref<400xi32, #tpu.memory_space<hbm>>
    %dma_start3A_31 = arith.constant 800 : i32
    %dma_start3A_32 = tpu.memref_slice %arg6[%dma_start3A_31] : memref<1200xi32, #tpu.memory_space<vmem>> -> memref<400xi32, #tpu.memory_space<vmem>>
    %dma_start3A_33 = tpu.memref_slice %arg2[%add3A_27] : memref<960000xi32, #tpu.memory_space<hbm>> -> memref<400xi32, #tpu.memory_space<hbm>>
    tpu.enqueue_dma source(%dma_start3A_33 : memref<400xi32, #tpu.memory_space<hbm>>) target(%dma_start3A_32 : memref<400xi32, #tpu.memory_space<vmem>>) target_semaphore(%arg12 : memref<!tpu.dma_semaphore, #tpu.memory_space<semaphore_mem>>)
    %add3A_34 = arith.constant 0 : i32
    %add3A_35 = arith.addi %add3A_34, %mul3A_2 : i32
    %add3A_36 = arith.constant 400 : i32
    %add3A_37 = arith.addi %add3A_35, %add3A_36 : i32
    %dma_start3A_38 = arith.constant 0 : i32
    %dma_start3A_39 = tpu.memref_slice %arg7[%dma_start3A_38] : memref<1200xi32, #tpu.memory_space<vmem>> -> memref<400xi32, #tpu.memory_space<vmem>>
    %dma_start3A_40 = tpu.memref_slice %arg2[%add3A_37] : memref<960000xi32, #tpu.memory_space<hbm>> -> memref<400xi32, #tpu.memory_space<hbm>>
    %dma_start3A_41 = arith.constant 0 : i32
    %dma_start3A_42 = tpu.memref_slice %arg7[%dma_start3A_41] : memref<1200xi32, #tpu.memory_space<vmem>> -> memref<400xi32, #tpu.memory_space<vmem>>
    %dma_start3A_43 = tpu.memref_slice %arg2[%add3A_37] : memref<960000xi32, #tpu.memory_space<hbm>> -> memref<400xi32, #tpu.memory_space<hbm>>
    tpu.enqueue_dma source(%dma_start3A_43 : memref<400xi32, #tpu.memory_space<hbm>>) target(%dma_start3A_42 : memref<400xi32, #tpu.memory_space<vmem>>) target_semaphore(%arg13 : memref<!tpu.dma_semaphore, #tpu.memory_space<semaphore_mem>>)
    %add3A_44 = arith.constant 320000 : i32
    %add3A_45 = arith.addi %add3A_44, %mul3A_2 : i32
    %add3A_46 = arith.constant 400 : i32
    %add3A_47 = arith.addi %add3A_45, %add3A_46 : i32
    %dma_start3A_48 = arith.constant 400 : i32
    %dma_start3A_49 = tpu.memref_slice %arg7[%dma_start3A_48] : memref<1200xi32, #tpu.memory_space<vmem>> -> memref<400xi32, #tpu.memory_space<vmem>>
    %dma_start3A_50 = tpu.memref_slice %arg2[%add3A_47] : memref<960000xi32, #tpu.memory_space<hbm>> -> memref<400xi32, #tpu.memory_space<hbm>>
    %dma_start3A_51 = arith.constant 400 : i32
    %dma_start3A_52 = tpu.memref_slice %arg7[%dma_start3A_51] : memref<1200xi32, #tpu.memory_space<vmem>> -> memref<400xi32, #tpu.memory_space<vmem>>
    %dma_start3A_53 = tpu.memref_slice %arg2[%add3A_47] : memref<960000xi32, #tpu.memory_space<hbm>> -> memref<400xi32, #tpu.memory_space<hbm>>
    tpu.enqueue_dma source(%dma_start3A_53 : memref<400xi32, #tpu.memory_space<hbm>>) target(%dma_start3A_52 : memref<400xi32, #tpu.memory_space<vmem>>) target_semaphore(%arg13 : memref<!tpu.dma_semaphore, #tpu.memory_space<semaphore_mem>>)
    %add3A_54 = arith.constant 640000 : i32
    %add3A_55 = arith.addi %add3A_54, %mul3A_2 : i32
    %add3A_56 = arith.constant 400 : i32
    %add3A_57 = arith.addi %add3A_55, %add3A_56 : i32
    %dma_start3A_58 = arith.constant 800 : i32
    %dma_start3A_59 = tpu.memref_slice %arg7[%dma_start3A_58] : memref<1200xi32, #tpu.memory_space<vmem>> -> memref<400xi32, #tpu.memory_space<vmem>>
    %dma_start3A_60 = tpu.memref_slice %arg2[%add3A_57] : memref<960000xi32, #tpu.memory_space<hbm>> -> memref<400xi32, #tpu.memory_space<hbm>>
    %dma_start3A_61 = arith.constant 800 : i32
    %dma_start3A_62 = tpu.memref_slice %arg7[%dma_start3A_61] : memref<1200xi32, #tpu.memory_space<vmem>> -> memref<400xi32, #tpu.memory_space<vmem>>
    %dma_start3A_63 = tpu.memref_slice %arg2[%add3A_57] : memref<960000xi32, #tpu.memory_space<hbm>> -> memref<400xi32, #tpu.memory_space<hbm>>
    tpu.enqueue_dma source(%dma_start3A_63 : memref<400xi32, #tpu.memory_space<hbm>>) target(%dma_start3A_62 : memref<400xi32, #tpu.memory_space<vmem>>) target_semaphore(%arg13 : memref<!tpu.dma_semaphore, #tpu.memory_space<semaphore_mem>>)
    %add3A_64 = arith.constant 0 : i32
    %add3A_65 = arith.addi %add3A_64, %mul3A_2 : i32
    %add3A_66 = arith.constant 0 : i32
    %add3A_67 = arith.addi %add3A_65, %add3A_66 : i32
    %dma_wait3A = arith.constant 0 : i32
    %dma_wait3A_68 = tpu.memref_slice %arg6[%dma_wait3A] : memref<1200xi32, #tpu.memory_space<vmem>> -> memref<400xi32, #tpu.memory_space<vmem>>
    %dma_wait3A_69 = tpu.memref_slice %arg2[%add3A_67] : memref<960000xi32, #tpu.memory_space<hbm>> -> memref<400xi32, #tpu.memory_space<hbm>>
    %dma_wait3A_70 = arith.constant 0 : i32
    %dma_wait3A_71 = tpu.memref_slice %arg6[%dma_wait3A_70] : memref<1200xi32, #tpu.memory_space<vmem>> -> memref<400xi32, #tpu.memory_space<vmem>>
    %dma_wait3A_72 = tpu.memref_slice %arg2[%add3A_67] : memref<960000xi32, #tpu.memory_space<hbm>> -> memref<400xi32, #tpu.memory_space<hbm>>
    tpu.wait_dma2 semaphore(%arg12 : memref<!tpu.dma_semaphore, #tpu.memory_space<semaphore_mem>>) src(%dma_wait3A_72 : memref<400xi32, #tpu.memory_space<hbm>>) dst(%dma_wait3A_71 : memref<400xi32, #tpu.memory_space<vmem>>)
    %add3A_73 = arith.constant 320000 : i32
    %add3A_74 = arith.addi %add3A_73, %mul3A_2 : i32
    %add3A_75 = arith.constant 0 : i32
    %add3A_76 = arith.addi %add3A_74, %add3A_75 : i32
    %dma_wait3A_77 = arith.constant 400 : i32
    %dma_wait3A_78 = tpu.memref_slice %arg6[%dma_wait3A_77] : memref<1200xi32, #tpu.memory_space<vmem>> -> memref<400xi32, #tpu.memory_space<vmem>>
    %dma_wait3A_79 = tpu.memref_slice %arg2[%add3A_76] : memref<960000xi32, #tpu.memory_space<hbm>> -> memref<400xi32, #tpu.memory_space<hbm>>
    %dma_wait3A_80 = arith.constant 400 : i32
    %dma_wait3A_81 = tpu.memref_slice %arg6[%dma_wait3A_80] : memref<1200xi32, #tpu.memory_space<vmem>> -> memref<400xi32, #tpu.memory_space<vmem>>
    %dma_wait3A_82 = tpu.memref_slice %arg2[%add3A_76] : memref<960000xi32, #tpu.memory_space<hbm>> -> memref<400xi32, #tpu.memory_space<hbm>>
    tpu.wait_dma2 semaphore(%arg12 : memref<!tpu.dma_semaphore, #tpu.memory_space<semaphore_mem>>) src(%dma_wait3A_82 : memref<400xi32, #tpu.memory_space<hbm>>) dst(%dma_wait3A_81 : memref<400xi32, #tpu.memory_space<vmem>>)
    %add3A_83 = arith.constant 640000 : i32
    %add3A_84 = arith.addi %add3A_83, %mul3A_2 : i32
    %add3A_85 = arith.constant 0 : i32
    %add3A_86 = arith.addi %add3A_84, %add3A_85 : i32
    %dma_wait3A_87 = arith.constant 800 : i32
    %dma_wait3A_88 = tpu.memref_slice %arg6[%dma_wait3A_87] : memref<1200xi32, #tpu.memory_space<vmem>> -> memref<400xi32, #tpu.memory_space<vmem>>
    %dma_wait3A_89 = tpu.memref_slice %arg2[%add3A_86] : memref<960000xi32, #tpu.memory_space<hbm>> -> memref<400xi32, #tpu.memory_space<hbm>>
    %dma_wait3A_90 = arith.constant 800 : i32
    %dma_wait3A_91 = tpu.memref_slice %arg6[%dma_wait3A_90] : memref<1200xi32, #tpu.memory_space<vmem>> -> memref<400xi32, #tpu.memory_space<vmem>>
    %dma_wait3A_92 = tpu.memref_slice %arg2[%add3A_86] : memref<960000xi32, #tpu.memory_space<hbm>> -> memref<400xi32, #tpu.memory_space<hbm>>
    tpu.wait_dma2 semaphore(%arg12 : memref<!tpu.dma_semaphore, #tpu.memory_space<semaphore_mem>>) src(%dma_wait3A_92 : memref<400xi32, #tpu.memory_space<hbm>>) dst(%dma_wait3A_91 : memref<400xi32, #tpu.memory_space<vmem>>)
    %get3A = arith.constant 0 : index
    %get3A_93 = tpu.vector_load %arg6[%get3A] {strides = array<i32>} : memref<1200xi32, #tpu.memory_space<vmem>>, vector<16xi32>,
    %get3A_94 = arith.constant 400 : index
    %get3A_95 = tpu.vector_load %arg6[%get3A_94] {strides = array<i32>} : memref<1200xi32, #tpu.memory_space<vmem>>, vector<16xi32>,
    %get3A_96 = arith.constant 800 : index
    %get3A_97 = tpu.vector_load %arg6[%get3A_96] {strides = array<i32>} : memref<1200xi32, #tpu.memory_space<vmem>>, vector<16xi32>,
    %mul3A_98 = arith.constant 12 : i32
    %mul3A_99 = vector.broadcast %mul3A_98 : i32 to vector<16xi32>
    %mul3A_100 = arith.muli %get3A_93, %mul3A_99 : vector<16xi32>
    %mul3A_101 = arith.constant 2 : i32
    %mul3A_102 = vector.broadcast %mul3A_101 : i32 to vector<16xi32>
    %mul3A_103 = arith.muli %get3A_95, %mul3A_102 : vector<16xi32>
    %add3A_104 = arith.addi %mul3A_100, %mul3A_103 : vector<16xi32>
    %add3A_105 = arith.addi %add3A_104, %get3A_97 : vector<16xi32>
    %swap3A = arith.constant 0 : i32
    %swap3A_106 = arith.index_cast %swap3A : i32 to index
    %swap3A_107 = arith.constant 0 : index
    %swap3A_108 = tpu.vector_load %arg8[%swap3A_106, %swap3A_107] {strides = array<i32>} : memref<5x80xi32, #tpu.memory_space<vmem>>, vector<16xi32>,
    tpu.vector_store %arg8[%swap3A_106, %swap3A_107], %add3A_105 {strides = array<i32>} : memref<5x80xi32, #tpu.memory_space<vmem>>, vector<16xi32>,
    %get3A_109 = arith.constant 16 : index
    %get3A_110 = tpu.vector_load %arg6[%get3A_109] {strides = array<i32>} : memref<1200xi32, #tpu.memory_space<vmem>>, vector<16xi32>,
    %get3A_111 = arith.constant 416 : index
    %get3A_112 = tpu.vector_load %arg6[%get3A_111] {strides = array<i32>} : memref<1200xi32, #tpu.memory_space<vmem>>, vector<16xi32>,
    %get3A_113 = arith.constant 816 : index
    %get3A_114 = tpu.vector_load %arg6[%get3A_113] {strides = array<i32>} : memref<1200xi32, #tpu.memory_space<vmem>>, vector<16xi32>,
    %mul3A_115 = arith.constant 12 : i32
    %mul3A_116 = vector.broadcast %mul3A_115 : i32 to vector<16xi32>
    %mul3A_117 = arith.muli %get3A_110, %mul3A_116 : vector<16xi32>
    %mul3A_118 = arith.constant 2 : i32
    %mul3A_119 = vector.broadcast %mul3A_118 : i32 to vector<16xi32>
    %mul3A_120 = arith.muli %get3A_112, %mul3A_119 : vector<16xi32>
    %add3A_121 = arith.addi %mul3A_117, %mul3A_120 : vector<16xi32>
    %add3A_122 = arith.addi %add3A_121, %get3A_114 : vector<16xi32>
    %swap3A_123 = arith.constant 0 : i32
    %swap3A_124 = arith.index_cast %swap3A_123 : i32 to index
    %swap3A_125 = arith.constant 16 : index
    %swap3A_126 = tpu.vector_load %arg8[%swap3A_124, %swap3A_125] {strides = array<i32>} : memref<5x80xi32, #tpu.memory_space<vmem>>, vector<16xi32>,
    tpu.vector_store %arg8[%swap3A_124, %swap3A_125], %add3A_122 {strides = array<i32>} : memref<5x80xi32, #tpu.memory_space<vmem>>, vector<16xi32>,
    %get3A_127 = arith.constant 32 : index
    %get3A_128 = tpu.vector_load %arg6[%get3A_127] {strides = array<i32>} : memref<1200xi32, #tpu.memory_space<vmem>>, vector<16xi32>,
    %get3A_129 = arith.constant 432 : index
    %get3A_130 = tpu.vector_load %arg6[%get3A_129] {strides = array<i32>} : memref<1200xi32, #tpu.memory_space<vmem>>, vector<16xi32>,
    %get3A_131 = arith.constant 832 : index
    %get3A_132 = tpu.vector_load %arg6[%get3A_131] {strides = array<i32>} : memref<1200xi32, #tpu.memory_space<vmem>>, vector<16xi32>,
    %mul3A_133 = arith.constant 12 : i32
    %mul3A_134 = vector.broadcast %mul3A_133 : i32 to vector<16xi32>
    %mul3A_135 = arith.muli %get3A_128, %mul3A_134 : vector<16xi32>
    %mul3A_136 = arith.constant 2 : i32
    %mul3A_137 = vector.broadcast %mul3A_136 : i32 to vector<16xi32>
    %mul3A_138 = arith.muli %get3A_130, %mul3A_137 : vector<16xi32>
    %add3A_139 = arith.addi %mul3A_135, %mul3A_138 : vector<16xi32>
    %add3A_140 = arith.addi %add3A_139, %get3A_132 : vector<16xi32>
    %swap3A_141 = arith.constant 0 : i32
    %swap3A_142 = arith.index_cast %swap3A_141 : i32 to index
    %swap3A_143 = arith.constant 32 : index
    %swap3A_144 = tpu.vector_load %arg8[%swap3A_142, %swap3A_143] {strides = array<i32>} : memref<5x80xi32, #tpu.memory_space<vmem>>, vector<16xi32>,
    tpu.vector_store %arg8[%swap3A_142, %swap3A_143], %add3A_140 {strides = array<i32>} : memref<5x80xi32, #tpu.memory_space<vmem>>, vector<16xi32>,
    %get3A_145 = arith.constant 48 : index
    %get3A_146 = tpu.vector_load %arg6[%get3A_145] {strides = array<i32>} : memref<1200xi32, #tpu.memory_space<vmem>>, vector<16xi32>,
    %get3A_147 = arith.constant 448 : index
    %get3A_148 = tpu.vector_load %arg6[%get3A_147] {strides = array<i32>} : memref<1200xi32, #tpu.memory_space<vmem>>, vector<16xi32>,
    %get3A_149 = arith.constant 848 : index
    %get3A_150 = tpu.vector_load %arg6[%get3A_149] {strides = array<i32>} : memref<1200xi32, #tpu.memory_space<vmem>>, vector<16xi32>,
    %mul3A_151 = arith.constant 12 : i32
    %mul3A_152 = vector.broadcast %mul3A_151 : i32 to vector<16xi32>
    %mul3A_153 = arith.muli %get3A_146, %mul3A_152 : vector<16xi32>
    %mul3A_154 = arith.constant 2 : i32
    %mul3A_155 = vector.broadcast %mul3A_154 : i32 to vector<16xi32>
    %mul3A_156 = arith.muli %get3A_148, %mul3A_155 : vector<16xi32>
    %add3A_157 = arith.addi %mul3A_153, %mul3A_156 : vector<16xi32>
    %add3A_158 = arith.addi %add3A_157, %get3A_150 : vector<16xi32>
    %swap3A_159 = arith.constant 0 : i32
    %swap3A_160 = arith.index_cast %swap3A_159 : i32 to index
    %swap3A_161 = arith.constant 48 : index
    %swap3A_162 = tpu.vector_load %arg8[%swap3A_160, %swap3A_161] {strides = array<i32>} : memref<5x80xi32, #tpu.memory_space<vmem>>, vector<16xi32>,
    tpu.vector_store %arg8[%swap3A_160, %swap3A_161], %add3A_158 {strides = array<i32>} : memref<5x80xi32, #tpu.memory_space<vmem>>, vector<16xi32>,
    %get3A_163 = arith.constant 64 : index
    %get3A_164 = tpu.vector_load %arg6[%get3A_163] {strides = array<i32>} : memref<1200xi32, #tpu.memory_space<vmem>>, vector<16xi32>,
    %get3A_165 = arith.constant 464 : index
    %get3A_166 = tpu.vector_load %arg6[%get3A_165] {strides = array<i32>} : memref<1200xi32, #tpu.memory_space<vmem>>, vector<16xi32>,
    %get3A_167 = arith.constant 864 : index
    %get3A_168 = tpu.vector_load %arg6[%get3A_167] {strides = array<i32>} : memref<1200xi32, #tpu.memory_space<vmem>>, vector<16xi32>,
    %mul3A_169 = arith.constant 12 : i32
    %mul3A_170 = vector.broadcast %mul3A_169 : i32 to vector<16xi32>
    %mul3A_171 = arith.muli %get3A_164, %mul3A_170 : vector<16xi32>
    %mul3A_172 = arith.constant 2 : i32
    %mul3A_173 = vector.broadcast %mul3A_172 : i32 to vector<16xi32>
    %mul3A_174 = arith.muli %get3A_166, %mul3A_173 : vector<16xi32>
    %add3A_175 = arith.addi %mul3A_171, %mul3A_174 : vector<16xi32>
    %add3A_176 = arith.addi %add3A_175, %get3A_168 : vector<16xi32>
    %swap3A_177 = arith.constant 0 : i32
    %swap3A_178 = arith.index_cast %swap3A_177 : i32 to index
    %swap3A_179 = arith.constant 64 : index
    %swap3A_180 = tpu.vector_load %arg8[%swap3A_178, %swap3A_179] {strides = array<i32>} : memref<5x80xi32, #tpu.memory_space<vmem>>, vector<16xi32>,
    tpu.vector_store %arg8[%swap3A_178, %swap3A_179], %add3A_176 {strides = array<i32>} : memref<5x80xi32, #tpu.memory_space<vmem>>, vector<16xi32>,
    %get3A_181 = arith.constant 80 : index
    %get3A_182 = tpu.vector_load %arg6[%get3A_181] {strides = array<i32>} : memref<1200xi32, #tpu.memory_space<vmem>>, vector<16xi32>,
    %get3A_183 = arith.constant 480 : index
    %get3A_184 = tpu.vector_load %arg6[%get3A_183] {strides = array<i32>} : memref<1200xi32, #tpu.memory_space<vmem>>, vector<16xi32>,
    %get3A_185 = arith.constant 880 : index
    %get3A_186 = tpu.vector_load %arg6[%get3A_185] {strides = array<i32>} : memref<1200xi32, #tpu.memory_space<vmem>>, vector<16xi32>,
    %mul3A_187 = arith.constant 12 : i32
    %mul3A_188 = vector.broadcast %mul3A_187 : i32 to vector<16xi32>
    %mul3A_189 = arith.muli %get3A_182, %mul3A_188 : vector<16xi32>
    %mul3A_190 = arith.constant 2 : i32
    %mul3A_191 = vector.broadcast %mul3A_190 : i32 to vector<16xi32>
    %mul3A_192 = arith.muli %get3A_184, %mul3A_191 : vector<16xi32>
    %add3A_193 = arith.addi %mul3A_189, %mul3A_192 : vector<16xi32>
    %add3A_194 = arith.addi %add3A_193, %get3A_186 : vector<16xi32>
    %swap3A_195 = arith.constant 1 : i32
    %swap3A_196 = arith.index_cast %swap3A_195 : i32 to index
    %swap3A_197 = arith.constant 0 : index
    %swap3A_198 = tpu.vector_load %arg8[%swap3A_196, %swap3A_197] {strides = array<i32>} : memref<5x80xi32, #tpu.memory_space<vmem>>, vector<16xi32>,
    tpu.vector_store %arg8[%swap3A_196, %swap3A_197], %add3A_194 {strides = array<i32>} : memref<5x80xi32, #tpu.memory_space<vmem>>, vector<16xi32>,
    %get3A_199 = arith.constant 96 : index
    %get3A_200 = tpu.vector_load %arg6[%get3A_199] {strides = array<i32>} : memref<1200xi32, #tpu.memory_space<vmem>>, vector<16xi32>,
    %get3A_201 = arith.constant 496 : index
    %get3A_202 = tpu.vector_load %arg6[%get3A_201] {strides = array<i32>} : memref<1200xi32, #tpu.memory_space<vmem>>, vector<16xi32>,
    %get3A_203 = arith.constant 896 : index
    %get3A_204 = tpu.vector_load %arg6[%get3A_203] {strides = array<i32>} : memref<1200xi32, #tpu.memory_space<vmem>>, vector<16xi32>,
    %mul3A_205 = arith.constant 12 : i32
    %mul3A_206 = vector.broadcast %mul3A_205 : i32 to vector<16xi32>
    %mul3A_207 = arith.muli %get3A_200, %mul3A_206 : vector<16xi32>
    %mul3A_208 = arith.constant 2 : i32
    %mul3A_209 = vector.broadcast %mul3A_208 : i32 to vector<16xi32>
    %mul3A_210 = arith.muli %get3A_202, %mul3A_209 : vector<16xi32>
    %add3A_211 = arith.addi %mul3A_207, %mul3A_210 : vector<16xi32>
    %add3A_212 = arith.addi %add3A_211, %get3A_204 : vector<16xi32>
    %swap3A_213 = arith.constant 1 : i32
    %swap3A_214 = arith.index_cast %swap3A_213 : i32 to index
    %swap3A_215 = arith.constant 16 : index
    %swap3A_216 = tpu.vector_load %arg8[%swap3A_214, %swap3A_215] {strides = array<i32>} : memref<5x80xi32, #tpu.memory_space<vmem>>, vector<16xi32>,
    tpu.vector_store %arg8[%swap3A_214, %swap3A_215], %add3A_212 {strides = array<i32>} : memref<5x80xi32, #tpu.memory_space<vmem>>, vector<16xi32>,
    %get3A_217 = arith.constant 112 : index
    %get3A_218 = tpu.vector_load %arg6[%get3A_217] {strides = array<i32>} : memref<1200xi32, #tpu.memory_space<vmem>>, vector<16xi32>,
    %get3A_219 = arith.constant 512 : index
    %get3A_220 = tpu.vector_load %arg6[%get3A_219] {strides = array<i32>} : memref<1200xi32, #tpu.memory_space<vmem>>, vector<16xi32>,
    %get3A_221 = arith.constant 912 : index
    %get3A_222 = tpu.vector_load %arg6[%get3A_221] {strides = array<i32>} : memref<1200xi32, #tpu.memory_space<vmem>>, vector<16xi32>,
    %mul3A_223 = arith.constant 12 : i32
    %mul3A_224 = vector.broadcast %mul3A_223 : i32 to vector<16xi32>
    %mul3A_225 = arith.muli %get3A_218, %mul3A_224 : vector<16xi32>
    %mul3A_226 = arith.constant 2 : i32
    %mul3A_227 = vector.broadcast %mul3A_226 : i32 to vector<16xi32>
    %mul3A_228 = arith.muli %get3A_220, %mul3A_227 : vector<16xi32>
    %add3A_229 = arith.addi %mul3A_225, %mul3A_228 : vector<16xi32>
    %add3A_230 = arith.addi %add3A_229, %get3A_222 : vector<16xi32>
    %swap3A_231 = arith.constant 1 : i32
    %swap3A_232 = arith.index_cast %swap3A_231 : i32 to index
    %swap3A_233 = arith.constant 32 : index
    %swap3A_234 = tpu.vector_load %arg8[%swap3A_232, %swap3A_233] {strides = array<i32>} : memref<5x80xi32, #tpu.memory_space<vmem>>, vector<16xi32>,
    tpu.vector_store %arg8[%swap3A_232, %swap3A_233], %add3A_230 {strides = array<i32>} : memref<5x80xi32, #tpu.memory_space<vmem>>, vector<16xi32>,
    %get3A_235 = arith.constant 128 : index
    %get3A_236 = tpu.vector_load %arg6[%get3A_235] {strides = array<i32>} : memref<1200xi32, #tpu.memory_space<vmem>>, vector<16xi32>,
    %get3A_237 = arith.constant 528 : index
    %get3A_238 = tpu.vector_load %arg6[%get3A_237] {strides = array<i32>} : memref<1200xi32, #tpu.memory_space<vmem>>, vector<16xi32>,
    %get3A_239 = arith.constant 928 : index
    %get3A_240 = tpu.vector_load %arg6[%get3A_239] {strides = array<i32>} : memref<1200xi32, #tpu.memory_space<vmem>>, vector<16xi32>,
    %mul3A_241 = arith.constant 12 : i32
    %mul3A_242 = vector.broadcast %mul3A_241 : i32 to vector<16xi32>
    %mul3A_243 = arith.muli %get3A_236, %mul3A_242 : vector<16xi32>
    %mul3A_244 = arith.constant 2 : i32
    %mul3A_245 = vector.broadcast %mul3A_244 : i32 to vector<16xi32>
    %mul3A_246 = arith.muli %get3A_238, %mul3A_245 : vector<16xi32>
    %add3A_247 = arith.addi %mul3A_243, %mul3A_246 : vector<16xi32>
    %add3A_248 = arith.addi %add3A_247, %get3A_240 : vector<16xi32>
    %swap3A_249 = arith.constant 1 : i32
    %swap3A_250 = arith.index_cast %swap3A_249 : i32 to index
    %swap3A_251 = arith.constant 48 : index
    %swap3A_252 = tpu.vector_load %arg8[%swap3A_250, %swap3A_251] {strides = array<i32>} : memref<5x80xi32, #tpu.memory_space<vmem>>, vector<16xi32>,
    tpu.vector_store %arg8[%swap3A_250, %swap3A_251], %add3A_248 {strides = array<i32>} : memref<5x80xi32, #tpu.memory_space<vmem>>, vector<16xi32>,
    %get3A_253 = arith.constant 144 : index
    %get3A_254 = tpu.vector_load %arg6[%get3A_253] {strides = array<i32>} : memref<1200xi32, #tpu.memory_space<vmem>>, vector<16xi32>,
    %get3A_255 = arith.constant 544 : index
    %get3A_256 = tpu.vector_load %arg6[%get3A_255] {strides = array<i32>} : memref<1200xi32, #tpu.memory_space<vmem>>, vector<16xi32>,
    %get3A_257 = arith.constant 944 : index
    %get3A_258 = tpu.vector_load %arg6[%get3A_257] {strides = array<i32>} : memref<1200xi32, #tpu.memory_space<vmem>>, vector<16xi32>,
    %mul3A_259 = arith.constant 12 : i32
    %mul3A_260 = vector.broadcast %mul3A_259 : i32 to vector<16xi32>
    %mul3A_261 = arith.muli %get3A_254, %mul3A_260 : vector<16xi32>
    %mul3A_262 = arith.constant 2 : i32
    %mul3A_263 = vector.broadcast %mul3A_262 : i32 to vector<16xi32>
    %mul3A_264 = arith.muli %get3A_256, %mul3A_263 : vector<16xi32>
    %add3A_265 = arith.addi %mul3A_261, %mul3A_264 : vector<16xi32>
    %add3A_266 = arith.addi %add3A_265, %get3A_258 : vector<16xi32>
    %swap3A_267 = arith.constant 1 : i32
    %swap3A_268 = arith.index_cast %swap3A_267 : i32 to index
    %swap3A_269 = arith.constant 64 : index
    %swap3A_270 = tpu.vector_load %arg8[%swap3A_268, %swap3A_269] {strides = array<i32>} : memref<5x80xi32, #tpu.memory_space<vmem>>, vector<16xi32>,
    tpu.vector_store %arg8[%swap3A_268, %swap3A_269], %add3A_266 {strides = array<i32>} : memref<5x80xi32, #tpu.memory_space<vmem>>, vector<16xi32>,
    %get3A_271 = arith.constant 160 : index
    %get3A_272 = tpu.vector_load %arg6[%get3A_271] {strides = array<i32>} : memref<1200xi32, #tpu.memory_space<vmem>>, vector<16xi32>,
    %get3A_273 = arith.constant 560 : index
    %get3A_274 = tpu.vector_load %arg6[%get3A_273] {strides = array<i32>} : memref<1200xi32, #tpu.memory_space<vmem>>, vector<16xi32>,
    %get3A_275 = arith.constant 960 : index
    %get3A_276 = tpu.vector_load %arg6[%get3A_275] {strides = array<i32>} : memref<1200xi32, #tpu.memory_space<vmem>>, vector<16xi32>,
    %mul3A_277 = arith.constant 12 : i32
    %mul3A_278 = vector.broadcast %mul3A_277 : i32 to vector<16xi32>
    %mul3A_279 = arith.muli %get3A_272, %mul3A_278 : vector<16xi32>
    %mul3A_280 = arith.constant 2 : i32
    %mul3A_281 = vector.broadcast %mul3A_280 : i32 to vector<16xi32>
    %mul3A_282 = arith.muli %get3A_274, %mul3A_281 : vector<16xi32>
    %add3A_283 = arith.addi %mul3A_279, %mul3A_282 : vector<16xi32>
    %add3A_284 = arith.addi %add3A_283, %get3A_276 : vector<16xi32>
    %swap3A_285 = arith.constant 2 : i32
    %swap3A_286 = arith.index_cast %swap3A_285 : i32 to index
    %swap3A_287 = arith.constant 0 : index
    %swap3A_288 = tpu.vector_load %arg8[%swap3A_286, %swap3A_287] {strides = array<i32>} : memref<5x80xi32, #tpu.memory_space<vmem>>, vector<16xi32>,
    tpu.vector_store %arg8[%swap3A_286, %swap3A_287], %add3A_284 {strides = array<i32>} : memref<5x80xi32, #tpu.memory_space<vmem>>, vector<16xi32>,
    %get3A_289 = arith.constant 176 : index
    %get3A_290 = tpu.vector_load %arg6[%get3A_289] {strides = array<i32>} : memref<1200xi32, #tpu.memory_space<vmem>>, vector<16xi32>,
    %get3A_291 = arith.constant 576 : index
    %get3A_292 = tpu.vector_load %arg6[%get3A_291] {strides = array<i32>} : memref<1200xi32, #tpu.memory_space<vmem>>, vector<16xi32>,
    %get3A_293 = arith.constant 976 : index
    %get3A_294 = tpu.vector_load %arg6[%get3A_293] {strides = array<i32>} : memref<1200xi32, #tpu.memory_space<vmem>>, vector<16xi32>,
    %mul3A_295 = arith.constant 12 : i32
    %mul3A_296 = vector.broadcast %mul3A_295 : i32 to vector<16xi32>
    %mul3A_297 = arith.muli %get3A_290, %mul3A_296 : vector<16xi32>
    %mul3A_298 = arith.constant 2 : i32
    %mul3A_299 = vector.broadcast %mul3A_298 : i32 to vector<16xi32>
    %mul3A_300 = arith.muli %get3A_292, %mul3A_299 : vector<16xi32>
    %add3A_301 = arith.addi %mul3A_297, %mul3A_300 : vector<16xi32>
    %add3A_302 = arith.addi %add3A_301, %get3A_294 : vector<16xi32>
    %swap3A_303 = arith.constant 2 : i32
    %swap3A_304 = arith.index_cast %swap3A_303 : i32 to index
    %swap3A_305 = arith.constant 16 : index
    %swap3A_306 = tpu.vector_load %arg8[%swap3A_304, %swap3A_305] {strides = array<i32>} : memref<5x80xi32, #tpu.memory_space<vmem>>, vector<16xi32>,
    tpu.vector_store %arg8[%swap3A_304, %swap3A_305], %add3A_302 {strides = array<i32>} : memref<5x80xi32, #tpu.memory_space<vmem>>, vector<16xi32>,
    %get3A_307 = arith.constant 192 : index
    %get3A_308 = tpu.vector_load %arg6[%get3A_307] {strides = array<i32>} : memref<1200xi32, #tpu.memory_space<vmem>>, vector<16xi32>,
    %get3A_309 = arith.constant 592 : index
    %get3A_310 = tpu.vector_load %arg6[%get3A_309] {strides = array<i32>} : memref<1200xi32, #tpu.memory_space<vmem>>, vector<16xi32>,
    %get3A_311 = arith.constant 992 : index
    %get3A_312 = tpu.vector_load %arg6[%get3A_311] {strides = array<i32>} : memref<1200xi32, #tpu.memory_space<vmem>>, vector<16xi32>,
    %mul3A_313 = arith.constant 12 : i32
    %mul3A_314 = vector.broadcast %mul3A_313 : i32 to vector<16xi32>
    %mul3A_315 = arith.muli %get3A_308, %mul3A_314 : vector<16xi32>
    %mul3A_316 = arith.constant 2 : i32
    %mul3A_317 = vector.broadcast %mul3A_316 : i32 to vector<16xi32>
    %mul3A_318 = arith.muli %get3A_310, %mul3A_317 : vector<16xi32>
    %add3A_319 = arith.addi %mul3A_315, %mul3A_318 : vector<16xi32>
    %add3A_320 = arith.addi %add3A_319, %get3A_312 : vector<16xi32>
    %swap3A_321 = arith.constant 2 : i32
    %swap3A_322 = arith.index_cast %swap3A_321 : i32 to index
    %swap3A_323 = arith.constant 32 : index
    %swap3A_324 = tpu.vector_load %arg8[%swap3A_322, %swap3A_323] {strides = array<i32>} : memref<5x80xi32, #tpu.memory_space<vmem>>, vector<16xi32>,
    tpu.vector_store %arg8[%swap3A_322, %swap3A_323], %add3A_320 {strides = array<i32>} : memref<5x80xi32, #tpu.memory_space<vmem>>, vector<16xi32>,
    %get3A_325 = arith.constant 208 : index
    %get3A_326 = tpu.vector_load %arg6[%get3A_325] {strides = array<i32>} : memref<1200xi32, #tpu.memory_space<vmem>>, vector<16xi32>,
    %get3A_327 = arith.constant 608 : index
    %get3A_328 = tpu.vector_load %arg6[%get3A_327] {strides = array<i32>} : memref<1200xi32, #tpu.memory_space<vmem>>, vector<16xi32>,
    %get3A_329 = arith.constant 1008 : index
    %get3A_330 = tpu.vector_load %arg6[%get3A_329] {strides = array<i32>} : memref<1200xi32, #tpu.memory_space<vmem>>, vector<16xi32>,
    %mul3A_331 = arith.constant 12 : i32
    %mul3A_332 = vector.broadcast %mul3A_331 : i32 to vector<16xi32>
    %mul3A_333 = arith.muli %get3A_326, %mul3A_332 : vector<16xi32>
    %mul3A_334 = arith.constant 2 : i32
    %mul3A_335 = vector.broadcast %mul3A_334 : i32 to vector<16xi32>
    %mul3A_336 = arith.muli %get3A_328, %mul3A_335 : vector<16xi32>
    %add3A_337 = arith.addi %mul3A_333, %mul3A_336 : vector<16xi32>
    %add3A_338 = arith.addi %add3A_337, %get3A_330 : vector<16xi32>
    %swap3A_339 = arith.constant 2 : i32
    %swap3A_340 = arith.index_cast %swap3A_339 : i32 to index
    %swap3A_341 = arith.constant 48 : index
    %swap3A_342 = tpu.vector_load %arg8[%swap3A_340, %swap3A_341] {strides = array<i32>} : memref<5x80xi32, #tpu.memory_space<vmem>>, vector<16xi32>,
    tpu.vector_store %arg8[%swap3A_340, %swap3A_341], %add3A_338 {strides = array<i32>} : memref<5x80xi32, #tpu.memory_space<vmem>>, vector<16xi32>,
    %get3A_343 = arith.constant 224 : index
    %get3A_344 = tpu.vector_load %arg6[%get3A_343] {strides = array<i32>} : memref<1200xi32, #tpu.memory_space<vmem>>, vector<16xi32>,
    %get3A_345 = arith.constant 624 : index
    %get3A_346 = tpu.vector_load %arg6[%get3A_345] {strides = array<i32>} : memref<1200xi32, #tpu.memory_space<vmem>>, vector<16xi32>,
    %get3A_347 = arith.constant 1024 : index
    %get3A_348 = tpu.vector_load %arg6[%get3A_347] {strides = array<i32>} : memref<1200xi32, #tpu.memory_space<vmem>>, vector<16xi32>,
    %mul3A_349 = arith.constant 12 : i32
    %mul3A_350 = vector.broadcast %mul3A_349 : i32 to vector<16xi32>
    %mul3A_351 = arith.muli %get3A_344, %mul3A_350 : vector<16xi32>
    %mul3A_352 = arith.constant 2 : i32
    %mul3A_353 = vector.broadcast %mul3A_352 : i32 to vector<16xi32>
    %mul3A_354 = arith.muli %get3A_346, %mul3A_353 : vector<16xi32>
    %add3A_355 = arith.addi %mul3A_351, %mul3A_354 : vector<16xi32>
    %add3A_356 = arith.addi %add3A_355, %get3A_348 : vector<16xi32>
    %swap3A_357 = arith.constant 2 : i32
    %swap3A_358 = arith.index_cast %swap3A_357 : i32 to index
    %swap3A_359 = arith.constant 64 : index
    %swap3A_360 = tpu.vector_load %arg8[%swap3A_358, %swap3A_359] {strides = array<i32>} : memref<5x80xi32, #tpu.memory_space<vmem>>, vector<16xi32>,
    tpu.vector_store %arg8[%swap3A_358, %swap3A_359], %add3A_356 {strides = array<i32>} : memref<5x80xi32, #tpu.memory_space<vmem>>, vector<16xi32>,
    %get3A_361 = arith.constant 240 : index
    %get3A_362 = tpu.vector_load %arg6[%get3A_361] {strides = array<i32>} : memref<1200xi32, #tpu.memory_space<vmem>>, vector<16xi32>,
    %get3A_363 = arith.constant 640 : index
    %get3A_364 = tpu.vector_load %arg6[%get3A_363] {strides = array<i32>} : memref<1200xi32, #tpu.memory_space<vmem>>, vector<16xi32>,
    %get3A_365 = arith.constant 1040 : index
    %get3A_366 = tpu.vector_load %arg6[%get3A_365] {strides = array<i32>} : memref<1200xi32, #tpu.memory_space<vmem>>, vector<16xi32>,
    %mul3A_367 = arith.constant 12 : i32
    %mul3A_368 = vector.broadcast %mul3A_367 : i32 to vector<16xi32>
    %mul3A_369 = arith.muli %get3A_362, %mul3A_368 : vector<16xi32>
    %mul3A_370 = arith.constant 2 : i32
    %mul3A_371 = vector.broadcast %mul3A_370 : i32 to vector<16xi32>
    %mul3A_372 = arith.muli %get3A_364, %mul3A_371 : vector<16xi32>
    %add3A_373 = arith.addi %mul3A_369, %mul3A_372 : vector<16xi32>
    %add3A_374 = arith.addi %add3A_373, %get3A_366 : vector<16xi32>
    %swap3A_375 = arith.constant 3 : i32
    %swap3A_376 = arith.index_cast %swap3A_375 : i32 to index
    %swap3A_377 = arith.constant 0 : index
    %swap3A_378 = tpu.vector_load %arg8[%swap3A_376, %swap3A_377] {strides = array<i32>} : memref<5x80xi32, #tpu.memory_space<vmem>>, vector<16xi32>,
    tpu.vector_store %arg8[%swap3A_376, %swap3A_377], %add3A_374 {strides = array<i32>} : memref<5x80xi32, #tpu.memory_space<vmem>>, vector<16xi32>,
    %get3A_379 = arith.constant 256 : index
    %get3A_380 = tpu.vector_load %arg6[%get3A_379] {strides = array<i32>} : memref<1200xi32, #tpu.memory_space<vmem>>, vector<16xi32>,
    %get3A_381 = arith.constant 656 : index
    %get3A_382 = tpu.vector_load %arg6[%get3A_381] {strides = array<i32>} : memref<1200xi32, #tpu.memory_space<vmem>>, vector<16xi32>,
    %get3A_383 = arith.constant 1056 : index
    %get3A_384 = tpu.vector_load %arg6[%get3A_383] {strides = array<i32>} : memref<1200xi32, #tpu.memory_space<vmem>>, vector<16xi32>,
    %mul3A_385 = arith.constant 12 : i32
    %mul3A_386 = vector.broadcast %mul3A_385 : i32 to vector<16xi32>
    %mul3A_387 = arith.muli %get3A_380, %mul3A_386 : vector<16xi32>
    %mul3A_388 = arith.constant 2 : i32
    %mul3A_389 = vector.broadcast %mul3A_388 : i32 to vector<16xi32>
    %mul3A_390 = arith.muli %get3A_382, %mul3A_389 : vector<16xi32>
    %add3A_391 = arith.addi %mul3A_387, %mul3A_390 : vector<16xi32>
    %add3A_392 = arith.addi %add3A_391, %get3A_384 : vector<16xi32>
    %swap3A_393 = arith.constant 3 : i32
    %swap3A_394 = arith.index_cast %swap3A_393 : i32 to index
    %swap3A_395 = arith.constant 16 : index
    %swap3A_396 = tpu.vector_load %arg8[%swap3A_394, %swap3A_395] {strides = array<i32>} : memref<5x80xi32, #tpu.memory_space<vmem>>, vector<16xi32>,
    tpu.vector_store %arg8[%swap3A_394, %swap3A_395], %add3A_392 {strides = array<i32>} : memref<5x80xi32, #tpu.memory_space<vmem>>, vector<16xi32>,
    %get3A_397 = arith.constant 272 : index
    %get3A_398 = tpu.vector_load %arg6[%get3A_397] {strides = array<i32>} : memref<1200xi32, #tpu.memory_space<vmem>>, vector<16xi32>,
    %get3A_399 = arith.constant 672 : index
    %get3A_400 = tpu.vector_load %arg6[%get3A_399] {strides = array<i32>} : memref<1200xi32, #tpu.memory_space<vmem>>, vector<16xi32>,
    %get3A_401 = arith.constant 1072 : index
    %get3A_402 = tpu.vector_load %arg6[%get3A_401] {strides = array<i32>} : memref<1200xi32, #tpu.memory_space<vmem>>, vector<16xi32>,
    %mul3A_403 = arith.constant 12 : i32
    %mul3A_404 = vector.broadcast %mul3A_403 : i32 to vector<16xi32>
    %mul3A_405 = arith.muli %get3A_398, %mul3A_404 : vector<16xi32>
    %mul3A_406 = arith.constant 2 : i32
    %mul3A_407 = vector.broadcast %mul3A_406 : i32 to vector<16xi32>
    %mul3A_408 = arith.muli %get3A_400, %mul3A_407 : vector<16xi32>
    %add3A_409 = arith.addi %mul3A_405, %mul3A_408 : vector<16xi32>
    %add3A_410 = arith.addi %add3A_409, %get3A_402 : vector<16xi32>
    %swap3A_411 = arith.constant 3 : i32
    %swap3A_412 = arith.index_cast %swap3A_411 : i32 to index
    %swap3A_413 = arith.constant 32 : index
    %swap3A_414 = tpu.vector_load %arg8[%swap3A_412, %swap3A_413] {strides = array<i32>} : memref<5x80xi32, #tpu.memory_space<vmem>>, vector<16xi32>,
    tpu.vector_store %arg8[%swap3A_412, %swap3A_413], %add3A_410 {strides = array<i32>} : memref<5x80xi32, #tpu.memory_space<vmem>>, vector<16xi32>,
    %get3A_415 = arith.constant 288 : index
    %get3A_416 = tpu.vector_load %arg6[%get3A_415] {strides = array<i32>} : memref<1200xi32, #tpu.memory_space<vmem>>, vector<16xi32>,
    %get3A_417 = arith.constant 688 : index
    %get3A_418 = tpu.vector_load %arg6[%get3A_417] {strides = array<i32>} : memref<1200xi32, #tpu.memory_space<vmem>>, vector<16xi32>,
    %get3A_419 = arith.constant 1088 : index
    %get3A_420 = tpu.vector_load %arg6[%get3A_419] {strides = array<i32>} : memref<1200xi32, #tpu.memory_space<vmem>>, vector<16xi32>,
    %mul3A_421 = arith.constant 12 : i32
    %mul3A_422 = vector.broadcast %mul3A_421 : i32 to vector<16xi32>
    %mul3A_423 = arith.muli %get3A_416, %mul3A_422 : vector<16xi32>
    %mul3A_424 = arith.constant 2 : i32
    %mul3A_425 = vector.broadcast %mul3A_424 : i32 to vector<16xi32>
    %mul3A_426 = arith.muli %get3A_418, %mul3A_425 : vector<16xi32>
    %add3A_427 = arith.addi %mul3A_423, %mul3A_426 : vector<16xi32>
    %add3A_428 = arith.addi %add3A_427, %get3A_420 : vector<16xi32>
    %swap3A_429 = arith.constant 3 : i32
    %swap3A_430 = arith.index_cast %swap3A_429 : i32 to index
    %swap3A_431 = arith.constant 48 : index
    %swap3A_432 = tpu.vector_load %arg8[%swap3A_430, %swap3A_431] {strides = array<i32>} : memref<5x80xi32, #tpu.memory_space<vmem>>, vector<16xi32>,
    tpu.vector_store %arg8[%swap3A_430, %swap3A_431], %add3A_428 {strides = array<i32>} : memref<5x80xi32, #tpu.memory_space<vmem>>, vector<16xi32>,
    %get3A_433 = arith.constant 304 : index
    %get3A_434 = tpu.vector_load %arg6[%get3A_433] {strides = array<i32>} : memref<1200xi32, #tpu.memory_space<vmem>>, vector<16xi32>,
    %get3A_435 = arith.constant 704 : index
    %get3A_436 = tpu.vector_load %arg6[%get3A_435] {strides = array<i32>} : memref<1200xi32, #tpu.memory_space<vmem>>, vector<16xi32>,
    %get3A_437 = arith.constant 1104 : index
    %get3A_438 = tpu.vector_load %arg6[%get3A_437] {strides = array<i32>} : memref<1200xi32, #tpu.memory_space<vmem>>, vector<16xi32>,
    %mul3A_439 = arith.constant 12 : i32
    %mul3A_440 = vector.broadcast %mul3A_439 : i32 to vector<16xi32>
    %mul3A_441 = arith.muli %get3A_434, %mul3A_440 : vector<16xi32>
    %mul3A_442 = arith.constant 2 : i32
    %mul3A_443 = vector.broadcast %mul3A_442 : i32 to vector<16xi32>
    %mul3A_444 = arith.muli %get3A_436, %mul3A_443 : vector<16xi32>
    %add3A_445 = arith.addi %mul3A_441, %mul3A_444 : vector<16xi32>
    %add3A_446 = arith.addi %add3A_445, %get3A_438 : vector<16xi32>
    %swap3A_447 = arith.constant 3 : i32
    %swap3A_448 = arith.index_cast %swap3A_447 : i32 to index
    %swap3A_449 = arith.constant 64 : index
    %swap3A_450 = tpu.vector_load %arg8[%swap3A_448, %swap3A_449] {strides = array<i32>} : memref<5x80xi32, #tpu.memory_space<vmem>>, vector<16xi32>,
    tpu.vector_store %arg8[%swap3A_448, %swap3A_449], %add3A_446 {strides = array<i32>} : memref<5x80xi32, #tpu.memory_space<vmem>>, vector<16xi32>,
    %get3A_451 = arith.constant 320 : index
    %get3A_452 = tpu.vector_load %arg6[%get3A_451] {strides = array<i32>} : memref<1200xi32, #tpu.memory_space<vmem>>, vector<16xi32>,
    %get3A_453 = arith.constant 720 : index
    %get3A_454 = tpu.vector_load %arg6[%get3A_453] {strides = array<i32>} : memref<1200xi32, #tpu.memory_space<vmem>>, vector<16xi32>,
    %get3A_455 = arith.constant 1120 : index
    %get3A_456 = tpu.vector_load %arg6[%get3A_455] {strides = array<i32>} : memref<1200xi32, #tpu.memory_space<vmem>>, vector<16xi32>,
    %mul3A_457 = arith.constant 12 : i32
    %mul3A_458 = vector.broadcast %mul3A_457 : i32 to vector<16xi32>
    %mul3A_459 = arith.muli %get3A_452, %mul3A_458 : vector<16xi32>
    %mul3A_460 = arith.constant 2 : i32
    %mul3A_461 = vector.broadcast %mul3A_460 : i32 to vector<16xi32>
    %mul3A_462 = arith.muli %get3A_454, %mul3A_461 : vector<16xi32>
    %add3A_463 = arith.addi %mul3A_459, %mul3A_462 : vector<16xi32>
    %add3A_464 = arith.addi %add3A_463, %get3A_456 : vector<16xi32>
    %swap3A_465 = arith.constant 4 : i32
    %swap3A_466 = arith.index_cast %swap3A_465 : i32 to index
    %swap3A_467 = arith.constant 0 : index
    %swap3A_468 = tpu.vector_load %arg8[%swap3A_466, %swap3A_467] {strides = array<i32>} : memref<5x80xi32, #tpu.memory_space<vmem>>, vector<16xi32>,
    tpu.vector_store %arg8[%swap3A_466, %swap3A_467], %add3A_464 {strides = array<i32>} : memref<5x80xi32, #tpu.memory_space<vmem>>, vector<16xi32>,
    %get3A_469 = arith.constant 336 : index
    %get3A_470 = tpu.vector_load %arg6[%get3A_469] {strides = array<i32>} : memref<1200xi32, #tpu.memory_space<vmem>>, vector<16xi32>,
    %get3A_471 = arith.constant 736 : index
    %get3A_472 = tpu.vector_load %arg6[%get3A_471] {strides = array<i32>} : memref<1200xi32, #tpu.memory_space<vmem>>, vector<16xi32>,
    %get3A_473 = arith.constant 1136 : index
    %get3A_474 = tpu.vector_load %arg6[%get3A_473] {strides = array<i32>} : memref<1200xi32, #tpu.memory_space<vmem>>, vector<16xi32>,
    %mul3A_475 = arith.constant 12 : i32
    %mul3A_476 = vector.broadcast %mul3A_475 : i32 to vector<16xi32>
    %mul3A_477 = arith.muli %get3A_470, %mul3A_476 : vector<16xi32>
    %mul3A_478 = arith.constant 2 : i32
    %mul3A_479 = vector.broadcast %mul3A_478 : i32 to vector<16xi32>
    %mul3A_480 = arith.muli %get3A_472, %mul3A_479 : vector<16xi32>
    %add3A_481 = arith.addi %mul3A_477, %mul3A_480 : vector<16xi32>
    %add3A_482 = arith.addi %add3A_481, %get3A_474 : vector<16xi32>
    %swap3A_483 = arith.constant 4 : i32
    %swap3A_484 = arith.index_cast %swap3A_483 : i32 to index
    %swap3A_485 = arith.constant 16 : index
    %swap3A_486 = tpu.vector_load %arg8[%swap3A_484, %swap3A_485] {strides = array<i32>} : memref<5x80xi32, #tpu.memory_space<vmem>>, vector<16xi32>,
    tpu.vector_store %arg8[%swap3A_484, %swap3A_485], %add3A_482 {strides = array<i32>} : memref<5x80xi32, #tpu.memory_space<vmem>>, vector<16xi32>,
    %get3A_487 = arith.constant 352 : index
    %get3A_488 = tpu.vector_load %arg6[%get3A_487] {strides = array<i32>} : memref<1200xi32, #tpu.memory_space<vmem>>, vector<16xi32>,
    %get3A_489 = arith.constant 752 : index
    %get3A_490 = tpu.vector_load %arg6[%get3A_489] {strides = array<i32>} : memref<1200xi32, #tpu.memory_space<vmem>>, vector<16xi32>,
    %get3A_491 = arith.constant 1152 : index
    %get3A_492 = tpu.vector_load %arg6[%get3A_491] {strides = array<i32>} : memref<1200xi32, #tpu.memory_space<vmem>>, vector<16xi32>,
    %mul3A_493 = arith.constant 12 : i32
    %mul3A_494 = vector.broadcast %mul3A_493 : i32 to vector<16xi32>
    %mul3A_495 = arith.muli %get3A_488, %mul3A_494 : vector<16xi32>
    %mul3A_496 = arith.constant 2 : i32
    %mul3A_497 = vector.broadcast %mul3A_496 : i32 to vector<16xi32>
    %mul3A_498 = arith.muli %get3A_490, %mul3A_497 : vector<16xi32>
    %add3A_499 = arith.addi %mul3A_495, %mul3A_498 : vector<16xi32>
    %add3A_500 = arith.addi %add3A_499, %get3A_492 : vector<16xi32>
    %swap3A_501 = arith.constant 4 : i32
    %swap3A_502 = arith.index_cast %swap3A_501 : i32 to index
    %swap3A_503 = arith.constant 32 : index
    %swap3A_504 = tpu.vector_load %arg8[%swap3A_502, %swap3A_503] {strides = array<i32>} : memref<5x80xi32, #tpu.memory_space<vmem>>, vector<16xi32>,
    tpu.vector_store %arg8[%swap3A_502, %swap3A_503], %add3A_500 {strides = array<i32>} : memref<5x80xi32, #tpu.memory_space<vmem>>, vector<16xi32>,
    %get3A_505 = arith.constant 368 : index
    %get3A_506 = tpu.vector_load %arg6[%get3A_505] {strides = array<i32>} : memref<1200xi32, #tpu.memory_space<vmem>>, vector<16xi32>,
    %get3A_507 = arith.constant 768 : index
    %get3A_508 = tpu.vector_load %arg6[%get3A_507] {strides = array<i32>} : memref<1200xi32, #tpu.memory_space<vmem>>, vector<16xi32>,
    %get3A_509 = arith.constant 1168 : index
    %get3A_510 = tpu.vector_load %arg6[%get3A_509] {strides = array<i32>} : memref<1200xi32, #tpu.memory_space<vmem>>, vector<16xi32>,
    %mul3A_511 = arith.constant 12 : i32
    %mul3A_512 = vector.broadcast %mul3A_511 : i32 to vector<16xi32>
    %mul3A_513 = arith.muli %get3A_506, %mul3A_512 : vector<16xi32>
    %mul3A_514 = arith.constant 2 : i32
    %mul3A_515 = vector.broadcast %mul3A_514 : i32 to vector<16xi32>
    %mul3A_516 = arith.muli %get3A_508, %mul3A_515 : vector<16xi32>
    %add3A_517 = arith.addi %mul3A_513, %mul3A_516 : vector<16xi32>
    %add3A_518 = arith.addi %add3A_517, %get3A_510 : vector<16xi32>
    %swap3A_519 = arith.constant 4 : i32
    %swap3A_520 = arith.index_cast %swap3A_519 : i32 to index
    %swap3A_521 = arith.constant 48 : index
    %swap3A_522 = tpu.vector_load %arg8[%swap3A_520, %swap3A_521] {strides = array<i32>} : memref<5x80xi32, #tpu.memory_space<vmem>>, vector<16xi32>,
    tpu.vector_store %arg8[%swap3A_520, %swap3A_521], %add3A_518 {strides = array<i32>} : memref<5x80xi32, #tpu.memory_space<vmem>>, vector<16xi32>,
    %get3A_523 = arith.constant 384 : index
    %get3A_524 = tpu.vector_load %arg6[%get3A_523] {strides = array<i32>} : memref<1200xi32, #tpu.memory_space<vmem>>, vector<16xi32>,
    %get3A_525 = arith.constant 784 : index
    %get3A_526 = tpu.vector_load %arg6[%get3A_525] {strides = array<i32>} : memref<1200xi32, #tpu.memory_space<vmem>>, vector<16xi32>,
    %get3A_527 = arith.constant 1184 : index
    %get3A_528 = tpu.vector_load %arg6[%get3A_527] {strides = array<i32>} : memref<1200xi32, #tpu.memory_space<vmem>>, vector<16xi32>,
    %mul3A_529 = arith.constant 12 : i32
    %mul3A_530 = vector.broadcast %mul3A_529 : i32 to vector<16xi32>
    %mul3A_531 = arith.muli %get3A_524, %mul3A_530 : vector<16xi32>
    %mul3A_532 = arith.constant 2 : i32
    %mul3A_533 = vector.broadcast %mul3A_532 : i32 to vector<16xi32>
    %mul3A_534 = arith.muli %get3A_526, %mul3A_533 : vector<16xi32>
    %add3A_535 = arith.addi %mul3A_531, %mul3A_534 : vector<16xi32>
    %add3A_536 = arith.addi %add3A_535, %get3A_528 : vector<16xi32>
    %swap3A_537 = arith.constant 4 : i32
    %swap3A_538 = arith.index_cast %swap3A_537 : i32 to index
    %swap3A_539 = arith.constant 64 : index
    %swap3A_540 = tpu.vector_load %arg8[%swap3A_538, %swap3A_539] {strides = array<i32>} : memref<5x80xi32, #tpu.memory_space<vmem>>, vector<16xi32>,
    tpu.vector_store %arg8[%swap3A_538, %swap3A_539], %add3A_536 {strides = array<i32>} : memref<5x80xi32, #tpu.memory_space<vmem>>, vector<16xi32>,
    %dma_start3A_541 = arith.constant 0 : i32
    %dma_start3A_542 = arith.constant 0 : i32
    %dma_start3A_543 = arith.constant 0 : i32
    %dma_start3A_544 = tpu.memref_slice %arg10[%dma_start3A_542, %dma_start3A_543] : memref<400x128xf32, #tpu.memory_space<vmem>> -> memref<80x128xf32, #tpu.memory_space<vmem>>
    %dma_start3A_545 = arith.constant 0 : i32
    %dma_start3A_546 = tpu.memref_slice %arg8[%dma_start3A_541, %dma_start3A_545] : memref<5x80xi32, #tpu.memory_space<vmem>> -> memref<1x80xi32, #tpu.memory_space<vmem>>
    %dma_start3A_547 = tpu.memref_squeeze %dma_start3A_546 : memref<1x80xi32, #tpu.memory_space<vmem>> -> memref<80xi32, #tpu.memory_space<vmem>>
    %dma_start3A_548 = arith.constant 0 : i32
    %dma_start3A_549 = arith.constant 0 : i32
    %dma_start3A_550 = tpu.memref_slice %arg5[%dma_start3A_548, %dma_start3A_549] : memref<60x128xf32, #tpu.memory_space<vmem_shared>> -> memref<60x128xf32, #tpu.memory_space<vmem_shared>>
    tpu.enqueue_indirect_dma source(%dma_start3A_550 : memref<60x128xf32, #tpu.memory_space<vmem_shared>>) target(%dma_start3A_544 : memref<80x128xf32, #tpu.memory_space<vmem>>) offsets(%dma_start3A_547 : memref<80xi32, #tpu.memory_space<vmem>>) semaphore(%arg14 : memref<!tpu.dma_semaphore, #tpu.memory_space<semaphore_mem>>)
    %dma_start3A_551 = arith.constant 1 : i32
    %dma_start3A_552 = arith.constant 80 : i32
    %dma_start3A_553 = arith.constant 0 : i32
    %dma_start3A_554 = tpu.memref_slice %arg10[%dma_start3A_552, %dma_start3A_553] : memref<400x128xf32, #tpu.memory_space<vmem>> -> memref<80x128xf32, #tpu.memory_space<vmem>>
    %dma_start3A_555 = arith.constant 0 : i32
    %dma_start3A_556 = tpu.memref_slice %arg8[%dma_start3A_551, %dma_start3A_555] : memref<5x80xi32, #tpu.memory_space<vmem>> -> memref<1x80xi32, #tpu.memory_space<vmem>>
    %dma_start3A_557 = tpu.memref_squeeze %dma_start3A_556 : memref<1x80xi32, #tpu.memory_space<vmem>> -> memref<80xi32, #tpu.memory_space<vmem>>
    %dma_start3A_558 = arith.constant 0 : i32
    %dma_start3A_559 = arith.constant 0 : i32
    %dma_start3A_560 = tpu.memref_slice %arg5[%dma_start3A_558, %dma_start3A_559] : memref<60x128xf32, #tpu.memory_space<vmem_shared>> -> memref<60x128xf32, #tpu.memory_space<vmem_shared>>
    tpu.enqueue_indirect_dma source(%dma_start3A_560 : memref<60x128xf32, #tpu.memory_space<vmem_shared>>) target(%dma_start3A_554 : memref<80x128xf32, #tpu.memory_space<vmem>>) offsets(%dma_start3A_557 : memref<80xi32, #tpu.memory_space<vmem>>) semaphore(%arg14 : memref<!tpu.dma_semaphore, #tpu.memory_space<semaphore_mem>>)
    %dma_start3A_561 = arith.constant 2 : i32
    %dma_start3A_562 = arith.constant 160 : i32
    %dma_start3A_563 = arith.constant 0 : i32
    %dma_start3A_564 = tpu.memref_slice %arg10[%dma_start3A_562, %dma_start3A_563] : memref<400x128xf32, #tpu.memory_space<vmem>> -> memref<80x128xf32, #tpu.memory_space<vmem>>
    %dma_start3A_565 = arith.constant 0 : i32
    %dma_start3A_566 = tpu.memref_slice %arg8[%dma_start3A_561, %dma_start3A_565] : memref<5x80xi32, #tpu.memory_space<vmem>> -> memref<1x80xi32, #tpu.memory_space<vmem>>
    %dma_start3A_567 = tpu.memref_squeeze %dma_start3A_566 : memref<1x80xi32, #tpu.memory_space<vmem>> -> memref<80xi32, #tpu.memory_space<vmem>>
    %dma_start3A_568 = arith.constant 0 : i32
    %dma_start3A_569 = arith.constant 0 : i32
    %dma_start3A_570 = tpu.memref_slice %arg5[%dma_start3A_568, %dma_start3A_569] : memref<60x128xf32, #tpu.memory_space<vmem_shared>> -> memref<60x128xf32, #tpu.memory_space<vmem_shared>>
    tpu.enqueue_indirect_dma source(%dma_start3A_570 : memref<60x128xf32, #tpu.memory_space<vmem_shared>>) target(%dma_start3A_564 : memref<80x128xf32, #tpu.memory_space<vmem>>) offsets(%dma_start3A_567 : memref<80xi32, #tpu.memory_space<vmem>>) semaphore(%arg14 : memref<!tpu.dma_semaphore, #tpu.memory_space<semaphore_mem>>)
    %dma_start3A_571 = arith.constant 3 : i32
    %dma_start3A_572 = arith.constant 240 : i32
    %dma_start3A_573 = arith.constant 0 : i32
    %dma_start3A_574 = tpu.memref_slice %arg10[%dma_start3A_572, %dma_start3A_573] : memref<400x128xf32, #tpu.memory_space<vmem>> -> memref<80x128xf32, #tpu.memory_space<vmem>>
    %dma_start3A_575 = arith.constant 0 : i32
    %dma_start3A_576 = tpu.memref_slice %arg8[%dma_start3A_571, %dma_start3A_575] : memref<5x80xi32, #tpu.memory_space<vmem>> -> memref<1x80xi32, #tpu.memory_space<vmem>>
    %dma_start3A_577 = tpu.memref_squeeze %dma_start3A_576 : memref<1x80xi32, #tpu.memory_space<vmem>> -> memref<80xi32, #tpu.memory_space<vmem>>
    %dma_start3A_578 = arith.constant 0 : i32
    %dma_start3A_579 = arith.constant 0 : i32
    %dma_start3A_580 = tpu.memref_slice %arg5[%dma_start3A_578, %dma_start3A_579] : memref<60x128xf32, #tpu.memory_space<vmem_shared>> -> memref<60x128xf32, #tpu.memory_space<vmem_shared>>
    tpu.enqueue_indirect_dma source(%dma_start3A_580 : memref<60x128xf32, #tpu.memory_space<vmem_shared>>) target(%dma_start3A_574 : memref<80x128xf32, #tpu.memory_space<vmem>>) offsets(%dma_start3A_577 : memref<80xi32, #tpu.memory_space<vmem>>) semaphore(%arg14 : memref<!tpu.dma_semaphore, #tpu.memory_space<semaphore_mem>>)
    %dma_start3A_581 = arith.constant 4 : i32
    %dma_start3A_582 = arith.constant 320 : i32
    %dma_start3A_583 = arith.constant 0 : i32
    %dma_start3A_584 = tpu.memref_slice %arg10[%dma_start3A_582, %dma_start3A_583] : memref<400x128xf32, #tpu.memory_space<vmem>> -> memref<80x128xf32, #tpu.memory_space<vmem>>
    %dma_start3A_585 = arith.constant 0 : i32
    %dma_start3A_586 = tpu.memref_slice %arg8[%dma_start3A_581, %dma_start3A_585] : memref<5x80xi32, #tpu.memory_space<vmem>> -> memref<1x80xi32, #tpu.memory_space<vmem>>
    %dma_start3A_587 = tpu.memref_squeeze %dma_start3A_586 : memref<1x80xi32, #tpu.memory_space<vmem>> -> memref<80xi32, #tpu.memory_space<vmem>>
    %dma_start3A_588 = arith.constant 0 : i32
    %dma_start3A_589 = arith.constant 0 : i32
    %dma_start3A_590 = tpu.memref_slice %arg5[%dma_start3A_588, %dma_start3A_589] : memref<60x128xf32, #tpu.memory_space<vmem_shared>> -> memref<60x128xf32, #tpu.memory_space<vmem_shared>>
    tpu.enqueue_indirect_dma source(%dma_start3A_590 : memref<60x128xf32, #tpu.memory_space<vmem_shared>>) target(%dma_start3A_584 : memref<80x128xf32, #tpu.memory_space<vmem>>) offsets(%dma_start3A_587 : memref<80xi32, #tpu.memory_space<vmem>>) semaphore(%arg14 : memref<!tpu.dma_semaphore, #tpu.memory_space<semaphore_mem>>)
    %add3A_591 = arith.constant 0 : i32
    %add3A_592 = arith.addi %add3A_591, %mul3A_2 : i32
    %add3A_593 = arith.constant 400 : i32
    %add3A_594 = arith.addi %add3A_592, %add3A_593 : i32
    %dma_wait3A_595 = arith.constant 0 : i32
    %dma_wait3A_596 = tpu.memref_slice %arg7[%dma_wait3A_595] : memref<1200xi32, #tpu.memory_space<vmem>> -> memref<400xi32, #tpu.memory_space<vmem>>
    %dma_wait3A_597 = tpu.memref_slice %arg2[%add3A_594] : memref<960000xi32, #tpu.memory_space<hbm>> -> memref<400xi32, #tpu.memory_space<hbm>>
    %dma_wait3A_598 = arith.constant 0 : i32
    %dma_wait3A_599 = tpu.memref_slice %arg7[%dma_wait3A_598] : memref<1200xi32, #tpu.memory_space<vmem>> -> memref<400xi32, #tpu.memory_space<vmem>>
    %dma_wait3A_600 = tpu.memref_slice %arg2[%add3A_594] : memref<960000xi32, #tpu.memory_space<hbm>> -> memref<400xi32, #tpu.memory_space<hbm>>
    tpu.wait_dma2 semaphore(%arg13 : memref<!tpu.dma_semaphore, #tpu.memory_space<semaphore_mem>>) src(%dma_wait3A_600 : memref<400xi32, #tpu.memory_space<hbm>>) dst(%dma_wait3A_599 : memref<400xi32, #tpu.memory_space<vmem>>)
    %add3A_601 = arith.constant 320000 : i32
    %add3A_602 = arith.addi %add3A_601, %mul3A_2 : i32
    %add3A_603 = arith.constant 400 : i32
    %add3A_604 = arith.addi %add3A_602, %add3A_603 : i32
    %dma_wait3A_605 = arith.constant 400 : i32
    %dma_wait3A_606 = tpu.memref_slice %arg7[%dma_wait3A_605] : memref<1200xi32, #tpu.memory_space<vmem>> -> memref<400xi32, #tpu.memory_space<vmem>>
    %dma_wait3A_607 = tpu.memref_slice %arg2[%add3A_604] : memref<960000xi32, #tpu.memory_space<hbm>> -> memref<400xi32, #tpu.memory_space<hbm>>
    %dma_wait3A_608 = arith.constant 400 : i32
    %dma_wait3A_609 = tpu.memref_slice %arg7[%dma_wait3A_608] : memref<1200xi32, #tpu.memory_space<vmem>> -> memref<400xi32, #tpu.memory_space<vmem>>
    %dma_wait3A_610 = tpu.memref_slice %arg2[%add3A_604] : memref<960000xi32, #tpu.memory_space<hbm>> -> memref<400xi32, #tpu.memory_space<hbm>>
    tpu.wait_dma2 semaphore(%arg13 : memref<!tpu.dma_semaphore, #tpu.memory_space<semaphore_mem>>) src(%dma_wait3A_610 : memref<400xi32, #tpu.memory_space<hbm>>) dst(%dma_wait3A_609 : memref<400xi32, #tpu.memory_space<vmem>>)
    %add3A_611 = arith.constant 640000 : i32
    %add3A_612 = arith.addi %add3A_611, %mul3A_2 : i32
    %add3A_613 = arith.constant 400 : i32
    %add3A_614 = arith.addi %add3A_612, %add3A_613 : i32
    %dma_wait3A_615 = arith.constant 800 : i32
    %dma_wait3A_616 = tpu.memref_slice %arg7[%dma_wait3A_615] : memref<1200xi32, #tpu.memory_space<vmem>> -> memref<400xi32, #tpu.memory_space<vmem>>
    %dma_wait3A_617 = tpu.memref_slice %arg2[%add3A_614] : memref<960000xi32, #tpu.memory_space<hbm>> -> memref<400xi32, #tpu.memory_space<hbm>>
    %dma_wait3A_618 = arith.constant 800 : i32
    %dma_wait3A_619 = tpu.memref_slice %arg7[%dma_wait3A_618] : memref<1200xi32, #tpu.memory_space<vmem>> -> memref<400xi32, #tpu.memory_space<vmem>>
    %dma_wait3A_620 = tpu.memref_slice %arg2[%add3A_614] : memref<960000xi32, #tpu.memory_space<hbm>> -> memref<400xi32, #tpu.memory_space<hbm>>
    tpu.wait_dma2 semaphore(%arg13 : memref<!tpu.dma_semaphore, #tpu.memory_space<semaphore_mem>>) src(%dma_wait3A_620 : memref<400xi32, #tpu.memory_space<hbm>>) dst(%dma_wait3A_619 : memref<400xi32, #tpu.memory_space<vmem>>)
    %get3A_621 = arith.constant 0 : index
    %get3A_622 = tpu.vector_load %arg7[%get3A_621] {strides = array<i32>} : memref<1200xi32, #tpu.memory_space<vmem>>, vector<16xi32>,
    %get3A_623 = arith.constant 400 : index
    %get3A_624 = tpu.vector_load %arg7[%get3A_623] {strides = array<i32>} : memref<1200xi32, #tpu.memory_space<vmem>>, vector<16xi32>,
    %get3A_625 = arith.constant 800 : index
    %get3A_626 = tpu.vector_load %arg7[%get3A_625] {strides = array<i32>} : memref<1200xi32, #tpu.memory_space<vmem>>, vector<16xi32>,
    %mul3A_627 = arith.constant 12 : i32
    %mul3A_628 = vector.broadcast %mul3A_627 : i32 to vector<16xi32>
    %mul3A_629 = arith.muli %get3A_622, %mul3A_628 : vector<16xi32>
    %mul3A_630 = arith.constant 2 : i32
    %mul3A_631 = vector.broadcast %mul3A_630 : i32 to vector<16xi32>
    %mul3A_632 = arith.muli %get3A_624, %mul3A_631 : vector<16xi32>
    %add3A_633 = arith.addi %mul3A_629, %mul3A_632 : vector<16xi32>
    %add3A_634 = arith.addi %add3A_633, %get3A_626 : vector<16xi32>
    %swap3A_635 = arith.constant 0 : i32
    %swap3A_636 = arith.index_cast %swap3A_635 : i32 to index
    %swap3A_637 = arith.constant 0 : index
    %swap3A_638 = tpu.vector_load %arg9[%swap3A_636, %swap3A_637] {strides = array<i32>} : memref<5x80xi32, #tpu.memory_space<vmem>>, vector<16xi32>,
    tpu.vector_store %arg9[%swap3A_636, %swap3A_637], %add3A_634 {strides = array<i32>} : memref<5x80xi32, #tpu.memory_space<vmem>>, vector<16xi32>,
    %get3A_639 = arith.constant 16 : index
    %get3A_640 = tpu.vector_load %arg7[%get3A_639] {strides = array<i32>} : memref<1200xi32, #tpu.memory_space<vmem>>, vector<16xi32>,
    %get3A_641 = arith.constant 416 : index
    %get3A_642 = tpu.vector_load %arg7[%get3A_641] {strides = array<i32>} : memref<1200xi32, #tpu.memory_space<vmem>>, vector<16xi32>,
    %get3A_643 = arith.constant 816 : index
    %get3A_644 = tpu.vector_load %arg7[%get3A_643] {strides = array<i32>} : memref<1200xi32, #tpu.memory_space<vmem>>, vector<16xi32>,
    %mul3A_645 = arith.constant 12 : i32
    %mul3A_646 = vector.broadcast %mul3A_645 : i32 to vector<16xi32>
    %mul3A_647 = arith.muli %get3A_640, %mul3A_646 : vector<16xi32>
    %mul3A_648 = arith.constant 2 : i32
    %mul3A_649 = vector.broadcast %mul3A_648 : i32 to vector<16xi32>
    %mul3A_650 = arith.muli %get3A_642, %mul3A_649 : vector<16xi32>
    %add3A_651 = arith.addi %mul3A_647, %mul3A_650 : vector<16xi32>
    %add3A_652 = arith.addi %add3A_651, %get3A_644 : vector<16xi32>
    %swap3A_653 = arith.constant 0 : i32
    %swap3A_654 = arith.index_cast %swap3A_653 : i32 to index
    %swap3A_655 = arith.constant 16 : index
    %swap3A_656 = tpu.vector_load %arg9[%swap3A_654, %swap3A_655] {strides = array<i32>} : memref<5x80xi32, #tpu.memory_space<vmem>>, vector<16xi32>,
    tpu.vector_store %arg9[%swap3A_654, %swap3A_655], %add3A_652 {strides = array<i32>} : memref<5x80xi32, #tpu.memory_space<vmem>>, vector<16xi32>,
    %get3A_657 = arith.constant 32 : index
    %get3A_658 = tpu.vector_load %arg7[%get3A_657] {strides = array<i32>} : memref<1200xi32, #tpu.memory_space<vmem>>, vector<16xi32>,
    %get3A_659 = arith.constant 432 : index
    %get3A_660 = tpu.vector_load %arg7[%get3A_659] {strides = array<i32>} : memref<1200xi32, #tpu.memory_space<vmem>>, vector<16xi32>,
    %get3A_661 = arith.constant 832 : index
    %get3A_662 = tpu.vector_load %arg7[%get3A_661] {strides = array<i32>} : memref<1200xi32, #tpu.memory_space<vmem>>, vector<16xi32>,
    %mul3A_663 = arith.constant 12 : i32
    %mul3A_664 = vector.broadcast %mul3A_663 : i32 to vector<16xi32>
    %mul3A_665 = arith.muli %get3A_658, %mul3A_664 : vector<16xi32>
    %mul3A_666 = arith.constant 2 : i32
    %mul3A_667 = vector.broadcast %mul3A_666 : i32 to vector<16xi32>
    %mul3A_668 = arith.muli %get3A_660, %mul3A_667 : vector<16xi32>
    %add3A_669 = arith.addi %mul3A_665, %mul3A_668 : vector<16xi32>
    %add3A_670 = arith.addi %add3A_669, %get3A_662 : vector<16xi32>
    %swap3A_671 = arith.constant 0 : i32
    %swap3A_672 = arith.index_cast %swap3A_671 : i32 to index
    %swap3A_673 = arith.constant 32 : index
    %swap3A_674 = tpu.vector_load %arg9[%swap3A_672, %swap3A_673] {strides = array<i32>} : memref<5x80xi32, #tpu.memory_space<vmem>>, vector<16xi32>,
    tpu.vector_store %arg9[%swap3A_672, %swap3A_673], %add3A_670 {strides = array<i32>} : memref<5x80xi32, #tpu.memory_space<vmem>>, vector<16xi32>,
    %get3A_675 = arith.constant 48 : index
    %get3A_676 = tpu.vector_load %arg7[%get3A_675] {strides = array<i32>} : memref<1200xi32, #tpu.memory_space<vmem>>, vector<16xi32>,
    %get3A_677 = arith.constant 448 : index
    %get3A_678 = tpu.vector_load %arg7[%get3A_677] {strides = array<i32>} : memref<1200xi32, #tpu.memory_space<vmem>>, vector<16xi32>,
    %get3A_679 = arith.constant 848 : index
    %get3A_680 = tpu.vector_load %arg7[%get3A_679] {strides = array<i32>} : memref<1200xi32, #tpu.memory_space<vmem>>, vector<16xi32>,
    %mul3A_681 = arith.constant 12 : i32
    %mul3A_682 = vector.broadcast %mul3A_681 : i32 to vector<16xi32>
    %mul3A_683 = arith.muli %get3A_676, %mul3A_682 : vector<16xi32>
    %mul3A_684 = arith.constant 2 : i32
    %mul3A_685 = vector.broadcast %mul3A_684 : i32 to vector<16xi32>
    %mul3A_686 = arith.muli %get3A_678, %mul3A_685 : vector<16xi32>
    %add3A_687 = arith.addi %mul3A_683, %mul3A_686 : vector<16xi32>
    %add3A_688 = arith.addi %add3A_687, %get3A_680 : vector<16xi32>
    %swap3A_689 = arith.constant 0 : i32
    %swap3A_690 = arith.index_cast %swap3A_689 : i32 to index
    %swap3A_691 = arith.constant 48 : index
    %swap3A_692 = tpu.vector_load %arg9[%swap3A_690, %swap3A_691] {strides = array<i32>} : memref<5x80xi32, #tpu.memory_space<vmem>>, vector<16xi32>,
    tpu.vector_store %arg9[%swap3A_690, %swap3A_691], %add3A_688 {strides = array<i32>} : memref<5x80xi32, #tpu.memory_space<vmem>>, vector<16xi32>,
    %get3A_693 = arith.constant 64 : index
    %get3A_694 = tpu.vector_load %arg7[%get3A_693] {strides = array<i32>} : memref<1200xi32, #tpu.memory_space<vmem>>, vector<16xi32>,
    %get3A_695 = arith.constant 464 : index
    %get3A_696 = tpu.vector_load %arg7[%get3A_695] {strides = array<i32>} : memref<1200xi32, #tpu.memory_space<vmem>>, vector<16xi32>,
    %get3A_697 = arith.constant 864 : index
    %get3A_698 = tpu.vector_load %arg7[%get3A_697] {strides = array<i32>} : memref<1200xi32, #tpu.memory_space<vmem>>, vector<16xi32>,
    %mul3A_699 = arith.constant 12 : i32
    %mul3A_700 = vector.broadcast %mul3A_699 : i32 to vector<16xi32>
    %mul3A_701 = arith.muli %get3A_694, %mul3A_700 : vector<16xi32>
    %mul3A_702 = arith.constant 2 : i32
    %mul3A_703 = vector.broadcast %mul3A_702 : i32 to vector<16xi32>
    %mul3A_704 = arith.muli %get3A_696, %mul3A_703 : vector<16xi32>
    %add3A_705 = arith.addi %mul3A_701, %mul3A_704 : vector<16xi32>
    %add3A_706 = arith.addi %add3A_705, %get3A_698 : vector<16xi32>
    %swap3A_707 = arith.constant 0 : i32
    %swap3A_708 = arith.index_cast %swap3A_707 : i32 to index
    %swap3A_709 = arith.constant 64 : index
    %swap3A_710 = tpu.vector_load %arg9[%swap3A_708, %swap3A_709] {strides = array<i32>} : memref<5x80xi32, #tpu.memory_space<vmem>>, vector<16xi32>,
    tpu.vector_store %arg9[%swap3A_708, %swap3A_709], %add3A_706 {strides = array<i32>} : memref<5x80xi32, #tpu.memory_space<vmem>>, vector<16xi32>,
    %get3A_711 = arith.constant 80 : index
    %get3A_712 = tpu.vector_load %arg7[%get3A_711] {strides = array<i32>} : memref<1200xi32, #tpu.memory_space<vmem>>, vector<16xi32>,
    %get3A_713 = arith.constant 480 : index
    %get3A_714 = tpu.vector_load %arg7[%get3A_713] {strides = array<i32>} : memref<1200xi32, #tpu.memory_space<vmem>>, vector<16xi32>,
    %get3A_715 = arith.constant 880 : index
    %get3A_716 = tpu.vector_load %arg7[%get3A_715] {strides = array<i32>} : memref<1200xi32, #tpu.memory_space<vmem>>, vector<16xi32>,
    %mul3A_717 = arith.constant 12 : i32
    %mul3A_718 = vector.broadcast %mul3A_717 : i32 to vector<16xi32>
    %mul3A_719 = arith.muli %get3A_712, %mul3A_718 : vector<16xi32>
    %mul3A_720 = arith.constant 2 : i32
    %mul3A_721 = vector.broadcast %mul3A_720 : i32 to vector<16xi32>
    %mul3A_722 = arith.muli %get3A_714, %mul3A_721 : vector<16xi32>
    %add3A_723 = arith.addi %mul3A_719, %mul3A_722 : vector<16xi32>
    %add3A_724 = arith.addi %add3A_723, %get3A_716 : vector<16xi32>
    %swap3A_725 = arith.constant 1 : i32
    %swap3A_726 = arith.index_cast %swap3A_725 : i32 to index
    %swap3A_727 = arith.constant 0 : index
    %swap3A_728 = tpu.vector_load %arg9[%swap3A_726, %swap3A_727] {strides = array<i32>} : memref<5x80xi32, #tpu.memory_space<vmem>>, vector<16xi32>,
    tpu.vector_store %arg9[%swap3A_726, %swap3A_727], %add3A_724 {strides = array<i32>} : memref<5x80xi32, #tpu.memory_space<vmem>>, vector<16xi32>,
    %get3A_729 = arith.constant 96 : index
    %get3A_730 = tpu.vector_load %arg7[%get3A_729] {strides = array<i32>} : memref<1200xi32, #tpu.memory_space<vmem>>, vector<16xi32>,
    %get3A_731 = arith.constant 496 : index
    %get3A_732 = tpu.vector_load %arg7[%get3A_731] {strides = array<i32>} : memref<1200xi32, #tpu.memory_space<vmem>>, vector<16xi32>,
    %get3A_733 = arith.constant 896 : index
    %get3A_734 = tpu.vector_load %arg7[%get3A_733] {strides = array<i32>} : memref<1200xi32, #tpu.memory_space<vmem>>, vector<16xi32>,
    %mul3A_735 = arith.constant 12 : i32
    %mul3A_736 = vector.broadcast %mul3A_735 : i32 to vector<16xi32>
    %mul3A_737 = arith.muli %get3A_730, %mul3A_736 : vector<16xi32>
    %mul3A_738 = arith.constant 2 : i32
    %mul3A_739 = vector.broadcast %mul3A_738 : i32 to vector<16xi32>
    %mul3A_740 = arith.muli %get3A_732, %mul3A_739 : vector<16xi32>
    %add3A_741 = arith.addi %mul3A_737, %mul3A_740 : vector<16xi32>
    %add3A_742 = arith.addi %add3A_741, %get3A_734 : vector<16xi32>
    %swap3A_743 = arith.constant 1 : i32
    %swap3A_744 = arith.index_cast %swap3A_743 : i32 to index
    %swap3A_745 = arith.constant 16 : index
    %swap3A_746 = tpu.vector_load %arg9[%swap3A_744, %swap3A_745] {strides = array<i32>} : memref<5x80xi32, #tpu.memory_space<vmem>>, vector<16xi32>,
    tpu.vector_store %arg9[%swap3A_744, %swap3A_745], %add3A_742 {strides = array<i32>} : memref<5x80xi32, #tpu.memory_space<vmem>>, vector<16xi32>,
    %get3A_747 = arith.constant 112 : index
    %get3A_748 = tpu.vector_load %arg7[%get3A_747] {strides = array<i32>} : memref<1200xi32, #tpu.memory_space<vmem>>, vector<16xi32>,
    %get3A_749 = arith.constant 512 : index
    %get3A_750 = tpu.vector_load %arg7[%get3A_749] {strides = array<i32>} : memref<1200xi32, #tpu.memory_space<vmem>>, vector<16xi32>,
    %get3A_751 = arith.constant 912 : index
    %get3A_752 = tpu.vector_load %arg7[%get3A_751] {strides = array<i32>} : memref<1200xi32, #tpu.memory_space<vmem>>, vector<16xi32>,
    %mul3A_753 = arith.constant 12 : i32
    %mul3A_754 = vector.broadcast %mul3A_753 : i32 to vector<16xi32>
    %mul3A_755 = arith.muli %get3A_748, %mul3A_754 : vector<16xi32>
    %mul3A_756 = arith.constant 2 : i32
    %mul3A_757 = vector.broadcast %mul3A_756 : i32 to vector<16xi32>
    %mul3A_758 = arith.muli %get3A_750, %mul3A_757 : vector<16xi32>
    %add3A_759 = arith.addi %mul3A_755, %mul3A_758 : vector<16xi32>
    %add3A_760 = arith.addi %add3A_759, %get3A_752 : vector<16xi32>
    %swap3A_761 = arith.constant 1 : i32
    %swap3A_762 = arith.index_cast %swap3A_761 : i32 to index
    %swap3A_763 = arith.constant 32 : index
    %swap3A_764 = tpu.vector_load %arg9[%swap3A_762, %swap3A_763] {strides = array<i32>} : memref<5x80xi32, #tpu.memory_space<vmem>>, vector<16xi32>,
    tpu.vector_store %arg9[%swap3A_762, %swap3A_763], %add3A_760 {strides = array<i32>} : memref<5x80xi32, #tpu.memory_space<vmem>>, vector<16xi32>,
    %get3A_765 = arith.constant 128 : index
    %get3A_766 = tpu.vector_load %arg7[%get3A_765] {strides = array<i32>} : memref<1200xi32, #tpu.memory_space<vmem>>, vector<16xi32>,
    %get3A_767 = arith.constant 528 : index
    %get3A_768 = tpu.vector_load %arg7[%get3A_767] {strides = array<i32>} : memref<1200xi32, #tpu.memory_space<vmem>>, vector<16xi32>,
    %get3A_769 = arith.constant 928 : index
    %get3A_770 = tpu.vector_load %arg7[%get3A_769] {strides = array<i32>} : memref<1200xi32, #tpu.memory_space<vmem>>, vector<16xi32>,
    %mul3A_771 = arith.constant 12 : i32
    %mul3A_772 = vector.broadcast %mul3A_771 : i32 to vector<16xi32>
    %mul3A_773 = arith.muli %get3A_766, %mul3A_772 : vector<16xi32>
    %mul3A_774 = arith.constant 2 : i32
    %mul3A_775 = vector.broadcast %mul3A_774 : i32 to vector<16xi32>
    %mul3A_776 = arith.muli %get3A_768, %mul3A_775 : vector<16xi32>
    %add3A_777 = arith.addi %mul3A_773, %mul3A_776 : vector<16xi32>
    %add3A_778 = arith.addi %add3A_777, %get3A_770 : vector<16xi32>
    %swap3A_779 = arith.constant 1 : i32
    %swap3A_780 = arith.index_cast %swap3A_779 : i32 to index
    %swap3A_781 = arith.constant 48 : index
    %swap3A_782 = tpu.vector_load %arg9[%swap3A_780, %swap3A_781] {strides = array<i32>} : memref<5x80xi32, #tpu.memory_space<vmem>>, vector<16xi32>,
    tpu.vector_store %arg9[%swap3A_780, %swap3A_781], %add3A_778 {strides = array<i32>} : memref<5x80xi32, #tpu.memory_space<vmem>>, vector<16xi32>,
    %get3A_783 = arith.constant 144 : index
    %get3A_784 = tpu.vector_load %arg7[%get3A_783] {strides = array<i32>} : memref<1200xi32, #tpu.memory_space<vmem>>, vector<16xi32>,
    %get3A_785 = arith.constant 544 : index
    %get3A_786 = tpu.vector_load %arg7[%get3A_785] {strides = array<i32>} : memref<1200xi32, #tpu.memory_space<vmem>>, vector<16xi32>,
    %get3A_787 = arith.constant 944 : index
    %get3A_788 = tpu.vector_load %arg7[%get3A_787] {strides = array<i32>} : memref<1200xi32, #tpu.memory_space<vmem>>, vector<16xi32>,
    %mul3A_789 = arith.constant 12 : i32
    %mul3A_790 = vector.broadcast %mul3A_789 : i32 to vector<16xi32>
    %mul3A_791 = arith.muli %get3A_784, %mul3A_790 : vector<16xi32>
    %mul3A_792 = arith.constant 2 : i32
    %mul3A_793 = vector.broadcast %mul3A_792 : i32 to vector<16xi32>
    %mul3A_794 = arith.muli %get3A_786, %mul3A_793 : vector<16xi32>
    %add3A_795 = arith.addi %mul3A_791, %mul3A_794 : vector<16xi32>
    %add3A_796 = arith.addi %add3A_795, %get3A_788 : vector<16xi32>
    %swap3A_797 = arith.constant 1 : i32
    %swap3A_798 = arith.index_cast %swap3A_797 : i32 to index
    %swap3A_799 = arith.constant 64 : index
    %swap3A_800 = tpu.vector_load %arg9[%swap3A_798, %swap3A_799] {strides = array<i32>} : memref<5x80xi32, #tpu.memory_space<vmem>>, vector<16xi32>,
    tpu.vector_store %arg9[%swap3A_798, %swap3A_799], %add3A_796 {strides = array<i32>} : memref<5x80xi32, #tpu.memory_space<vmem>>, vector<16xi32>,
    %get3A_801 = arith.constant 160 : index
    %get3A_802 = tpu.vector_load %arg7[%get3A_801] {strides = array<i32>} : memref<1200xi32, #tpu.memory_space<vmem>>, vector<16xi32>,
    %get3A_803 = arith.constant 560 : index
    %get3A_804 = tpu.vector_load %arg7[%get3A_803] {strides = array<i32>} : memref<1200xi32, #tpu.memory_space<vmem>>, vector<16xi32>,
    %get3A_805 = arith.constant 960 : index
    %get3A_806 = tpu.vector_load %arg7[%get3A_805] {strides = array<i32>} : memref<1200xi32, #tpu.memory_space<vmem>>, vector<16xi32>,
    %mul3A_807 = arith.constant 12 : i32
    %mul3A_808 = vector.broadcast %mul3A_807 : i32 to vector<16xi32>
    %mul3A_809 = arith.muli %get3A_802, %mul3A_808 : vector<16xi32>
    %mul3A_810 = arith.constant 2 : i32
    %mul3A_811 = vector.broadcast %mul3A_810 : i32 to vector<16xi32>
    %mul3A_812 = arith.muli %get3A_804, %mul3A_811 : vector<16xi32>
    %add3A_813 = arith.addi %mul3A_809, %mul3A_812 : vector<16xi32>
    %add3A_814 = arith.addi %add3A_813, %get3A_806 : vector<16xi32>
    %swap3A_815 = arith.constant 2 : i32
    %swap3A_816 = arith.index_cast %swap3A_815 : i32 to index
    %swap3A_817 = arith.constant 0 : index
    %swap3A_818 = tpu.vector_load %arg9[%swap3A_816, %swap3A_817] {strides = array<i32>} : memref<5x80xi32, #tpu.memory_space<vmem>>, vector<16xi32>,
    tpu.vector_store %arg9[%swap3A_816, %swap3A_817], %add3A_814 {strides = array<i32>} : memref<5x80xi32, #tpu.memory_space<vmem>>, vector<16xi32>,
    %get3A_819 = arith.constant 176 : index
    %get3A_820 = tpu.vector_load %arg7[%get3A_819] {strides = array<i32>} : memref<1200xi32, #tpu.memory_space<vmem>>, vector<16xi32>,
    %get3A_821 = arith.constant 576 : index
    %get3A_822 = tpu.vector_load %arg7[%get3A_821] {strides = array<i32>} : memref<1200xi32, #tpu.memory_space<vmem>>, vector<16xi32>,
    %get3A_823 = arith.constant 976 : index
    %get3A_824 = tpu.vector_load %arg7[%get3A_823] {strides = array<i32>} : memref<1200xi32, #tpu.memory_space<vmem>>, vector<16xi32>,
    %mul3A_825 = arith.constant 12 : i32
    %mul3A_826 = vector.broadcast %mul3A_825 : i32 to vector<16xi32>
    %mul3A_827 = arith.muli %get3A_820, %mul3A_826 : vector<16xi32>
    %mul3A_828 = arith.constant 2 : i32
    %mul3A_829 = vector.broadcast %mul3A_828 : i32 to vector<16xi32>
    %mul3A_830 = arith.muli %get3A_822, %mul3A_829 : vector<16xi32>
    %add3A_831 = arith.addi %mul3A_827, %mul3A_830 : vector<16xi32>
    %add3A_832 = arith.addi %add3A_831, %get3A_824 : vector<16xi32>
    %swap3A_833 = arith.constant 2 : i32
    %swap3A_834 = arith.index_cast %swap3A_833 : i32 to index
    %swap3A_835 = arith.constant 16 : index
    %swap3A_836 = tpu.vector_load %arg9[%swap3A_834, %swap3A_835] {strides = array<i32>} : memref<5x80xi32, #tpu.memory_space<vmem>>, vector<16xi32>,
    tpu.vector_store %arg9[%swap3A_834, %swap3A_835], %add3A_832 {strides = array<i32>} : memref<5x80xi32, #tpu.memory_space<vmem>>, vector<16xi32>,
    %get3A_837 = arith.constant 192 : index
    %get3A_838 = tpu.vector_load %arg7[%get3A_837] {strides = array<i32>} : memref<1200xi32, #tpu.memory_space<vmem>>, vector<16xi32>,
    %get3A_839 = arith.constant 592 : index
    %get3A_840 = tpu.vector_load %arg7[%get3A_839] {strides = array<i32>} : memref<1200xi32, #tpu.memory_space<vmem>>, vector<16xi32>,
    %get3A_841 = arith.constant 992 : index
    %get3A_842 = tpu.vector_load %arg7[%get3A_841] {strides = array<i32>} : memref<1200xi32, #tpu.memory_space<vmem>>, vector<16xi32>,
    %mul3A_843 = arith.constant 12 : i32
    %mul3A_844 = vector.broadcast %mul3A_843 : i32 to vector<16xi32>
    %mul3A_845 = arith.muli %get3A_838, %mul3A_844 : vector<16xi32>
    %mul3A_846 = arith.constant 2 : i32
    %mul3A_847 = vector.broadcast %mul3A_846 : i32 to vector<16xi32>
    %mul3A_848 = arith.muli %get3A_840, %mul3A_847 : vector<16xi32>
    %add3A_849 = arith.addi %mul3A_845, %mul3A_848 : vector<16xi32>
    %add3A_850 = arith.addi %add3A_849, %get3A_842 : vector<16xi32>
    %swap3A_851 = arith.constant 2 : i32
    %swap3A_852 = arith.index_cast %swap3A_851 : i32 to index
    %swap3A_853 = arith.constant 32 : index
    %swap3A_854 = tpu.vector_load %arg9[%swap3A_852, %swap3A_853] {strides = array<i32>} : memref<5x80xi32, #tpu.memory_space<vmem>>, vector<16xi32>,
    tpu.vector_store %arg9[%swap3A_852, %swap3A_853], %add3A_850 {strides = array<i32>} : memref<5x80xi32, #tpu.memory_space<vmem>>, vector<16xi32>,
    %get3A_855 = arith.constant 208 : index
    %get3A_856 = tpu.vector_load %arg7[%get3A_855] {strides = array<i32>} : memref<1200xi32, #tpu.memory_space<vmem>>, vector<16xi32>,
    %get3A_857 = arith.constant 608 : index
    %get3A_858 = tpu.vector_load %arg7[%get3A_857] {strides = array<i32>} : memref<1200xi32, #tpu.memory_space<vmem>>, vector<16xi32>,
    %get3A_859 = arith.constant 1008 : index
    %get3A_860 = tpu.vector_load %arg7[%get3A_859] {strides = array<i32>} : memref<1200xi32, #tpu.memory_space<vmem>>, vector<16xi32>,
    %mul3A_861 = arith.constant 12 : i32
    %mul3A_862 = vector.broadcast %mul3A_861 : i32 to vector<16xi32>
    %mul3A_863 = arith.muli %get3A_856, %mul3A_862 : vector<16xi32>
    %mul3A_864 = arith.constant 2 : i32
    %mul3A_865 = vector.broadcast %mul3A_864 : i32 to vector<16xi32>
    %mul3A_866 = arith.muli %get3A_858, %mul3A_865 : vector<16xi32>
    %add3A_867 = arith.addi %mul3A_863, %mul3A_866 : vector<16xi32>
    %add3A_868 = arith.addi %add3A_867, %get3A_860 : vector<16xi32>
    %swap3A_869 = arith.constant 2 : i32
    %swap3A_870 = arith.index_cast %swap3A_869 : i32 to index
    %swap3A_871 = arith.constant 48 : index
    %swap3A_872 = tpu.vector_load %arg9[%swap3A_870, %swap3A_871] {strides = array<i32>} : memref<5x80xi32, #tpu.memory_space<vmem>>, vector<16xi32>,
    tpu.vector_store %arg9[%swap3A_870, %swap3A_871], %add3A_868 {strides = array<i32>} : memref<5x80xi32, #tpu.memory_space<vmem>>, vector<16xi32>,
    %get3A_873 = arith.constant 224 : index
    %get3A_874 = tpu.vector_load %arg7[%get3A_873] {strides = array<i32>} : memref<1200xi32, #tpu.memory_space<vmem>>, vector<16xi32>,
    %get3A_875 = arith.constant 624 : index
    %get3A_876 = tpu.vector_load %arg7[%get3A_875] {strides = array<i32>} : memref<1200xi32, #tpu.memory_space<vmem>>, vector<16xi32>,
    %get3A_877 = arith.constant 1024 : index
    %get3A_878 = tpu.vector_load %arg7[%get3A_877] {strides = array<i32>} : memref<1200xi32, #tpu.memory_space<vmem>>, vector<16xi32>,
    %mul3A_879 = arith.constant 12 : i32
    %mul3A_880 = vector.broadcast %mul3A_879 : i32 to vector<16xi32>
    %mul3A_881 = arith.muli %get3A_874, %mul3A_880 : vector<16xi32>
    %mul3A_882 = arith.constant 2 : i32
    %mul3A_883 = vector.broadcast %mul3A_882 : i32 to vector<16xi32>
    %mul3A_884 = arith.muli %get3A_876, %mul3A_883 : vector<16xi32>
    %add3A_885 = arith.addi %mul3A_881, %mul3A_884 : vector<16xi32>
    %add3A_886 = arith.addi %add3A_885, %get3A_878 : vector<16xi32>
    %swap3A_887 = arith.constant 2 : i32
    %swap3A_888 = arith.index_cast %swap3A_887 : i32 to index
    %swap3A_889 = arith.constant 64 : index
    %swap3A_890 = tpu.vector_load %arg9[%swap3A_888, %swap3A_889] {strides = array<i32>} : memref<5x80xi32, #tpu.memory_space<vmem>>, vector<16xi32>,
    tpu.vector_store %arg9[%swap3A_888, %swap3A_889], %add3A_886 {strides = array<i32>} : memref<5x80xi32, #tpu.memory_space<vmem>>, vector<16xi32>,
    %get3A_891 = arith.constant 240 : index
    %get3A_892 = tpu.vector_load %arg7[%get3A_891] {strides = array<i32>} : memref<1200xi32, #tpu.memory_space<vmem>>, vector<16xi32>,
    %get3A_893 = arith.constant 640 : index
    %get3A_894 = tpu.vector_load %arg7[%get3A_893] {strides = array<i32>} : memref<1200xi32, #tpu.memory_space<vmem>>, vector<16xi32>,
    %get3A_895 = arith.constant 1040 : index
    %get3A_896 = tpu.vector_load %arg7[%get3A_895] {strides = array<i32>} : memref<1200xi32, #tpu.memory_space<vmem>>, vector<16xi32>,
    %mul3A_897 = arith.constant 12 : i32
    %mul3A_898 = vector.broadcast %mul3A_897 : i32 to vector<16xi32>
    %mul3A_899 = arith.muli %get3A_892, %mul3A_898 : vector<16xi32>
    %mul3A_900 = arith.constant 2 : i32
    %mul3A_901 = vector.broadcast %mul3A_900 : i32 to vector<16xi32>
    %mul3A_902 = arith.muli %get3A_894, %mul3A_901 : vector<16xi32>
    %add3A_903 = arith.addi %mul3A_899, %mul3A_902 : vector<16xi32>
    %add3A_904 = arith.addi %add3A_903, %get3A_896 : vector<16xi32>
    %swap3A_905 = arith.constant 3 : i32
    %swap3A_906 = arith.index_cast %swap3A_905 : i32 to index
    %swap3A_907 = arith.constant 0 : index
    %swap3A_908 = tpu.vector_load %arg9[%swap3A_906, %swap3A_907] {strides = array<i32>} : memref<5x80xi32, #tpu.memory_space<vmem>>, vector<16xi32>,
    tpu.vector_store %arg9[%swap3A_906, %swap3A_907], %add3A_904 {strides = array<i32>} : memref<5x80xi32, #tpu.memory_space<vmem>>, vector<16xi32>,
    %get3A_909 = arith.constant 256 : index
    %get3A_910 = tpu.vector_load %arg7[%get3A_909] {strides = array<i32>} : memref<1200xi32, #tpu.memory_space<vmem>>, vector<16xi32>,
    %get3A_911 = arith.constant 656 : index
    %get3A_912 = tpu.vector_load %arg7[%get3A_911] {strides = array<i32>} : memref<1200xi32, #tpu.memory_space<vmem>>, vector<16xi32>,
    %get3A_913 = arith.constant 1056 : index
    %get3A_914 = tpu.vector_load %arg7[%get3A_913] {strides = array<i32>} : memref<1200xi32, #tpu.memory_space<vmem>>, vector<16xi32>,
    %mul3A_915 = arith.constant 12 : i32
    %mul3A_916 = vector.broadcast %mul3A_915 : i32 to vector<16xi32>
    %mul3A_917 = arith.muli %get3A_910, %mul3A_916 : vector<16xi32>
    %mul3A_918 = arith.constant 2 : i32
    %mul3A_919 = vector.broadcast %mul3A_918 : i32 to vector<16xi32>
    %mul3A_920 = arith.muli %get3A_912, %mul3A_919 : vector<16xi32>
    %add3A_921 = arith.addi %mul3A_917, %mul3A_920 : vector<16xi32>
    %add3A_922 = arith.addi %add3A_921, %get3A_914 : vector<16xi32>
    %swap3A_923 = arith.constant 3 : i32
    %swap3A_924 = arith.index_cast %swap3A_923 : i32 to index
    %swap3A_925 = arith.constant 16 : index
    %swap3A_926 = tpu.vector_load %arg9[%swap3A_924, %swap3A_925] {strides = array<i32>} : memref<5x80xi32, #tpu.memory_space<vmem>>, vector<16xi32>,
    tpu.vector_store %arg9[%swap3A_924, %swap3A_925], %add3A_922 {strides = array<i32>} : memref<5x80xi32, #tpu.memory_space<vmem>>, vector<16xi32>,
    %get3A_927 = arith.constant 272 : index
    %get3A_928 = tpu.vector_load %arg7[%get3A_927] {strides = array<i32>} : memref<1200xi32, #tpu.memory_space<vmem>>, vector<16xi32>,
    %get3A_929 = arith.constant 672 : index
    %get3A_930 = tpu.vector_load %arg7[%get3A_929] {strides = array<i32>} : memref<1200xi32, #tpu.memory_space<vmem>>, vector<16xi32>,
    %get3A_931 = arith.constant 1072 : index
    %get3A_932 = tpu.vector_load %arg7[%get3A_931] {strides = array<i32>} : memref<1200xi32, #tpu.memory_space<vmem>>, vector<16xi32>,
    %mul3A_933 = arith.constant 12 : i32
    %mul3A_934 = vector.broadcast %mul3A_933 : i32 to vector<16xi32>
    %mul3A_935 = arith.muli %get3A_928, %mul3A_934 : vector<16xi32>
    %mul3A_936 = arith.constant 2 : i32
    %mul3A_937 = vector.broadcast %mul3A_936 : i32 to vector<16xi32>
    %mul3A_938 = arith.muli %get3A_930, %mul3A_937 : vector<16xi32>
    %add3A_939 = arith.addi %mul3A_935, %mul3A_938 : vector<16xi32>
    %add3A_940 = arith.addi %add3A_939, %get3A_932 : vector<16xi32>
    %swap3A_941 = arith.constant 3 : i32
    %swap3A_942 = arith.index_cast %swap3A_941 : i32 to index
    %swap3A_943 = arith.constant 32 : index
    %swap3A_944 = tpu.vector_load %arg9[%swap3A_942, %swap3A_943] {strides = array<i32>} : memref<5x80xi32, #tpu.memory_space<vmem>>, vector<16xi32>,
    tpu.vector_store %arg9[%swap3A_942, %swap3A_943], %add3A_940 {strides = array<i32>} : memref<5x80xi32, #tpu.memory_space<vmem>>, vector<16xi32>,
    %get3A_945 = arith.constant 288 : index
    %get3A_946 = tpu.vector_load %arg7[%get3A_945] {strides = array<i32>} : memref<1200xi32, #tpu.memory_space<vmem>>, vector<16xi32>,
    %get3A_947 = arith.constant 688 : index
    %get3A_948 = tpu.vector_load %arg7[%get3A_947] {strides = array<i32>} : memref<1200xi32, #tpu.memory_space<vmem>>, vector<16xi32>,
    %get3A_949 = arith.constant 1088 : index
    %get3A_950 = tpu.vector_load %arg7[%get3A_949] {strides = array<i32>} : memref<1200xi32, #tpu.memory_space<vmem>>, vector<16xi32>,
    %mul3A_951 = arith.constant 12 : i32
    %mul3A_952 = vector.broadcast %mul3A_951 : i32 to vector<16xi32>
    %mul3A_953 = arith.muli %get3A_946, %mul3A_952 : vector<16xi32>
    %mul3A_954 = arith.constant 2 : i32
    %mul3A_955 = vector.broadcast %mul3A_954 : i32 to vector<16xi32>
    %mul3A_956 = arith.muli %get3A_948, %mul3A_955 : vector<16xi32>
    %add3A_957 = arith.addi %mul3A_953, %mul3A_956 : vector<16xi32>
    %add3A_958 = arith.addi %add3A_957, %get3A_950 : vector<16xi32>
    %swap3A_959 = arith.constant 3 : i32
    %swap3A_960 = arith.index_cast %swap3A_959 : i32 to index
    %swap3A_961 = arith.constant 48 : index
    %swap3A_962 = tpu.vector_load %arg9[%swap3A_960, %swap3A_961] {strides = array<i32>} : memref<5x80xi32, #tpu.memory_space<vmem>>, vector<16xi32>,
    tpu.vector_store %arg9[%swap3A_960, %swap3A_961], %add3A_958 {strides = array<i32>} : memref<5x80xi32, #tpu.memory_space<vmem>>, vector<16xi32>,
    %get3A_963 = arith.constant 304 : index
    %get3A_964 = tpu.vector_load %arg7[%get3A_963] {strides = array<i32>} : memref<1200xi32, #tpu.memory_space<vmem>>, vector<16xi32>,
    %get3A_965 = arith.constant 704 : index
    %get3A_966 = tpu.vector_load %arg7[%get3A_965] {strides = array<i32>} : memref<1200xi32, #tpu.memory_space<vmem>>, vector<16xi32>,
    %get3A_967 = arith.constant 1104 : index
    %get3A_968 = tpu.vector_load %arg7[%get3A_967] {strides = array<i32>} : memref<1200xi32, #tpu.memory_space<vmem>>, vector<16xi32>,
    %mul3A_969 = arith.constant 12 : i32
    %mul3A_970 = vector.broadcast %mul3A_969 : i32 to vector<16xi32>
    %mul3A_971 = arith.muli %get3A_964, %mul3A_970 : vector<16xi32>
    %mul3A_972 = arith.constant 2 : i32
    %mul3A_973 = vector.broadcast %mul3A_972 : i32 to vector<16xi32>
    %mul3A_974 = arith.muli %get3A_966, %mul3A_973 : vector<16xi32>
    %add3A_975 = arith.addi %mul3A_971, %mul3A_974 : vector<16xi32>
    %add3A_976 = arith.addi %add3A_975, %get3A_968 : vector<16xi32>
    %swap3A_977 = arith.constant 3 : i32
    %swap3A_978 = arith.index_cast %swap3A_977 : i32 to index
    %swap3A_979 = arith.constant 64 : index
    %swap3A_980 = tpu.vector_load %arg9[%swap3A_978, %swap3A_979] {strides = array<i32>} : memref<5x80xi32, #tpu.memory_space<vmem>>, vector<16xi32>,
    tpu.vector_store %arg9[%swap3A_978, %swap3A_979], %add3A_976 {strides = array<i32>} : memref<5x80xi32, #tpu.memory_space<vmem>>, vector<16xi32>,
    %get3A_981 = arith.constant 320 : index
    %get3A_982 = tpu.vector_load %arg7[%get3A_981] {strides = array<i32>} : memref<1200xi32, #tpu.memory_space<vmem>>, vector<16xi32>,
    %get3A_983 = arith.constant 720 : index
    %get3A_984 = tpu.vector_load %arg7[%get3A_983] {strides = array<i32>} : memref<1200xi32, #tpu.memory_space<vmem>>, vector<16xi32>,
    %get3A_985 = arith.constant 1120 : index
    %get3A_986 = tpu.vector_load %arg7[%get3A_985] {strides = array<i32>} : memref<1200xi32, #tpu.memory_space<vmem>>, vector<16xi32>,
    %mul3A_987 = arith.constant 12 : i32
    %mul3A_988 = vector.broadcast %mul3A_987 : i32 to vector<16xi32>
    %mul3A_989 = arith.muli %get3A_982, %mul3A_988 : vector<16xi32>
    %mul3A_990 = arith.constant 2 : i32
    %mul3A_991 = vector.broadcast %mul3A_990 : i32 to vector<16xi32>
    %mul3A_992 = arith.muli %get3A_984, %mul3A_991 : vector<16xi32>
    %add3A_993 = arith.addi %mul3A_989, %mul3A_992 : vector<16xi32>
    %add3A_994 = arith.addi %add3A_993, %get3A_986 : vector<16xi32>
    %swap3A_995 = arith.constant 4 : i32
    %swap3A_996 = arith.index_cast %swap3A_995 : i32 to index
    %swap3A_997 = arith.constant 0 : index
    %swap3A_998 = tpu.vector_load %arg9[%swap3A_996, %swap3A_997] {strides = array<i32>} : memref<5x80xi32, #tpu.memory_space<vmem>>, vector<16xi32>,
    tpu.vector_store %arg9[%swap3A_996, %swap3A_997], %add3A_994 {strides = array<i32>} : memref<5x80xi32, #tpu.memory_space<vmem>>, vector<16xi32>,
    %get3A_999 = arith.constant 336 : index
    %get3A_1000 = tpu.vector_load %arg7[%get3A_999] {strides = array<i32>} : memref<1200xi32, #tpu.memory_space<vmem>>, vector<16xi32>,
    %get3A_1001 = arith.constant 736 : index
    %get3A_1002 = tpu.vector_load %arg7[%get3A_1001] {strides = array<i32>} : memref<1200xi32, #tpu.memory_space<vmem>>, vector<16xi32>,
    %get3A_1003 = arith.constant 1136 : index
    %get3A_1004 = tpu.vector_load %arg7[%get3A_1003] {strides = array<i32>} : memref<1200xi32, #tpu.memory_space<vmem>>, vector<16xi32>,
    %mul3A_1005 = arith.constant 12 : i32
    %mul3A_1006 = vector.broadcast %mul3A_1005 : i32 to vector<16xi32>
    %mul3A_1007 = arith.muli %get3A_1000, %mul3A_1006 : vector<16xi32>
    %mul3A_1008 = arith.constant 2 : i32
    %mul3A_1009 = vector.broadcast %mul3A_1008 : i32 to vector<16xi32>
    %mul3A_1010 = arith.muli %get3A_1002, %mul3A_1009 : vector<16xi32>
    %add3A_1011 = arith.addi %mul3A_1007, %mul3A_1010 : vector<16xi32>
    %add3A_1012 = arith.addi %add3A_1011, %get3A_1004 : vector<16xi32>
    %swap3A_1013 = arith.constant 4 : i32
    %swap3A_1014 = arith.index_cast %swap3A_1013 : i32 to index
    %swap3A_1015 = arith.constant 16 : index
    %swap3A_1016 = tpu.vector_load %arg9[%swap3A_1014, %swap3A_1015] {strides = array<i32>} : memref<5x80xi32, #tpu.memory_space<vmem>>, vector<16xi32>,
    tpu.vector_store %arg9[%swap3A_1014, %swap3A_1015], %add3A_1012 {strides = array<i32>} : memref<5x80xi32, #tpu.memory_space<vmem>>, vector<16xi32>,
    %get3A_1017 = arith.constant 352 : index
    %get3A_1018 = tpu.vector_load %arg7[%get3A_1017] {strides = array<i32>} : memref<1200xi32, #tpu.memory_space<vmem>>, vector<16xi32>,
    %get3A_1019 = arith.constant 752 : index
    %get3A_1020 = tpu.vector_load %arg7[%get3A_1019] {strides = array<i32>} : memref<1200xi32, #tpu.memory_space<vmem>>, vector<16xi32>,
    %get3A_1021 = arith.constant 1152 : index
    %get3A_1022 = tpu.vector_load %arg7[%get3A_1021] {strides = array<i32>} : memref<1200xi32, #tpu.memory_space<vmem>>, vector<16xi32>,
    %mul3A_1023 = arith.constant 12 : i32
    %mul3A_1024 = vector.broadcast %mul3A_1023 : i32 to vector<16xi32>
    %mul3A_1025 = arith.muli %get3A_1018, %mul3A_1024 : vector<16xi32>
    %mul3A_1026 = arith.constant 2 : i32
    %mul3A_1027 = vector.broadcast %mul3A_1026 : i32 to vector<16xi32>
    %mul3A_1028 = arith.muli %get3A_1020, %mul3A_1027 : vector<16xi32>
    %add3A_1029 = arith.addi %mul3A_1025, %mul3A_1028 : vector<16xi32>
    %add3A_1030 = arith.addi %add3A_1029, %get3A_1022 : vector<16xi32>
    %swap3A_1031 = arith.constant 4 : i32
    %swap3A_1032 = arith.index_cast %swap3A_1031 : i32 to index
    %swap3A_1033 = arith.constant 32 : index
    %swap3A_1034 = tpu.vector_load %arg9[%swap3A_1032, %swap3A_1033] {strides = array<i32>} : memref<5x80xi32, #tpu.memory_space<vmem>>, vector<16xi32>,
    tpu.vector_store %arg9[%swap3A_1032, %swap3A_1033], %add3A_1030 {strides = array<i32>} : memref<5x80xi32, #tpu.memory_space<vmem>>, vector<16xi32>,
    %get3A_1035 = arith.constant 368 : index
    %get3A_1036 = tpu.vector_load %arg7[%get3A_1035] {strides = array<i32>} : memref<1200xi32, #tpu.memory_space<vmem>>, vector<16xi32>,
    %get3A_1037 = arith.constant 768 : index
    %get3A_1038 = tpu.vector_load %arg7[%get3A_1037] {strides = array<i32>} : memref<1200xi32, #tpu.memory_space<vmem>>, vector<16xi32>,
    %get3A_1039 = arith.constant 1168 : index
    %get3A_1040 = tpu.vector_load %arg7[%get3A_1039] {strides = array<i32>} : memref<1200xi32, #tpu.memory_space<vmem>>, vector<16xi32>,
    %mul3A_1041 = arith.constant 12 : i32
    %mul3A_1042 = vector.broadcast %mul3A_1041 : i32 to vector<16xi32>
    %mul3A_1043 = arith.muli %get3A_1036, %mul3A_1042 : vector<16xi32>
    %mul3A_1044 = arith.constant 2 : i32
    %mul3A_1045 = vector.broadcast %mul3A_1044 : i32 to vector<16xi32>
    %mul3A_1046 = arith.muli %get3A_1038, %mul3A_1045 : vector<16xi32>
    %add3A_1047 = arith.addi %mul3A_1043, %mul3A_1046 : vector<16xi32>
    %add3A_1048 = arith.addi %add3A_1047, %get3A_1040 : vector<16xi32>
    %swap3A_1049 = arith.constant 4 : i32
    %swap3A_1050 = arith.index_cast %swap3A_1049 : i32 to index
    %swap3A_1051 = arith.constant 48 : index
    %swap3A_1052 = tpu.vector_load %arg9[%swap3A_1050, %swap3A_1051] {strides = array<i32>} : memref<5x80xi32, #tpu.memory_space<vmem>>, vector<16xi32>,
    tpu.vector_store %arg9[%swap3A_1050, %swap3A_1051], %add3A_1048 {strides = array<i32>} : memref<5x80xi32, #tpu.memory_space<vmem>>, vector<16xi32>,
    %get3A_1053 = arith.constant 384 : index
    %get3A_1054 = tpu.vector_load %arg7[%get3A_1053] {strides = array<i32>} : memref<1200xi32, #tpu.memory_space<vmem>>, vector<16xi32>,
    %get3A_1055 = arith.constant 784 : index
    %get3A_1056 = tpu.vector_load %arg7[%get3A_1055] {strides = array<i32>} : memref<1200xi32, #tpu.memory_space<vmem>>, vector<16xi32>,
    %get3A_1057 = arith.constant 1184 : index
    %get3A_1058 = tpu.vector_load %arg7[%get3A_1057] {strides = array<i32>} : memref<1200xi32, #tpu.memory_space<vmem>>, vector<16xi32>,
    %mul3A_1059 = arith.constant 12 : i32
    %mul3A_1060 = vector.broadcast %mul3A_1059 : i32 to vector<16xi32>
    %mul3A_1061 = arith.muli %get3A_1054, %mul3A_1060 : vector<16xi32>
    %mul3A_1062 = arith.constant 2 : i32
    %mul3A_1063 = vector.broadcast %mul3A_1062 : i32 to vector<16xi32>
    %mul3A_1064 = arith.muli %get3A_1056, %mul3A_1063 : vector<16xi32>
    %add3A_1065 = arith.addi %mul3A_1061, %mul3A_1064 : vector<16xi32>
    %add3A_1066 = arith.addi %add3A_1065, %get3A_1058 : vector<16xi32>
    %swap3A_1067 = arith.constant 4 : i32
    %swap3A_1068 = arith.index_cast %swap3A_1067 : i32 to index
    %swap3A_1069 = arith.constant 64 : index
    %swap3A_1070 = tpu.vector_load %arg9[%swap3A_1068, %swap3A_1069] {strides = array<i32>} : memref<5x80xi32, #tpu.memory_space<vmem>>, vector<16xi32>,
    tpu.vector_store %arg9[%swap3A_1068, %swap3A_1069], %add3A_1066 {strides = array<i32>} : memref<5x80xi32, #tpu.memory_space<vmem>>, vector<16xi32>,
    %scan3A = arith.constant 0 : i32
    %scan3A_1071 = arith.constant 12 : i32
    %scan3A_1072 = arith.addi %scan3A, %scan3A_1071 : i32
    %scan3A_1073 = arith.constant 1 : i32
    scf.for %scan3A_1143 = %scan3A to %scan3A_1072 step %scan3A_1073  : i32 {
      %mul3A_1144 = arith.constant 2 : i32
      %mul3A_1145 = arith.muli %mul3A_1144, %scan3A_1143 : i32
      %add3A_1146 = arith.constant 1 : i32
      %add3A_1147 = arith.addi %mul3A_1145, %add3A_1146 : i32
      %add3A_1148 = arith.constant 1 : i32
      %add3A_1149 = arith.addi %add3A_1147, %add3A_1148 : i32
      %add3A_1150 = arith.constant 0 : i32
      %add3A_1151 = arith.addi %add3A_1150, %mul3A_2 : i32
      %mul3A_1152 = arith.constant 400 : i32
      %mul3A_1153 = arith.muli %add3A_1149, %mul3A_1152 : i32
      %add3A_1154 = arith.addi %add3A_1151, %mul3A_1153 : i32
      %dma_start3A_1155 = arith.constant 0 : i32
      %dma_start3A_1156 = tpu.memref_slice %arg6[%dma_start3A_1155] : memref<1200xi32, #tpu.memory_space<vmem>> -> memref<400xi32, #tpu.memory_space<vmem>>
      %dma_start3A_1157 = tpu.memref_slice %arg2[%add3A_1154] : memref<960000xi32, #tpu.memory_space<hbm>> -> memref<400xi32, #tpu.memory_space<hbm>>
      %dma_start3A_1158 = arith.constant 0 : i32
      %dma_start3A_1159 = tpu.memref_slice %arg6[%dma_start3A_1158] : memref<1200xi32, #tpu.memory_space<vmem>> -> memref<400xi32, #tpu.memory_space<vmem>>
      %dma_start3A_1160 = tpu.memref_slice %arg2[%add3A_1154] : memref<960000xi32, #tpu.memory_space<hbm>> -> memref<400xi32, #tpu.memory_space<hbm>>
      tpu.enqueue_dma source(%dma_start3A_1160 : memref<400xi32, #tpu.memory_space<hbm>>) target(%dma_start3A_1159 : memref<400xi32, #tpu.memory_space<vmem>>) target_semaphore(%arg12 : memref<!tpu.dma_semaphore, #tpu.memory_space<semaphore_mem>>)
      %add3A_1161 = arith.constant 320000 : i32
      %add3A_1162 = arith.addi %add3A_1161, %mul3A_2 : i32
      %mul3A_1163 = arith.constant 400 : i32
      %mul3A_1164 = arith.muli %add3A_1149, %mul3A_1163 : i32
      %add3A_1165 = arith.addi %add3A_1162, %mul3A_1164 : i32
      %dma_start3A_1166 = arith.constant 400 : i32
      %dma_start3A_1167 = tpu.memref_slice %arg6[%dma_start3A_1166] : memref<1200xi32, #tpu.memory_space<vmem>> -> memref<400xi32, #tpu.memory_space<vmem>>
      %dma_start3A_1168 = tpu.memref_slice %arg2[%add3A_1165] : memref<960000xi32, #tpu.memory_space<hbm>> -> memref<400xi32, #tpu.memory_space<hbm>>
      %dma_start3A_1169 = arith.constant 400 : i32
      %dma_start3A_1170 = tpu.memref_slice %arg6[%dma_start3A_1169] : memref<1200xi32, #tpu.memory_space<vmem>> -> memref<400xi32, #tpu.memory_space<vmem>>
      %dma_start3A_1171 = tpu.memref_slice %arg2[%add3A_1165] : memref<960000xi32, #tpu.memory_space<hbm>> -> memref<400xi32, #tpu.memory_space<hbm>>
      tpu.enqueue_dma source(%dma_start3A_1171 : memref<400xi32, #tpu.memory_space<hbm>>) target(%dma_start3A_1170 : memref<400xi32, #tpu.memory_space<vmem>>) target_semaphore(%arg12 : memref<!tpu.dma_semaphore, #tpu.memory_space<semaphore_mem>>)
      %add3A_1172 = arith.constant 640000 : i32
      %add3A_1173 = arith.addi %add3A_1172, %mul3A_2 : i32
      %mul3A_1174 = arith.constant 400 : i32
      %mul3A_1175 = arith.muli %add3A_1149, %mul3A_1174 : i32
      %add3A_1176 = arith.addi %add3A_1173, %mul3A_1175 : i32
      %dma_start3A_1177 = arith.constant 800 : i32
      %dma_start3A_1178 = tpu.memref_slice %arg6[%dma_start3A_1177] : memref<1200xi32, #tpu.memory_space<vmem>> -> memref<400xi32, #tpu.memory_space<vmem>>
      %dma_start3A_1179 = tpu.memref_slice %arg2[%add3A_1176] : memref<960000xi32, #tpu.memory_space<hbm>> -> memref<400xi32, #tpu.memory_space<hbm>>
      %dma_start3A_1180 = arith.constant 800 : i32
      %dma_start3A_1181 = tpu.memref_slice %arg6[%dma_start3A_1180] : memref<1200xi32, #tpu.memory_space<vmem>> -> memref<400xi32, #tpu.memory_space<vmem>>
      %dma_start3A_1182 = tpu.memref_slice %arg2[%add3A_1176] : memref<960000xi32, #tpu.memory_space<hbm>> -> memref<400xi32, #tpu.memory_space<hbm>>
      tpu.enqueue_dma source(%dma_start3A_1182 : memref<400xi32, #tpu.memory_space<hbm>>) target(%dma_start3A_1181 : memref<400xi32, #tpu.memory_space<vmem>>) target_semaphore(%arg12 : memref<!tpu.dma_semaphore, #tpu.memory_space<semaphore_mem>>)
      %ge3A = arith.constant 3 : i32
      %ge3A_1183 = arith.cmpi sge, %add3A_1147, %ge3A : i32
      %convert_element_type3A_1184 = arith.extui %ge3A_1183 : i1 to i32
      %cond3A_1185 = arith.constant 0 : i32
      %cond3A_1186 = arith.cmpi ne, %convert_element_type3A_1184, %cond3A_1185 : i32
      scf.if %cond3A_1186 {
        %sub3A_1905 = arith.constant 2 : i32
        %sub3A_1906 = arith.subi %add3A_1147, %sub3A_1905 : i32
        %mul3A_1907 = arith.constant 400 : i32
        %mul3A_1908 = arith.muli %sub3A_1906, %mul3A_1907 : i32
        %add3A_1909 = arith.addi %mul3A_2, %mul3A_1908 : i32
        %dma_wait3A_1910 = arith.constant 0 : i32
        %dma_wait3A_1911 = tpu.memref_slice %arg4[%add3A_1909, %dma_wait3A_1910] : memref<320000x128xf32, #tpu.memory_space<hbm>> -> memref<400x128xf32, #tpu.memory_space<hbm>>
        %dma_wait3A_1912 = arith.constant 0 : i32
        %dma_wait3A_1913 = tpu.memref_slice %arg4[%add3A_1909, %dma_wait3A_1912] : memref<320000x128xf32, #tpu.memory_space<hbm>> -> memref<400x128xf32, #tpu.memory_space<hbm>>
        tpu.wait_dma2 semaphore(%arg17 : memref<!tpu.dma_semaphore, #tpu.memory_space<semaphore_mem>>) src(%arg11 : memref<400x128xf32, #tpu.memory_space<vmem>>) dst(%dma_wait3A_1913 : memref<400x128xf32, #tpu.memory_space<hbm>>)
      } else {
      }
      %dma_wait3A_1187 = arith.constant 0 : i32
      %dma_wait3A_1188 = arith.constant 0 : i32
      %dma_wait3A_1189 = arith.constant 0 : i32
      %dma_wait3A_1190 = tpu.memref_slice %arg10[%dma_wait3A_1188, %dma_wait3A_1189] : memref<400x128xf32, #tpu.memory_space<vmem>> -> memref<80x128xf32, #tpu.memory_space<vmem>>
      %dma_wait3A_1191 = arith.constant 0 : i32
      %dma_wait3A_1192 = tpu.memref_slice %arg8[%dma_wait3A_1187, %dma_wait3A_1191] : memref<5x80xi32, #tpu.memory_space<vmem>> -> memref<1x80xi32, #tpu.memory_space<vmem>>
      %dma_wait3A_1193 = tpu.memref_squeeze %dma_wait3A_1192 : memref<1x80xi32, #tpu.memory_space<vmem>> -> memref<80xi32, #tpu.memory_space<vmem>>
      %dma_wait3A_1194 = arith.constant 0 : i32
      %dma_wait3A_1195 = arith.constant 0 : i32
      %dma_wait3A_1196 = tpu.memref_slice %arg5[%dma_wait3A_1194, %dma_wait3A_1195] : memref<60x128xf32, #tpu.memory_space<vmem_shared>> -> memref<60x128xf32, #tpu.memory_space<vmem_shared>>
      tpu.wait_indirect_dma semaphore(%arg14 : memref<!tpu.dma_semaphore, #tpu.memory_space<semaphore_mem>>) src(%dma_wait3A_1196 : memref<60x128xf32, #tpu.memory_space<vmem_shared>>) dst(%dma_wait3A_1190 : memref<80x128xf32, #tpu.memory_space<vmem>>)
      %dma_wait3A_1197 = arith.constant 1 : i32
      %dma_wait3A_1198 = arith.constant 80 : i32
      %dma_wait3A_1199 = arith.constant 0 : i32
      %dma_wait3A_1200 = tpu.memref_slice %arg10[%dma_wait3A_1198, %dma_wait3A_1199] : memref<400x128xf32, #tpu.memory_space<vmem>> -> memref<80x128xf32, #tpu.memory_space<vmem>>
      %dma_wait3A_1201 = arith.constant 0 : i32
      %dma_wait3A_1202 = tpu.memref_slice %arg8[%dma_wait3A_1197, %dma_wait3A_1201] : memref<5x80xi32, #tpu.memory_space<vmem>> -> memref<1x80xi32, #tpu.memory_space<vmem>>
      %dma_wait3A_1203 = tpu.memref_squeeze %dma_wait3A_1202 : memref<1x80xi32, #tpu.memory_space<vmem>> -> memref<80xi32, #tpu.memory_space<vmem>>
      %dma_wait3A_1204 = arith.constant 0 : i32
      %dma_wait3A_1205 = arith.constant 0 : i32
      %dma_wait3A_1206 = tpu.memref_slice %arg5[%dma_wait3A_1204, %dma_wait3A_1205] : memref<60x128xf32, #tpu.memory_space<vmem_shared>> -> memref<60x128xf32, #tpu.memory_space<vmem_shared>>
      tpu.wait_indirect_dma semaphore(%arg14 : memref<!tpu.dma_semaphore, #tpu.memory_space<semaphore_mem>>) src(%dma_wait3A_1206 : memref<60x128xf32, #tpu.memory_space<vmem_shared>>) dst(%dma_wait3A_1200 : memref<80x128xf32, #tpu.memory_space<vmem>>)
      %dma_wait3A_1207 = arith.constant 2 : i32
      %dma_wait3A_1208 = arith.constant 160 : i32
      %dma_wait3A_1209 = arith.constant 0 : i32
      %dma_wait3A_1210 = tpu.memref_slice %arg10[%dma_wait3A_1208, %dma_wait3A_1209] : memref<400x128xf32, #tpu.memory_space<vmem>> -> memref<80x128xf32, #tpu.memory_space<vmem>>
      %dma_wait3A_1211 = arith.constant 0 : i32
      %dma_wait3A_1212 = tpu.memref_slice %arg8[%dma_wait3A_1207, %dma_wait3A_1211] : memref<5x80xi32, #tpu.memory_space<vmem>> -> memref<1x80xi32, #tpu.memory_space<vmem>>
      %dma_wait3A_1213 = tpu.memref_squeeze %dma_wait3A_1212 : memref<1x80xi32, #tpu.memory_space<vmem>> -> memref<80xi32, #tpu.memory_space<vmem>>
      %dma_wait3A_1214 = arith.constant 0 : i32
      %dma_wait3A_1215 = arith.constant 0 : i32
      %dma_wait3A_1216 = tpu.memref_slice %arg5[%dma_wait3A_1214, %dma_wait3A_1215] : memref<60x128xf32, #tpu.memory_space<vmem_shared>> -> memref<60x128xf32, #tpu.memory_space<vmem_shared>>
      tpu.wait_indirect_dma semaphore(%arg14 : memref<!tpu.dma_semaphore, #tpu.memory_space<semaphore_mem>>) src(%dma_wait3A_1216 : memref<60x128xf32, #tpu.memory_space<vmem_shared>>) dst(%dma_wait3A_1210 : memref<80x128xf32, #tpu.memory_space<vmem>>)
      %dma_wait3A_1217 = arith.constant 3 : i32
      %dma_wait3A_1218 = arith.constant 240 : i32
      %dma_wait3A_1219 = arith.constant 0 : i32
      %dma_wait3A_1220 = tpu.memref_slice %arg10[%dma_wait3A_1218, %dma_wait3A_1219] : memref<400x128xf32, #tpu.memory_space<vmem>> -> memref<80x128xf32, #tpu.memory_space<vmem>>
      %dma_wait3A_1221 = arith.constant 0 : i32
      %dma_wait3A_1222 = tpu.memref_slice %arg8[%dma_wait3A_1217, %dma_wait3A_1221] : memref<5x80xi32, #tpu.memory_space<vmem>> -> memref<1x80xi32, #tpu.memory_space<vmem>>
      %dma_wait3A_1223 = tpu.memref_squeeze %dma_wait3A_1222 : memref<1x80xi32, #tpu.memory_space<vmem>> -> memref<80xi32, #tpu.memory_space<vmem>>
      %dma_wait3A_1224 = arith.constant 0 : i32
      %dma_wait3A_1225 = arith.constant 0 : i32
      %dma_wait3A_1226 = tpu.memref_slice %arg5[%dma_wait3A_1224, %dma_wait3A_1225] : memref<60x128xf32, #tpu.memory_space<vmem_shared>> -> memref<60x128xf32, #tpu.memory_space<vmem_shared>>
      tpu.wait_indirect_dma semaphore(%arg14 : memref<!tpu.dma_semaphore, #tpu.memory_space<semaphore_mem>>) src(%dma_wait3A_1226 : memref<60x128xf32, #tpu.memory_space<vmem_shared>>) dst(%dma_wait3A_1220 : memref<80x128xf32, #tpu.memory_space<vmem>>)
      %dma_wait3A_1227 = arith.constant 4 : i32
      %dma_wait3A_1228 = arith.constant 320 : i32
      %dma_wait3A_1229 = arith.constant 0 : i32
      %dma_wait3A_1230 = tpu.memref_slice %arg10[%dma_wait3A_1228, %dma_wait3A_1229] : memref<400x128xf32, #tpu.memory_space<vmem>> -> memref<80x128xf32, #tpu.memory_space<vmem>>
      %dma_wait3A_1231 = arith.constant 0 : i32
      %dma_wait3A_1232 = tpu.memref_slice %arg8[%dma_wait3A_1227, %dma_wait3A_1231] : memref<5x80xi32, #tpu.memory_space<vmem>> -> memref<1x80xi32, #tpu.memory_space<vmem>>
      %dma_wait3A_1233 = tpu.memref_squeeze %dma_wait3A_1232 : memref<1x80xi32, #tpu.memory_space<vmem>> -> memref<80xi32, #tpu.memory_space<vmem>>
      %dma_wait3A_1234 = arith.constant 0 : i32
      %dma_wait3A_1235 = arith.constant 0 : i32
      %dma_wait3A_1236 = tpu.memref_slice %arg5[%dma_wait3A_1234, %dma_wait3A_1235] : memref<60x128xf32, #tpu.memory_space<vmem_shared>> -> memref<60x128xf32, #tpu.memory_space<vmem_shared>>
      tpu.wait_indirect_dma semaphore(%arg14 : memref<!tpu.dma_semaphore, #tpu.memory_space<semaphore_mem>>) src(%dma_wait3A_1236 : memref<60x128xf32, #tpu.memory_space<vmem_shared>>) dst(%dma_wait3A_1230 : memref<80x128xf32, #tpu.memory_space<vmem>>)
      %sub3A = arith.constant 1 : i32
      %sub3A_1237 = arith.subi %add3A_1147, %sub3A : i32
      %mul3A_1238 = arith.constant 400 : i32
      %mul3A_1239 = arith.muli %sub3A_1237, %mul3A_1238 : i32
      %add3A_1240 = arith.addi %mul3A_2, %mul3A_1239 : i32
      %dma_start3A_1241 = arith.constant 0 : i32
      %dma_start3A_1242 = tpu.memref_slice %arg4[%add3A_1240, %dma_start3A_1241] : memref<320000x128xf32, #tpu.memory_space<hbm>> -> memref<400x128xf32, #tpu.memory_space<hbm>>
      %dma_start3A_1243 = arith.constant 0 : i32
      %dma_start3A_1244 = tpu.memref_slice %arg4[%add3A_1240, %dma_start3A_1243] : memref<320000x128xf32, #tpu.memory_space<hbm>> -> memref<400x128xf32, #tpu.memory_space<hbm>>
      tpu.enqueue_dma source(%arg10 : memref<400x128xf32, #tpu.memory_space<vmem>>) target(%dma_start3A_1244 : memref<400x128xf32, #tpu.memory_space<hbm>>) target_semaphore(%arg16 : memref<!tpu.dma_semaphore, #tpu.memory_space<semaphore_mem>>)
      %dma_start3A_1245 = arith.constant 0 : i32
      %dma_start3A_1246 = arith.constant 0 : i32
      %dma_start3A_1247 = arith.constant 0 : i32
      %dma_start3A_1248 = tpu.memref_slice %arg11[%dma_start3A_1246, %dma_start3A_1247] : memref<400x128xf32, #tpu.memory_space<vmem>> -> memref<80x128xf32, #tpu.memory_space<vmem>>
      %dma_start3A_1249 = arith.constant 0 : i32
      %dma_start3A_1250 = tpu.memref_slice %arg9[%dma_start3A_1245, %dma_start3A_1249] : memref<5x80xi32, #tpu.memory_space<vmem>> -> memref<1x80xi32, #tpu.memory_space<vmem>>
      %dma_start3A_1251 = tpu.memref_squeeze %dma_start3A_1250 : memref<1x80xi32, #tpu.memory_space<vmem>> -> memref<80xi32, #tpu.memory_space<vmem>>
      %dma_start3A_1252 = arith.constant 0 : i32
      %dma_start3A_1253 = arith.constant 0 : i32
      %dma_start3A_1254 = tpu.memref_slice %arg5[%dma_start3A_1252, %dma_start3A_1253] : memref<60x128xf32, #tpu.memory_space<vmem_shared>> -> memref<60x128xf32, #tpu.memory_space<vmem_shared>>
      tpu.enqueue_indirect_dma source(%dma_start3A_1254 : memref<60x128xf32, #tpu.memory_space<vmem_shared>>) target(%dma_start3A_1248 : memref<80x128xf32, #tpu.memory_space<vmem>>) offsets(%dma_start3A_1251 : memref<80xi32, #tpu.memory_space<vmem>>) semaphore(%arg15 : memref<!tpu.dma_semaphore, #tpu.memory_space<semaphore_mem>>)
      %dma_start3A_1255 = arith.constant 1 : i32
      %dma_start3A_1256 = arith.constant 80 : i32
      %dma_start3A_1257 = arith.constant 0 : i32
      %dma_start3A_1258 = tpu.memref_slice %arg11[%dma_start3A_1256, %dma_start3A_1257] : memref<400x128xf32, #tpu.memory_space<vmem>> -> memref<80x128xf32, #tpu.memory_space<vmem>>
      %dma_start3A_1259 = arith.constant 0 : i32
      %dma_start3A_1260 = tpu.memref_slice %arg9[%dma_start3A_1255, %dma_start3A_1259] : memref<5x80xi32, #tpu.memory_space<vmem>> -> memref<1x80xi32, #tpu.memory_space<vmem>>
      %dma_start3A_1261 = tpu.memref_squeeze %dma_start3A_1260 : memref<1x80xi32, #tpu.memory_space<vmem>> -> memref<80xi32, #tpu.memory_space<vmem>>
      %dma_start3A_1262 = arith.constant 0 : i32
      %dma_start3A_1263 = arith.constant 0 : i32
      %dma_start3A_1264 = tpu.memref_slice %arg5[%dma_start3A_1262, %dma_start3A_1263] : memref<60x128xf32, #tpu.memory_space<vmem_shared>> -> memref<60x128xf32, #tpu.memory_space<vmem_shared>>
      tpu.enqueue_indirect_dma source(%dma_start3A_1264 : memref<60x128xf32, #tpu.memory_space<vmem_shared>>) target(%dma_start3A_1258 : memref<80x128xf32, #tpu.memory_space<vmem>>) offsets(%dma_start3A_1261 : memref<80xi32, #tpu.memory_space<vmem>>) semaphore(%arg15 : memref<!tpu.dma_semaphore, #tpu.memory_space<semaphore_mem>>)
      %dma_start3A_1265 = arith.constant 2 : i32
      %dma_start3A_1266 = arith.constant 160 : i32
      %dma_start3A_1267 = arith.constant 0 : i32
      %dma_start3A_1268 = tpu.memref_slice %arg11[%dma_start3A_1266, %dma_start3A_1267] : memref<400x128xf32, #tpu.memory_space<vmem>> -> memref<80x128xf32, #tpu.memory_space<vmem>>
      %dma_start3A_1269 = arith.constant 0 : i32
      %dma_start3A_1270 = tpu.memref_slice %arg9[%dma_start3A_1265, %dma_start3A_1269] : memref<5x80xi32, #tpu.memory_space<vmem>> -> memref<1x80xi32, #tpu.memory_space<vmem>>
      %dma_start3A_1271 = tpu.memref_squeeze %dma_start3A_1270 : memref<1x80xi32, #tpu.memory_space<vmem>> -> memref<80xi32, #tpu.memory_space<vmem>>
      %dma_start3A_1272 = arith.constant 0 : i32
      %dma_start3A_1273 = arith.constant 0 : i32
      %dma_start3A_1274 = tpu.memref_slice %arg5[%dma_start3A_1272, %dma_start3A_1273] : memref<60x128xf32, #tpu.memory_space<vmem_shared>> -> memref<60x128xf32, #tpu.memory_space<vmem_shared>>
      tpu.enqueue_indirect_dma source(%dma_start3A_1274 : memref<60x128xf32, #tpu.memory_space<vmem_shared>>) target(%dma_start3A_1268 : memref<80x128xf32, #tpu.memory_space<vmem>>) offsets(%dma_start3A_1271 : memref<80xi32, #tpu.memory_space<vmem>>) semaphore(%arg15 : memref<!tpu.dma_semaphore, #tpu.memory_space<semaphore_mem>>)
      %dma_start3A_1275 = arith.constant 3 : i32
      %dma_start3A_1276 = arith.constant 240 : i32
      %dma_start3A_1277 = arith.constant 0 : i32
      %dma_start3A_1278 = tpu.memref_slice %arg11[%dma_start3A_1276, %dma_start3A_1277] : memref<400x128xf32, #tpu.memory_space<vmem>> -> memref<80x128xf32, #tpu.memory_space<vmem>>
      %dma_start3A_1279 = arith.constant 0 : i32
      %dma_start3A_1280 = tpu.memref_slice %arg9[%dma_start3A_1275, %dma_start3A_1279] : memref<5x80xi32, #tpu.memory_space<vmem>> -> memref<1x80xi32, #tpu.memory_space<vmem>>
      %dma_start3A_1281 = tpu.memref_squeeze %dma_start3A_1280 : memref<1x80xi32, #tpu.memory_space<vmem>> -> memref<80xi32, #tpu.memory_space<vmem>>
      %dma_start3A_1282 = arith.constant 0 : i32
      %dma_start3A_1283 = arith.constant 0 : i32
      %dma_start3A_1284 = tpu.memref_slice %arg5[%dma_start3A_1282, %dma_start3A_1283] : memref<60x128xf32, #tpu.memory_space<vmem_shared>> -> memref<60x128xf32, #tpu.memory_space<vmem_shared>>
      tpu.enqueue_indirect_dma source(%dma_start3A_1284 : memref<60x128xf32, #tpu.memory_space<vmem_shared>>) target(%dma_start3A_1278 : memref<80x128xf32, #tpu.memory_space<vmem>>) offsets(%dma_start3A_1281 : memref<80xi32, #tpu.memory_space<vmem>>) semaphore(%arg15 : memref<!tpu.dma_semaphore, #tpu.memory_space<semaphore_mem>>)
      %dma_start3A_1285 = arith.constant 4 : i32
      %dma_start3A_1286 = arith.constant 320 : i32
      %dma_start3A_1287 = arith.constant 0 : i32
      %dma_start3A_1288 = tpu.memref_slice %arg11[%dma_start3A_1286, %dma_start3A_1287] : memref<400x128xf32, #tpu.memory_space<vmem>> -> memref<80x128xf32, #tpu.memory_space<vmem>>
      %dma_start3A_1289 = arith.constant 0 : i32
      %dma_start3A_1290 = tpu.memref_slice %arg9[%dma_start3A_1285, %dma_start3A_1289] : memref<5x80xi32, #tpu.memory_space<vmem>> -> memref<1x80xi32, #tpu.memory_space<vmem>>
      %dma_start3A_1291 = tpu.memref_squeeze %dma_start3A_1290 : memref<1x80xi32, #tpu.memory_space<vmem>> -> memref<80xi32, #tpu.memory_space<vmem>>
      %dma_start3A_1292 = arith.constant 0 : i32
      %dma_start3A_1293 = arith.constant 0 : i32
      %dma_start3A_1294 = tpu.memref_slice %arg5[%dma_start3A_1292, %dma_start3A_1293] : memref<60x128xf32, #tpu.memory_space<vmem_shared>> -> memref<60x128xf32, #tpu.memory_space<vmem_shared>>
      tpu.enqueue_indirect_dma source(%dma_start3A_1294 : memref<60x128xf32, #tpu.memory_space<vmem_shared>>) target(%dma_start3A_1288 : memref<80x128xf32, #tpu.memory_space<vmem>>) offsets(%dma_start3A_1291 : memref<80xi32, #tpu.memory_space<vmem>>) semaphore(%arg15 : memref<!tpu.dma_semaphore, #tpu.memory_space<semaphore_mem>>)
      %add3A_1295 = arith.constant 1 : i32
      %add3A_1296 = arith.addi %add3A_1147, %add3A_1295 : i32
      %add3A_1297 = arith.constant 0 : i32
      %add3A_1298 = arith.addi %add3A_1297, %mul3A_2 : i32
      %mul3A_1299 = arith.constant 400 : i32
      %mul3A_1300 = arith.muli %add3A_1296, %mul3A_1299 : i32
      %add3A_1301 = arith.addi %add3A_1298, %mul3A_1300 : i32
      %dma_wait3A_1302 = arith.constant 0 : i32
      %dma_wait3A_1303 = tpu.memref_slice %arg6[%dma_wait3A_1302] : memref<1200xi32, #tpu.memory_space<vmem>> -> memref<400xi32, #tpu.memory_space<vmem>>
      %dma_wait3A_1304 = tpu.memref_slice %arg2[%add3A_1301] : memref<960000xi32, #tpu.memory_space<hbm>> -> memref<400xi32, #tpu.memory_space<hbm>>
      %dma_wait3A_1305 = arith.constant 0 : i32
      %dma_wait3A_1306 = tpu.memref_slice %arg6[%dma_wait3A_1305] : memref<1200xi32, #tpu.memory_space<vmem>> -> memref<400xi32, #tpu.memory_space<vmem>>
      %dma_wait3A_1307 = tpu.memref_slice %arg2[%add3A_1301] : memref<960000xi32, #tpu.memory_space<hbm>> -> memref<400xi32, #tpu.memory_space<hbm>>
      tpu.wait_dma2 semaphore(%arg12 : memref<!tpu.dma_semaphore, #tpu.memory_space<semaphore_mem>>) src(%dma_wait3A_1307 : memref<400xi32, #tpu.memory_space<hbm>>) dst(%dma_wait3A_1306 : memref<400xi32, #tpu.memory_space<vmem>>)
      %add3A_1308 = arith.constant 320000 : i32
      %add3A_1309 = arith.addi %add3A_1308, %mul3A_2 : i32
      %mul3A_1310 = arith.constant 400 : i32
      %mul3A_1311 = arith.muli %add3A_1296, %mul3A_1310 : i32
      %add3A_1312 = arith.addi %add3A_1309, %mul3A_1311 : i32
      %dma_wait3A_1313 = arith.constant 400 : i32
      %dma_wait3A_1314 = tpu.memref_slice %arg6[%dma_wait3A_1313] : memref<1200xi32, #tpu.memory_space<vmem>> -> memref<400xi32, #tpu.memory_space<vmem>>
      %dma_wait3A_1315 = tpu.memref_slice %arg2[%add3A_1312] : memref<960000xi32, #tpu.memory_space<hbm>> -> memref<400xi32, #tpu.memory_space<hbm>>
      %dma_wait3A_1316 = arith.constant 400 : i32
      %dma_wait3A_1317 = tpu.memref_slice %arg6[%dma_wait3A_1316] : memref<1200xi32, #tpu.memory_space<vmem>> -> memref<400xi32, #tpu.memory_space<vmem>>
      %dma_wait3A_1318 = tpu.memref_slice %arg2[%add3A_1312] : memref<960000xi32, #tpu.memory_space<hbm>> -> memref<400xi32, #tpu.memory_space<hbm>>
      tpu.wait_dma2 semaphore(%arg12 : memref<!tpu.dma_semaphore, #tpu.memory_space<semaphore_mem>>) src(%dma_wait3A_1318 : memref<400xi32, #tpu.memory_space<hbm>>) dst(%dma_wait3A_1317 : memref<400xi32, #tpu.memory_space<vmem>>)
      %add3A_1319 = arith.constant 640000 : i32
      %add3A_1320 = arith.addi %add3A_1319, %mul3A_2 : i32
      %mul3A_1321 = arith.constant 400 : i32
      %mul3A_1322 = arith.muli %add3A_1296, %mul3A_1321 : i32
      %add3A_1323 = arith.addi %add3A_1320, %mul3A_1322 : i32
      %dma_wait3A_1324 = arith.constant 800 : i32
      %dma_wait3A_1325 = tpu.memref_slice %arg6[%dma_wait3A_1324] : memref<1200xi32, #tpu.memory_space<vmem>> -> memref<400xi32, #tpu.memory_space<vmem>>
      %dma_wait3A_1326 = tpu.memref_slice %arg2[%add3A_1323] : memref<960000xi32, #tpu.memory_space<hbm>> -> memref<400xi32, #tpu.memory_space<hbm>>
      %dma_wait3A_1327 = arith.constant 800 : i32
      %dma_wait3A_1328 = tpu.memref_slice %arg6[%dma_wait3A_1327] : memref<1200xi32, #tpu.memory_space<vmem>> -> memref<400xi32, #tpu.memory_space<vmem>>
      %dma_wait3A_1329 = tpu.memref_slice %arg2[%add3A_1323] : memref<960000xi32, #tpu.memory_space<hbm>> -> memref<400xi32, #tpu.memory_space<hbm>>
      tpu.wait_dma2 semaphore(%arg12 : memref<!tpu.dma_semaphore, #tpu.memory_space<semaphore_mem>>) src(%dma_wait3A_1329 : memref<400xi32, #tpu.memory_space<hbm>>) dst(%dma_wait3A_1328 : memref<400xi32, #tpu.memory_space<vmem>>)
      %get3A_1330 = arith.constant 0 : index
      %get3A_1331 = tpu.vector_load %arg6[%get3A_1330] {strides = array<i32>} : memref<1200xi32, #tpu.memory_space<vmem>>, vector<16xi32>,
      %get3A_1332 = arith.constant 400 : index
      %get3A_1333 = tpu.vector_load %arg6[%get3A_1332] {strides = array<i32>} : memref<1200xi32, #tpu.memory_space<vmem>>, vector<16xi32>,
      %get3A_1334 = arith.constant 800 : index
      %get3A_1335 = tpu.vector_load %arg6[%get3A_1334] {strides = array<i32>} : memref<1200xi32, #tpu.memory_space<vmem>>, vector<16xi32>,
      %mul3A_1336 = arith.constant 12 : i32
      %mul3A_1337 = vector.broadcast %mul3A_1336 : i32 to vector<16xi32>
      %mul3A_1338 = arith.muli %get3A_1331, %mul3A_1337 : vector<16xi32>
      %mul3A_1339 = arith.constant 2 : i32
      %mul3A_1340 = vector.broadcast %mul3A_1339 : i32 to vector<16xi32>
      %mul3A_1341 = arith.muli %get3A_1333, %mul3A_1340 : vector<16xi32>
      %add3A_1342 = arith.addi %mul3A_1338, %mul3A_1341 : vector<16xi32>
      %add3A_1343 = arith.addi %add3A_1342, %get3A_1335 : vector<16xi32>
      %swap3A_1344 = arith.constant 0 : i32
      %swap3A_1345 = arith.index_cast %swap3A_1344 : i32 to index
      %swap3A_1346 = arith.constant 0 : index
      %swap3A_1347 = tpu.vector_load %arg8[%swap3A_1345, %swap3A_1346] {strides = array<i32>} : memref<5x80xi32, #tpu.memory_space<vmem>>, vector<16xi32>,
      tpu.vector_store %arg8[%swap3A_1345, %swap3A_1346], %add3A_1343 {strides = array<i32>} : memref<5x80xi32, #tpu.memory_space<vmem>>, vector<16xi32>,
      %get3A_1348 = arith.constant 16 : index
      %get3A_1349 = tpu.vector_load %arg6[%get3A_1348] {strides = array<i32>} : memref<1200xi32, #tpu.memory_space<vmem>>, vector<16xi32>,
      %get3A_1350 = arith.constant 416 : index
      %get3A_1351 = tpu.vector_load %arg6[%get3A_1350] {strides = array<i32>} : memref<1200xi32, #tpu.memory_space<vmem>>, vector<16xi32>,
      %get3A_1352 = arith.constant 816 : index
      %get3A_1353 = tpu.vector_load %arg6[%get3A_1352] {strides = array<i32>} : memref<1200xi32, #tpu.memory_space<vmem>>, vector<16xi32>,
      %mul3A_1354 = arith.constant 12 : i32
      %mul3A_1355 = vector.broadcast %mul3A_1354 : i32 to vector<16xi32>
      %mul3A_1356 = arith.muli %get3A_1349, %mul3A_1355 : vector<16xi32>
      %mul3A_1357 = arith.constant 2 : i32
      %mul3A_1358 = vector.broadcast %mul3A_1357 : i32 to vector<16xi32>
      %mul3A_1359 = arith.muli %get3A_1351, %mul3A_1358 : vector<16xi32>
      %add3A_1360 = arith.addi %mul3A_1356, %mul3A_1359 : vector<16xi32>
      %add3A_1361 = arith.addi %add3A_1360, %get3A_1353 : vector<16xi32>
      %swap3A_1362 = arith.constant 0 : i32
      %swap3A_1363 = arith.index_cast %swap3A_1362 : i32 to index
      %swap3A_1364 = arith.constant 16 : index
      %swap3A_1365 = tpu.vector_load %arg8[%swap3A_1363, %swap3A_1364] {strides = array<i32>} : memref<5x80xi32, #tpu.memory_space<vmem>>, vector<16xi32>,
      tpu.vector_store %arg8[%swap3A_1363, %swap3A_1364], %add3A_1361 {strides = array<i32>} : memref<5x80xi32, #tpu.memory_space<vmem>>, vector<16xi32>,
      %get3A_1366 = arith.constant 32 : index
      %get3A_1367 = tpu.vector_load %arg6[%get3A_1366] {strides = array<i32>} : memref<1200xi32, #tpu.memory_space<vmem>>, vector<16xi32>,
      %get3A_1368 = arith.constant 432 : index
      %get3A_1369 = tpu.vector_load %arg6[%get3A_1368] {strides = array<i32>} : memref<1200xi32, #tpu.memory_space<vmem>>, vector<16xi32>,
      %get3A_1370 = arith.constant 832 : index
      %get3A_1371 = tpu.vector_load %arg6[%get3A_1370] {strides = array<i32>} : memref<1200xi32, #tpu.memory_space<vmem>>, vector<16xi32>,
      %mul3A_1372 = arith.constant 12 : i32
      %mul3A_1373 = vector.broadcast %mul3A_1372 : i32 to vector<16xi32>
      %mul3A_1374 = arith.muli %get3A_1367, %mul3A_1373 : vector<16xi32>
      %mul3A_1375 = arith.constant 2 : i32
      %mul3A_1376 = vector.broadcast %mul3A_1375 : i32 to vector<16xi32>
      %mul3A_1377 = arith.muli %get3A_1369, %mul3A_1376 : vector<16xi32>
      %add3A_1378 = arith.addi %mul3A_1374, %mul3A_1377 : vector<16xi32>
      %add3A_1379 = arith.addi %add3A_1378, %get3A_1371 : vector<16xi32>
      %swap3A_1380 = arith.constant 0 : i32
      %swap3A_1381 = arith.index_cast %swap3A_1380 : i32 to index
      %swap3A_1382 = arith.constant 32 : index
      %swap3A_1383 = tpu.vector_load %arg8[%swap3A_1381, %swap3A_1382] {strides = array<i32>} : memref<5x80xi32, #tpu.memory_space<vmem>>, vector<16xi32>,
      tpu.vector_store %arg8[%swap3A_1381, %swap3A_1382], %add3A_1379 {strides = array<i32>} : memref<5x80xi32, #tpu.memory_space<vmem>>, vector<16xi32>,
      %get3A_1384 = arith.constant 48 : index
      %get3A_1385 = tpu.vector_load %arg6[%get3A_1384] {strides = array<i32>} : memref<1200xi32, #tpu.memory_space<vmem>>, vector<16xi32>,
      %get3A_1386 = arith.constant 448 : index
      %get3A_1387 = tpu.vector_load %arg6[%get3A_1386] {strides = array<i32>} : memref<1200xi32, #tpu.memory_space<vmem>>, vector<16xi32>,
      %get3A_1388 = arith.constant 848 : index
      %get3A_1389 = tpu.vector_load %arg6[%get3A_1388] {strides = array<i32>} : memref<1200xi32, #tpu.memory_space<vmem>>, vector<16xi32>,
      %mul3A_1390 = arith.constant 12 : i32
      %mul3A_1391 = vector.broadcast %mul3A_1390 : i32 to vector<16xi32>
      %mul3A_1392 = arith.muli %get3A_1385, %mul3A_1391 : vector<16xi32>
      %mul3A_1393 = arith.constant 2 : i32
      %mul3A_1394 = vector.broadcast %mul3A_1393 : i32 to vector<16xi32>
      %mul3A_1395 = arith.muli %get3A_1387, %mul3A_1394 : vector<16xi32>
      %add3A_1396 = arith.addi %mul3A_1392, %mul3A_1395 : vector<16xi32>
      %add3A_1397 = arith.addi %add3A_1396, %get3A_1389 : vector<16xi32>
      %swap3A_1398 = arith.constant 0 : i32
      %swap3A_1399 = arith.index_cast %swap3A_1398 : i32 to index
      %swap3A_1400 = arith.constant 48 : index
      %swap3A_1401 = tpu.vector_load %arg8[%swap3A_1399, %swap3A_1400] {strides = array<i32>} : memref<5x80xi32, #tpu.memory_space<vmem>>, vector<16xi32>,
      tpu.vector_store %arg8[%swap3A_1399, %swap3A_1400], %add3A_1397 {strides = array<i32>} : memref<5x80xi32, #tpu.memory_space<vmem>>, vector<16xi32>,
      %get3A_1402 = arith.constant 64 : index
      %get3A_1403 = tpu.vector_load %arg6[%get3A_1402] {strides = array<i32>} : memref<1200xi32, #tpu.memory_space<vmem>>, vector<16xi32>,
      %get3A_1404 = arith.constant 464 : index
      %get3A_1405 = tpu.vector_load %arg6[%get3A_1404] {strides = array<i32>} : memref<1200xi32, #tpu.memory_space<vmem>>, vector<16xi32>,
      %get3A_1406 = arith.constant 864 : index
      %get3A_1407 = tpu.vector_load %arg6[%get3A_1406] {strides = array<i32>} : memref<1200xi32, #tpu.memory_space<vmem>>, vector<16xi32>,
      %mul3A_1408 = arith.constant 12 : i32
      %mul3A_1409 = vector.broadcast %mul3A_1408 : i32 to vector<16xi32>
      %mul3A_1410 = arith.muli %get3A_1403, %mul3A_1409 : vector<16xi32>
      %mul3A_1411 = arith.constant 2 : i32
      %mul3A_1412 = vector.broadcast %mul3A_1411 : i32 to vector<16xi32>
      %mul3A_1413 = arith.muli %get3A_1405, %mul3A_1412 : vector<16xi32>
      %add3A_1414 = arith.addi %mul3A_1410, %mul3A_1413 : vector<16xi32>
      %add3A_1415 = arith.addi %add3A_1414, %get3A_1407 : vector<16xi32>
      %swap3A_1416 = arith.constant 0 : i32
      %swap3A_1417 = arith.index_cast %swap3A_1416 : i32 to index
      %swap3A_1418 = arith.constant 64 : index
      %swap3A_1419 = tpu.vector_load %arg8[%swap3A_1417, %swap3A_1418] {strides = array<i32>} : memref<5x80xi32, #tpu.memory_space<vmem>>, vector<16xi32>,
      tpu.vector_store %arg8[%swap3A_1417, %swap3A_1418], %add3A_1415 {strides = array<i32>} : memref<5x80xi32, #tpu.memory_space<vmem>>, vector<16xi32>,
      %get3A_1420 = arith.constant 80 : index
      %get3A_1421 = tpu.vector_load %arg6[%get3A_1420] {strides = array<i32>} : memref<1200xi32, #tpu.memory_space<vmem>>, vector<16xi32>,
      %get3A_1422 = arith.constant 480 : index
      %get3A_1423 = tpu.vector_load %arg6[%get3A_1422] {strides = array<i32>} : memref<1200xi32, #tpu.memory_space<vmem>>, vector<16xi32>,
      %get3A_1424 = arith.constant 880 : index
      %get3A_1425 = tpu.vector_load %arg6[%get3A_1424] {strides = array<i32>} : memref<1200xi32, #tpu.memory_space<vmem>>, vector<16xi32>,
      %mul3A_1426 = arith.constant 12 : i32
      %mul3A_1427 = vector.broadcast %mul3A_1426 : i32 to vector<16xi32>
      %mul3A_1428 = arith.muli %get3A_1421, %mul3A_1427 : vector<16xi32>
      %mul3A_1429 = arith.constant 2 : i32
      %mul3A_1430 = vector.broadcast %mul3A_1429 : i32 to vector<16xi32>
      %mul3A_1431 = arith.muli %get3A_1423, %mul3A_1430 : vector<16xi32>
      %add3A_1432 = arith.addi %mul3A_1428, %mul3A_1431 : vector<16xi32>
      %add3A_1433 = arith.addi %add3A_1432, %get3A_1425 : vector<16xi32>
      %swap3A_1434 = arith.constant 1 : i32
      %swap3A_1435 = arith.index_cast %swap3A_1434 : i32 to index
      %swap3A_1436 = arith.constant 0 : index
      %swap3A_1437 = tpu.vector_load %arg8[%swap3A_1435, %swap3A_1436] {strides = array<i32>} : memref<5x80xi32, #tpu.memory_space<vmem>>, vector<16xi32>,
      tpu.vector_store %arg8[%swap3A_1435, %swap3A_1436], %add3A_1433 {strides = array<i32>} : memref<5x80xi32, #tpu.memory_space<vmem>>, vector<16xi32>,
      %get3A_1438 = arith.constant 96 : index
      %get3A_1439 = tpu.vector_load %arg6[%get3A_1438] {strides = array<i32>} : memref<1200xi32, #tpu.memory_space<vmem>>, vector<16xi32>,
      %get3A_1440 = arith.constant 496 : index
      %get3A_1441 = tpu.vector_load %arg6[%get3A_1440] {strides = array<i32>} : memref<1200xi32, #tpu.memory_space<vmem>>, vector<16xi32>,
      %get3A_1442 = arith.constant 896 : index
      %get3A_1443 = tpu.vector_load %arg6[%get3A_1442] {strides = array<i32>} : memref<1200xi32, #tpu.memory_space<vmem>>, vector<16xi32>,
      %mul3A_1444 = arith.constant 12 : i32
      %mul3A_1445 = vector.broadcast %mul3A_1444 : i32 to vector<16xi32>
      %mul3A_1446 = arith.muli %get3A_1439, %mul3A_1445 : vector<16xi32>
      %mul3A_1447 = arith.constant 2 : i32
      %mul3A_1448 = vector.broadcast %mul3A_1447 : i32 to vector<16xi32>
      %mul3A_1449 = arith.muli %get3A_1441, %mul3A_1448 : vector<16xi32>
      %add3A_1450 = arith.addi %mul3A_1446, %mul3A_1449 : vector<16xi32>
      %add3A_1451 = arith.addi %add3A_1450, %get3A_1443 : vector<16xi32>
      %swap3A_1452 = arith.constant 1 : i32
      %swap3A_1453 = arith.index_cast %swap3A_1452 : i32 to index
      %swap3A_1454 = arith.constant 16 : index
      %swap3A_1455 = tpu.vector_load %arg8[%swap3A_1453, %swap3A_1454] {strides = array<i32>} : memref<5x80xi32, #tpu.memory_space<vmem>>, vector<16xi32>,
      tpu.vector_store %arg8[%swap3A_1453, %swap3A_1454], %add3A_1451 {strides = array<i32>} : memref<5x80xi32, #tpu.memory_space<vmem>>, vector<16xi32>,
      %get3A_1456 = arith.constant 112 : index
      %get3A_1457 = tpu.vector_load %arg6[%get3A_1456] {strides = array<i32>} : memref<1200xi32, #tpu.memory_space<vmem>>, vector<16xi32>,
      %get3A_1458 = arith.constant 512 : index
      %get3A_1459 = tpu.vector_load %arg6[%get3A_1458] {strides = array<i32>} : memref<1200xi32, #tpu.memory_space<vmem>>, vector<16xi32>,
      %get3A_1460 = arith.constant 912 : index
      %get3A_1461 = tpu.vector_load %arg6[%get3A_1460] {strides = array<i32>} : memref<1200xi32, #tpu.memory_space<vmem>>, vector<16xi32>,
      %mul3A_1462 = arith.constant 12 : i32
      %mul3A_1463 = vector.broadcast %mul3A_1462 : i32 to vector<16xi32>
      %mul3A_1464 = arith.muli %get3A_1457, %mul3A_1463 : vector<16xi32>
      %mul3A_1465 = arith.constant 2 : i32
      %mul3A_1466 = vector.broadcast %mul3A_1465 : i32 to vector<16xi32>
      %mul3A_1467 = arith.muli %get3A_1459, %mul3A_1466 : vector<16xi32>
      %add3A_1468 = arith.addi %mul3A_1464, %mul3A_1467 : vector<16xi32>
      %add3A_1469 = arith.addi %add3A_1468, %get3A_1461 : vector<16xi32>
      %swap3A_1470 = arith.constant 1 : i32
      %swap3A_1471 = arith.index_cast %swap3A_1470 : i32 to index
      %swap3A_1472 = arith.constant 32 : index
      %swap3A_1473 = tpu.vector_load %arg8[%swap3A_1471, %swap3A_1472] {strides = array<i32>} : memref<5x80xi32, #tpu.memory_space<vmem>>, vector<16xi32>,
      tpu.vector_store %arg8[%swap3A_1471, %swap3A_1472], %add3A_1469 {strides = array<i32>} : memref<5x80xi32, #tpu.memory_space<vmem>>, vector<16xi32>,
      %get3A_1474 = arith.constant 128 : index
      %get3A_1475 = tpu.vector_load %arg6[%get3A_1474] {strides = array<i32>} : memref<1200xi32, #tpu.memory_space<vmem>>, vector<16xi32>,
      %get3A_1476 = arith.constant 528 : index
      %get3A_1477 = tpu.vector_load %arg6[%get3A_1476] {strides = array<i32>} : memref<1200xi32, #tpu.memory_space<vmem>>, vector<16xi32>,
      %get3A_1478 = arith.constant 928 : index
      %get3A_1479 = tpu.vector_load %arg6[%get3A_1478] {strides = array<i32>} : memref<1200xi32, #tpu.memory_space<vmem>>, vector<16xi32>,
      %mul3A_1480 = arith.constant 12 : i32
      %mul3A_1481 = vector.broadcast %mul3A_1480 : i32 to vector<16xi32>
      %mul3A_1482 = arith.muli %get3A_1475, %mul3A_1481 : vector<16xi32>
      %mul3A_1483 = arith.constant 2 : i32
      %mul3A_1484 = vector.broadcast %mul3A_1483 : i32 to vector<16xi32>
      %mul3A_1485 = arith.muli %get3A_1477, %mul3A_1484 : vector<16xi32>
      %add3A_1486 = arith.addi %mul3A_1482, %mul3A_1485 : vector<16xi32>
      %add3A_1487 = arith.addi %add3A_1486, %get3A_1479 : vector<16xi32>
      %swap3A_1488 = arith.constant 1 : i32
      %swap3A_1489 = arith.index_cast %swap3A_1488 : i32 to index
      %swap3A_1490 = arith.constant 48 : index
      %swap3A_1491 = tpu.vector_load %arg8[%swap3A_1489, %swap3A_1490] {strides = array<i32>} : memref<5x80xi32, #tpu.memory_space<vmem>>, vector<16xi32>,
      tpu.vector_store %arg8[%swap3A_1489, %swap3A_1490], %add3A_1487 {strides = array<i32>} : memref<5x80xi32, #tpu.memory_space<vmem>>, vector<16xi32>,
      %get3A_1492 = arith.constant 144 : index
      %get3A_1493 = tpu.vector_load %arg6[%get3A_1492] {strides = array<i32>} : memref<1200xi32, #tpu.memory_space<vmem>>, vector<16xi32>,
      %get3A_1494 = arith.constant 544 : index
      %get3A_1495 = tpu.vector_load %arg6[%get3A_1494] {strides = array<i32>} : memref<1200xi32, #tpu.memory_space<vmem>>, vector<16xi32>,
      %get3A_1496 = arith.constant 944 : index
      %get3A_1497 = tpu.vector_load %arg6[%get3A_1496] {strides = array<i32>} : memref<1200xi32, #tpu.memory_space<vmem>>, vector<16xi32>,
      %mul3A_1498 = arith.constant 12 : i32
      %mul3A_1499 = vector.broadcast %mul3A_1498 : i32 to vector<16xi32>
      %mul3A_1500 = arith.muli %get3A_1493, %mul3A_1499 : vector<16xi32>
      %mul3A_1501 = arith.constant 2 : i32
      %mul3A_1502 = vector.broadcast %mul3A_1501 : i32 to vector<16xi32>
      %mul3A_1503 = arith.muli %get3A_1495, %mul3A_1502 : vector<16xi32>
      %add3A_1504 = arith.addi %mul3A_1500, %mul3A_1503 : vector<16xi32>
      %add3A_1505 = arith.addi %add3A_1504, %get3A_1497 : vector<16xi32>
      %swap3A_1506 = arith.constant 1 : i32
      %swap3A_1507 = arith.index_cast %swap3A_1506 : i32 to index
      %swap3A_1508 = arith.constant 64 : index
      %swap3A_1509 = tpu.vector_load %arg8[%swap3A_1507, %swap3A_1508] {strides = array<i32>} : memref<5x80xi32, #tpu.memory_space<vmem>>, vector<16xi32>,
      tpu.vector_store %arg8[%swap3A_1507, %swap3A_1508], %add3A_1505 {strides = array<i32>} : memref<5x80xi32, #tpu.memory_space<vmem>>, vector<16xi32>,
      %get3A_1510 = arith.constant 160 : index
      %get3A_1511 = tpu.vector_load %arg6[%get3A_1510] {strides = array<i32>} : memref<1200xi32, #tpu.memory_space<vmem>>, vector<16xi32>,
      %get3A_1512 = arith.constant 560 : index
      %get3A_1513 = tpu.vector_load %arg6[%get3A_1512] {strides = array<i32>} : memref<1200xi32, #tpu.memory_space<vmem>>, vector<16xi32>,
      %get3A_1514 = arith.constant 960 : index
      %get3A_1515 = tpu.vector_load %arg6[%get3A_1514] {strides = array<i32>} : memref<1200xi32, #tpu.memory_space<vmem>>, vector<16xi32>,
      %mul3A_1516 = arith.constant 12 : i32
      %mul3A_1517 = vector.broadcast %mul3A_1516 : i32 to vector<16xi32>
      %mul3A_1518 = arith.muli %get3A_1511, %mul3A_1517 : vector<16xi32>
      %mul3A_1519 = arith.constant 2 : i32
      %mul3A_1520 = vector.broadcast %mul3A_1519 : i32 to vector<16xi32>
      %mul3A_1521 = arith.muli %get3A_1513, %mul3A_1520 : vector<16xi32>
      %add3A_1522 = arith.addi %mul3A_1518, %mul3A_1521 : vector<16xi32>
      %add3A_1523 = arith.addi %add3A_1522, %get3A_1515 : vector<16xi32>
      %swap3A_1524 = arith.constant 2 : i32
      %swap3A_1525 = arith.index_cast %swap3A_1524 : i32 to index
      %swap3A_1526 = arith.constant 0 : index
      %swap3A_1527 = tpu.vector_load %arg8[%swap3A_1525, %swap3A_1526] {strides = array<i32>} : memref<5x80xi32, #tpu.memory_space<vmem>>, vector<16xi32>,
      tpu.vector_store %arg8[%swap3A_1525, %swap3A_1526], %add3A_1523 {strides = array<i32>} : memref<5x80xi32, #tpu.memory_space<vmem>>, vector<16xi32>,
      %get3A_1528 = arith.constant 176 : index
      %get3A_1529 = tpu.vector_load %arg6[%get3A_1528] {strides = array<i32>} : memref<1200xi32, #tpu.memory_space<vmem>>, vector<16xi32>,
      %get3A_1530 = arith.constant 576 : index
      %get3A_1531 = tpu.vector_load %arg6[%get3A_1530] {strides = array<i32>} : memref<1200xi32, #tpu.memory_space<vmem>>, vector<16xi32>,
      %get3A_1532 = arith.constant 976 : index
      %get3A_1533 = tpu.vector_load %arg6[%get3A_1532] {strides = array<i32>} : memref<1200xi32, #tpu.memory_space<vmem>>, vector<16xi32>,
      %mul3A_1534 = arith.constant 12 : i32
      %mul3A_1535 = vector.broadcast %mul3A_1534 : i32 to vector<16xi32>
      %mul3A_1536 = arith.muli %get3A_1529, %mul3A_1535 : vector<16xi32>
      %mul3A_1537 = arith.constant 2 : i32
      %mul3A_1538 = vector.broadcast %mul3A_1537 : i32 to vector<16xi32>
      %mul3A_1539 = arith.muli %get3A_1531, %mul3A_1538 : vector<16xi32>
      %add3A_1540 = arith.addi %mul3A_1536, %mul3A_1539 : vector<16xi32>
      %add3A_1541 = arith.addi %add3A_1540, %get3A_1533 : vector<16xi32>
      %swap3A_1542 = arith.constant 2 : i32
      %swap3A_1543 = arith.index_cast %swap3A_1542 : i32 to index
      %swap3A_1544 = arith.constant 16 : index
      %swap3A_1545 = tpu.vector_load %arg8[%swap3A_1543, %swap3A_1544] {strides = array<i32>} : memref<5x80xi32, #tpu.memory_space<vmem>>, vector<16xi32>,
      tpu.vector_store %arg8[%swap3A_1543, %swap3A_1544], %add3A_1541 {strides = array<i32>} : memref<5x80xi32, #tpu.memory_space<vmem>>, vector<16xi32>,
      %get3A_1546 = arith.constant 192 : index
      %get3A_1547 = tpu.vector_load %arg6[%get3A_1546] {strides = array<i32>} : memref<1200xi32, #tpu.memory_space<vmem>>, vector<16xi32>,
      %get3A_1548 = arith.constant 592 : index
      %get3A_1549 = tpu.vector_load %arg6[%get3A_1548] {strides = array<i32>} : memref<1200xi32, #tpu.memory_space<vmem>>, vector<16xi32>,
      %get3A_1550 = arith.constant 992 : index
      %get3A_1551 = tpu.vector_load %arg6[%get3A_1550] {strides = array<i32>} : memref<1200xi32, #tpu.memory_space<vmem>>, vector<16xi32>,
      %mul3A_1552 = arith.constant 12 : i32
      %mul3A_1553 = vector.broadcast %mul3A_1552 : i32 to vector<16xi32>
      %mul3A_1554 = arith.muli %get3A_1547, %mul3A_1553 : vector<16xi32>
      %mul3A_1555 = arith.constant 2 : i32
      %mul3A_1556 = vector.broadcast %mul3A_1555 : i32 to vector<16xi32>
      %mul3A_1557 = arith.muli %get3A_1549, %mul3A_1556 : vector<16xi32>
      %add3A_1558 = arith.addi %mul3A_1554, %mul3A_1557 : vector<16xi32>
      %add3A_1559 = arith.addi %add3A_1558, %get3A_1551 : vector<16xi32>
      %swap3A_1560 = arith.constant 2 : i32
      %swap3A_1561 = arith.index_cast %swap3A_1560 : i32 to index
      %swap3A_1562 = arith.constant 32 : index
      %swap3A_1563 = tpu.vector_load %arg8[%swap3A_1561, %swap3A_1562] {strides = array<i32>} : memref<5x80xi32, #tpu.memory_space<vmem>>, vector<16xi32>,
      tpu.vector_store %arg8[%swap3A_1561, %swap3A_1562], %add3A_1559 {strides = array<i32>} : memref<5x80xi32, #tpu.memory_space<vmem>>, vector<16xi32>,
      %get3A_1564 = arith.constant 208 : index
      %get3A_1565 = tpu.vector_load %arg6[%get3A_1564] {strides = array<i32>} : memref<1200xi32, #tpu.memory_space<vmem>>, vector<16xi32>,
      %get3A_1566 = arith.constant 608 : index
      %get3A_1567 = tpu.vector_load %arg6[%get3A_1566] {strides = array<i32>} : memref<1200xi32, #tpu.memory_space<vmem>>, vector<16xi32>,
      %get3A_1568 = arith.constant 1008 : index
      %get3A_1569 = tpu.vector_load %arg6[%get3A_1568] {strides = array<i32>} : memref<1200xi32, #tpu.memory_space<vmem>>, vector<16xi32>,
      %mul3A_1570 = arith.constant 12 : i32
      %mul3A_1571 = vector.broadcast %mul3A_1570 : i32 to vector<16xi32>
      %mul3A_1572 = arith.muli %get3A_1565, %mul3A_1571 : vector<16xi32>
      %mul3A_1573 = arith.constant 2 : i32
      %mul3A_1574 = vector.broadcast %mul3A_1573 : i32 to vector<16xi32>
      %mul3A_1575 = arith.muli %get3A_1567, %mul3A_1574 : vector<16xi32>
      %add3A_1576 = arith.addi %mul3A_1572, %mul3A_1575 : vector<16xi32>
      %add3A_1577 = arith.addi %add3A_1576, %get3A_1569 : vector<16xi32>
      %swap3A_1578 = arith.constant 2 : i32
      %swap3A_1579 = arith.index_cast %swap3A_1578 : i32 to index
      %swap3A_1580 = arith.constant 48 : index
      %swap3A_1581 = tpu.vector_load %arg8[%swap3A_1579, %swap3A_1580] {strides = array<i32>} : memref<5x80xi32, #tpu.memory_space<vmem>>, vector<16xi32>,
      tpu.vector_store %arg8[%swap3A_1579, %swap3A_1580], %add3A_1577 {strides = array<i32>} : memref<5x80xi32, #tpu.memory_space<vmem>>, vector<16xi32>,
      %get3A_1582 = arith.constant 224 : index
      %get3A_1583 = tpu.vector_load %arg6[%get3A_1582] {strides = array<i32>} : memref<1200xi32, #tpu.memory_space<vmem>>, vector<16xi32>,
      %get3A_1584 = arith.constant 624 : index
      %get3A_1585 = tpu.vector_load %arg6[%get3A_1584] {strides = array<i32>} : memref<1200xi32, #tpu.memory_space<vmem>>, vector<16xi32>,
      %get3A_1586 = arith.constant 1024 : index
      %get3A_1587 = tpu.vector_load %arg6[%get3A_1586] {strides = array<i32>} : memref<1200xi32, #tpu.memory_space<vmem>>, vector<16xi32>,
      %mul3A_1588 = arith.constant 12 : i32
      %mul3A_1589 = vector.broadcast %mul3A_1588 : i32 to vector<16xi32>
      %mul3A_1590 = arith.muli %get3A_1583, %mul3A_1589 : vector<16xi32>
      %mul3A_1591 = arith.constant 2 : i32
      %mul3A_1592 = vector.broadcast %mul3A_1591 : i32 to vector<16xi32>
      %mul3A_1593 = arith.muli %get3A_1585, %mul3A_1592 : vector<16xi32>
      %add3A_1594 = arith.addi %mul3A_1590, %mul3A_1593 : vector<16xi32>
      %add3A_1595 = arith.addi %add3A_1594, %get3A_1587 : vector<16xi32>
      %swap3A_1596 = arith.constant 2 : i32
      %swap3A_1597 = arith.index_cast %swap3A_1596 : i32 to index
      %swap3A_1598 = arith.constant 64 : index
      %swap3A_1599 = tpu.vector_load %arg8[%swap3A_1597, %swap3A_1598] {strides = array<i32>} : memref<5x80xi32, #tpu.memory_space<vmem>>, vector<16xi32>,
      tpu.vector_store %arg8[%swap3A_1597, %swap3A_1598], %add3A_1595 {strides = array<i32>} : memref<5x80xi32, #tpu.memory_space<vmem>>, vector<16xi32>,
      %get3A_1600 = arith.constant 240 : index
      %get3A_1601 = tpu.vector_load %arg6[%get3A_1600] {strides = array<i32>} : memref<1200xi32, #tpu.memory_space<vmem>>, vector<16xi32>,
      %get3A_1602 = arith.constant 640 : index
      %get3A_1603 = tpu.vector_load %arg6[%get3A_1602] {strides = array<i32>} : memref<1200xi32, #tpu.memory_space<vmem>>, vector<16xi32>,
      %get3A_1604 = arith.constant 1040 : index
      %get3A_1605 = tpu.vector_load %arg6[%get3A_1604] {strides = array<i32>} : memref<1200xi32, #tpu.memory_space<vmem>>, vector<16xi32>,
      %mul3A_1606 = arith.constant 12 : i32
      %mul3A_1607 = vector.broadcast %mul3A_1606 : i32 to vector<16xi32>
      %mul3A_1608 = arith.muli %get3A_1601, %mul3A_1607 : vector<16xi32>
      %mul3A_1609 = arith.constant 2 : i32
      %mul3A_1610 = vector.broadcast %mul3A_1609 : i32 to vector<16xi32>
      %mul3A_1611 = arith.muli %get3A_1603, %mul3A_1610 : vector<16xi32>
      %add3A_1612 = arith.addi %mul3A_1608, %mul3A_1611 : vector<16xi32>
      %add3A_1613 = arith.addi %add3A_1612, %get3A_1605 : vector<16xi32>
      %swap3A_1614 = arith.constant 3 : i32
      %swap3A_1615 = arith.index_cast %swap3A_1614 : i32 to index
      %swap3A_1616 = arith.constant 0 : index
      %swap3A_1617 = tpu.vector_load %arg8[%swap3A_1615, %swap3A_1616] {strides = array<i32>} : memref<5x80xi32, #tpu.memory_space<vmem>>, vector<16xi32>,
      tpu.vector_store %arg8[%swap3A_1615, %swap3A_1616], %add3A_1613 {strides = array<i32>} : memref<5x80xi32, #tpu.memory_space<vmem>>, vector<16xi32>,
      %get3A_1618 = arith.constant 256 : index
      %get3A_1619 = tpu.vector_load %arg6[%get3A_1618] {strides = array<i32>} : memref<1200xi32, #tpu.memory_space<vmem>>, vector<16xi32>,
      %get3A_1620 = arith.constant 656 : index
      %get3A_1621 = tpu.vector_load %arg6[%get3A_1620] {strides = array<i32>} : memref<1200xi32, #tpu.memory_space<vmem>>, vector<16xi32>,
      %get3A_1622 = arith.constant 1056 : index
      %get3A_1623 = tpu.vector_load %arg6[%get3A_1622] {strides = array<i32>} : memref<1200xi32, #tpu.memory_space<vmem>>, vector<16xi32>,
      %mul3A_1624 = arith.constant 12 : i32
      %mul3A_1625 = vector.broadcast %mul3A_1624 : i32 to vector<16xi32>
      %mul3A_1626 = arith.muli %get3A_1619, %mul3A_1625 : vector<16xi32>
      %mul3A_1627 = arith.constant 2 : i32
      %mul3A_1628 = vector.broadcast %mul3A_1627 : i32 to vector<16xi32>
      %mul3A_1629 = arith.muli %get3A_1621, %mul3A_1628 : vector<16xi32>
      %add3A_1630 = arith.addi %mul3A_1626, %mul3A_1629 : vector<16xi32>
      %add3A_1631 = arith.addi %add3A_1630, %get3A_1623 : vector<16xi32>
      %swap3A_1632 = arith.constant 3 : i32
      %swap3A_1633 = arith.index_cast %swap3A_1632 : i32 to index
      %swap3A_1634 = arith.constant 16 : index
      %swap3A_1635 = tpu.vector_load %arg8[%swap3A_1633, %swap3A_1634] {strides = array<i32>} : memref<5x80xi32, #tpu.memory_space<vmem>>, vector<16xi32>,
      tpu.vector_store %arg8[%swap3A_1633, %swap3A_1634], %add3A_1631 {strides = array<i32>} : memref<5x80xi32, #tpu.memory_space<vmem>>, vector<16xi32>,
      %get3A_1636 = arith.constant 272 : index
      %get3A_1637 = tpu.vector_load %arg6[%get3A_1636] {strides = array<i32>} : memref<1200xi32, #tpu.memory_space<vmem>>, vector<16xi32>,
      %get3A_1638 = arith.constant 672 : index
      %get3A_1639 = tpu.vector_load %arg6[%get3A_1638] {strides = array<i32>} : memref<1200xi32, #tpu.memory_space<vmem>>, vector<16xi32>,
      %get3A_1640 = arith.constant 1072 : index
      %get3A_1641 = tpu.vector_load %arg6[%get3A_1640] {strides = array<i32>} : memref<1200xi32, #tpu.memory_space<vmem>>, vector<16xi32>,
      %mul3A_1642 = arith.constant 12 : i32
      %mul3A_1643 = vector.broadcast %mul3A_1642 : i32 to vector<16xi32>
      %mul3A_1644 = arith.muli %get3A_1637, %mul3A_1643 : vector<16xi32>
      %mul3A_1645 = arith.constant 2 : i32
      %mul3A_1646 = vector.broadcast %mul3A_1645 : i32 to vector<16xi32>
      %mul3A_1647 = arith.muli %get3A_1639, %mul3A_1646 : vector<16xi32>
      %add3A_1648 = arith.addi %mul3A_1644, %mul3A_1647 : vector<16xi32>
      %add3A_1649 = arith.addi %add3A_1648, %get3A_1641 : vector<16xi32>
      %swap3A_1650 = arith.constant 3 : i32
      %swap3A_1651 = arith.index_cast %swap3A_1650 : i32 to index
      %swap3A_1652 = arith.constant 32 : index
      %swap3A_1653 = tpu.vector_load %arg8[%swap3A_1651, %swap3A_1652] {strides = array<i32>} : memref<5x80xi32, #tpu.memory_space<vmem>>, vector<16xi32>,
      tpu.vector_store %arg8[%swap3A_1651, %swap3A_1652], %add3A_1649 {strides = array<i32>} : memref<5x80xi32, #tpu.memory_space<vmem>>, vector<16xi32>,
      %get3A_1654 = arith.constant 288 : index
      %get3A_1655 = tpu.vector_load %arg6[%get3A_1654] {strides = array<i32>} : memref<1200xi32, #tpu.memory_space<vmem>>, vector<16xi32>,
      %get3A_1656 = arith.constant 688 : index
      %get3A_1657 = tpu.vector_load %arg6[%get3A_1656] {strides = array<i32>} : memref<1200xi32, #tpu.memory_space<vmem>>, vector<16xi32>,
      %get3A_1658 = arith.constant 1088 : index
      %get3A_1659 = tpu.vector_load %arg6[%get3A_1658] {strides = array<i32>} : memref<1200xi32, #tpu.memory_space<vmem>>, vector<16xi32>,
      %mul3A_1660 = arith.constant 12 : i32
      %mul3A_1661 = vector.broadcast %mul3A_1660 : i32 to vector<16xi32>
      %mul3A_1662 = arith.muli %get3A_1655, %mul3A_1661 : vector<16xi32>
      %mul3A_1663 = arith.constant 2 : i32
      %mul3A_1664 = vector.broadcast %mul3A_1663 : i32 to vector<16xi32>
      %mul3A_1665 = arith.muli %get3A_1657, %mul3A_1664 : vector<16xi32>
      %add3A_1666 = arith.addi %mul3A_1662, %mul3A_1665 : vector<16xi32>
      %add3A_1667 = arith.addi %add3A_1666, %get3A_1659 : vector<16xi32>
      %swap3A_1668 = arith.constant 3 : i32
      %swap3A_1669 = arith.index_cast %swap3A_1668 : i32 to index
      %swap3A_1670 = arith.constant 48 : index
      %swap3A_1671 = tpu.vector_load %arg8[%swap3A_1669, %swap3A_1670] {strides = array<i32>} : memref<5x80xi32, #tpu.memory_space<vmem>>, vector<16xi32>,
      tpu.vector_store %arg8[%swap3A_1669, %swap3A_1670], %add3A_1667 {strides = array<i32>} : memref<5x80xi32, #tpu.memory_space<vmem>>, vector<16xi32>,
      %get3A_1672 = arith.constant 304 : index
      %get3A_1673 = tpu.vector_load %arg6[%get3A_1672] {strides = array<i32>} : memref<1200xi32, #tpu.memory_space<vmem>>, vector<16xi32>,
      %get3A_1674 = arith.constant 704 : index
      %get3A_1675 = tpu.vector_load %arg6[%get3A_1674] {strides = array<i32>} : memref<1200xi32, #tpu.memory_space<vmem>>, vector<16xi32>,
      %get3A_1676 = arith.constant 1104 : index
      %get3A_1677 = tpu.vector_load %arg6[%get3A_1676] {strides = array<i32>} : memref<1200xi32, #tpu.memory_space<vmem>>, vector<16xi32>,
      %mul3A_1678 = arith.constant 12 : i32
      %mul3A_1679 = vector.broadcast %mul3A_1678 : i32 to vector<16xi32>
      %mul3A_1680 = arith.muli %get3A_1673, %mul3A_1679 : vector<16xi32>
      %mul3A_1681 = arith.constant 2 : i32
      %mul3A_1682 = vector.broadcast %mul3A_1681 : i32 to vector<16xi32>
      %mul3A_1683 = arith.muli %get3A_1675, %mul3A_1682 : vector<16xi32>
      %add3A_1684 = arith.addi %mul3A_1680, %mul3A_1683 : vector<16xi32>
      %add3A_1685 = arith.addi %add3A_1684, %get3A_1677 : vector<16xi32>
      %swap3A_1686 = arith.constant 3 : i32
      %swap3A_1687 = arith.index_cast %swap3A_1686 : i32 to index
      %swap3A_1688 = arith.constant 64 : index
      %swap3A_1689 = tpu.vector_load %arg8[%swap3A_1687, %swap3A_1688] {strides = array<i32>} : memref<5x80xi32, #tpu.memory_space<vmem>>, vector<16xi32>,
      tpu.vector_store %arg8[%swap3A_1687, %swap3A_1688], %add3A_1685 {strides = array<i32>} : memref<5x80xi32, #tpu.memory_space<vmem>>, vector<16xi32>,
      %get3A_1690 = arith.constant 320 : index
      %get3A_1691 = tpu.vector_load %arg6[%get3A_1690] {strides = array<i32>} : memref<1200xi32, #tpu.memory_space<vmem>>, vector<16xi32>,
      %get3A_1692 = arith.constant 720 : index
      %get3A_1693 = tpu.vector_load %arg6[%get3A_1692] {strides = array<i32>} : memref<1200xi32, #tpu.memory_space<vmem>>, vector<16xi32>,
      %get3A_1694 = arith.constant 1120 : index
      %get3A_1695 = tpu.vector_load %arg6[%get3A_1694] {strides = array<i32>} : memref<1200xi32, #tpu.memory_space<vmem>>, vector<16xi32>,
      %mul3A_1696 = arith.constant 12 : i32
      %mul3A_1697 = vector.broadcast %mul3A_1696 : i32 to vector<16xi32>
      %mul3A_1698 = arith.muli %get3A_1691, %mul3A_1697 : vector<16xi32>
      %mul3A_1699 = arith.constant 2 : i32
      %mul3A_1700 = vector.broadcast %mul3A_1699 : i32 to vector<16xi32>
      %mul3A_1701 = arith.muli %get3A_1693, %mul3A_1700 : vector<16xi32>
      %add3A_1702 = arith.addi %mul3A_1698, %mul3A_1701 : vector<16xi32>
      %add3A_1703 = arith.addi %add3A_1702, %get3A_1695 : vector<16xi32>
      %swap3A_1704 = arith.constant 4 : i32
      %swap3A_1705 = arith.index_cast %swap3A_1704 : i32 to index
      %swap3A_1706 = arith.constant 0 : index
      %swap3A_1707 = tpu.vector_load %arg8[%swap3A_1705, %swap3A_1706] {strides = array<i32>} : memref<5x80xi32, #tpu.memory_space<vmem>>, vector<16xi32>,
      tpu.vector_store %arg8[%swap3A_1705, %swap3A_1706], %add3A_1703 {strides = array<i32>} : memref<5x80xi32, #tpu.memory_space<vmem>>, vector<16xi32>,
      %get3A_1708 = arith.constant 336 : index
      %get3A_1709 = tpu.vector_load %arg6[%get3A_1708] {strides = array<i32>} : memref<1200xi32, #tpu.memory_space<vmem>>, vector<16xi32>,
      %get3A_1710 = arith.constant 736 : index
      %get3A_1711 = tpu.vector_load %arg6[%get3A_1710] {strides = array<i32>} : memref<1200xi32, #tpu.memory_space<vmem>>, vector<16xi32>,
      %get3A_1712 = arith.constant 1136 : index
      %get3A_1713 = tpu.vector_load %arg6[%get3A_1712] {strides = array<i32>} : memref<1200xi32, #tpu.memory_space<vmem>>, vector<16xi32>,
      %mul3A_1714 = arith.constant 12 : i32
      %mul3A_1715 = vector.broadcast %mul3A_1714 : i32 to vector<16xi32>
      %mul3A_1716 = arith.muli %get3A_1709, %mul3A_1715 : vector<16xi32>
      %mul3A_1717 = arith.constant 2 : i32
      %mul3A_1718 = vector.broadcast %mul3A_1717 : i32 to vector<16xi32>
      %mul3A_1719 = arith.muli %get3A_1711, %mul3A_1718 : vector<16xi32>
      %add3A_1720 = arith.addi %mul3A_1716, %mul3A_1719 : vector<16xi32>
      %add3A_1721 = arith.addi %add3A_1720, %get3A_1713 : vector<16xi32>
      %swap3A_1722 = arith.constant 4 : i32
      %swap3A_1723 = arith.index_cast %swap3A_1722 : i32 to index
      %swap3A_1724 = arith.constant 16 : index
      %swap3A_1725 = tpu.vector_load %arg8[%swap3A_1723, %swap3A_1724] {strides = array<i32>} : memref<5x80xi32, #tpu.memory_space<vmem>>, vector<16xi32>,
      tpu.vector_store %arg8[%swap3A_1723, %swap3A_1724], %add3A_1721 {strides = array<i32>} : memref<5x80xi32, #tpu.memory_space<vmem>>, vector<16xi32>,
      %get3A_1726 = arith.constant 352 : index
      %get3A_1727 = tpu.vector_load %arg6[%get3A_1726] {strides = array<i32>} : memref<1200xi32, #tpu.memory_space<vmem>>, vector<16xi32>,
      %get3A_1728 = arith.constant 752 : index
      %get3A_1729 = tpu.vector_load %arg6[%get3A_1728] {strides = array<i32>} : memref<1200xi32, #tpu.memory_space<vmem>>, vector<16xi32>,
      %get3A_1730 = arith.constant 1152 : index
      %get3A_1731 = tpu.vector_load %arg6[%get3A_1730] {strides = array<i32>} : memref<1200xi32, #tpu.memory_space<vmem>>, vector<16xi32>,
      %mul3A_1732 = arith.constant 12 : i32
      %mul3A_1733 = vector.broadcast %mul3A_1732 : i32 to vector<16xi32>
      %mul3A_1734 = arith.muli %get3A_1727, %mul3A_1733 : vector<16xi32>
      %mul3A_1735 = arith.constant 2 : i32
      %mul3A_1736 = vector.broadcast %mul3A_1735 : i32 to vector<16xi32>
      %mul3A_1737 = arith.muli %get3A_1729, %mul3A_1736 : vector<16xi32>
      %add3A_1738 = arith.addi %mul3A_1734, %mul3A_1737 : vector<16xi32>
      %add3A_1739 = arith.addi %add3A_1738, %get3A_1731 : vector<16xi32>
      %swap3A_1740 = arith.constant 4 : i32
      %swap3A_1741 = arith.index_cast %swap3A_1740 : i32 to index
      %swap3A_1742 = arith.constant 32 : index
      %swap3A_1743 = tpu.vector_load %arg8[%swap3A_1741, %swap3A_1742] {strides = array<i32>} : memref<5x80xi32, #tpu.memory_space<vmem>>, vector<16xi32>,
      tpu.vector_store %arg8[%swap3A_1741, %swap3A_1742], %add3A_1739 {strides = array<i32>} : memref<5x80xi32, #tpu.memory_space<vmem>>, vector<16xi32>,
      %get3A_1744 = arith.constant 368 : index
      %get3A_1745 = tpu.vector_load %arg6[%get3A_1744] {strides = array<i32>} : memref<1200xi32, #tpu.memory_space<vmem>>, vector<16xi32>,
      %get3A_1746 = arith.constant 768 : index
      %get3A_1747 = tpu.vector_load %arg6[%get3A_1746] {strides = array<i32>} : memref<1200xi32, #tpu.memory_space<vmem>>, vector<16xi32>,
      %get3A_1748 = arith.constant 1168 : index
      %get3A_1749 = tpu.vector_load %arg6[%get3A_1748] {strides = array<i32>} : memref<1200xi32, #tpu.memory_space<vmem>>, vector<16xi32>,
      %mul3A_1750 = arith.constant 12 : i32
      %mul3A_1751 = vector.broadcast %mul3A_1750 : i32 to vector<16xi32>
      %mul3A_1752 = arith.muli %get3A_1745, %mul3A_1751 : vector<16xi32>
      %mul3A_1753 = arith.constant 2 : i32
      %mul3A_1754 = vector.broadcast %mul3A_1753 : i32 to vector<16xi32>
      %mul3A_1755 = arith.muli %get3A_1747, %mul3A_1754 : vector<16xi32>
      %add3A_1756 = arith.addi %mul3A_1752, %mul3A_1755 : vector<16xi32>
      %add3A_1757 = arith.addi %add3A_1756, %get3A_1749 : vector<16xi32>
      %swap3A_1758 = arith.constant 4 : i32
      %swap3A_1759 = arith.index_cast %swap3A_1758 : i32 to index
      %swap3A_1760 = arith.constant 48 : index
      %swap3A_1761 = tpu.vector_load %arg8[%swap3A_1759, %swap3A_1760] {strides = array<i32>} : memref<5x80xi32, #tpu.memory_space<vmem>>, vector<16xi32>,
      tpu.vector_store %arg8[%swap3A_1759, %swap3A_1760], %add3A_1757 {strides = array<i32>} : memref<5x80xi32, #tpu.memory_space<vmem>>, vector<16xi32>,
      %get3A_1762 = arith.constant 384 : index
      %get3A_1763 = tpu.vector_load %arg6[%get3A_1762] {strides = array<i32>} : memref<1200xi32, #tpu.memory_space<vmem>>, vector<16xi32>,
      %get3A_1764 = arith.constant 784 : index
      %get3A_1765 = tpu.vector_load %arg6[%get3A_1764] {strides = array<i32>} : memref<1200xi32, #tpu.memory_space<vmem>>, vector<16xi32>,
      %get3A_1766 = arith.constant 1184 : index
      %get3A_1767 = tpu.vector_load %arg6[%get3A_1766] {strides = array<i32>} : memref<1200xi32, #tpu.memory_space<vmem>>, vector<16xi32>,
      %mul3A_1768 = arith.constant 12 : i32
      %mul3A_1769 = vector.broadcast %mul3A_1768 : i32 to vector<16xi32>
      %mul3A_1770 = arith.muli %get3A_1763, %mul3A_1769 : vector<16xi32>
      %mul3A_1771 = arith.constant 2 : i32
      %mul3A_1772 = vector.broadcast %mul3A_1771 : i32 to vector<16xi32>
      %mul3A_1773 = arith.muli %get3A_1765, %mul3A_1772 : vector<16xi32>
      %add3A_1774 = arith.addi %mul3A_1770, %mul3A_1773 : vector<16xi32>
      %add3A_1775 = arith.addi %add3A_1774, %get3A_1767 : vector<16xi32>
      %swap3A_1776 = arith.constant 4 : i32
      %swap3A_1777 = arith.index_cast %swap3A_1776 : i32 to index
      %swap3A_1778 = arith.constant 64 : index
      %swap3A_1779 = tpu.vector_load %arg8[%swap3A_1777, %swap3A_1778] {strides = array<i32>} : memref<5x80xi32, #tpu.memory_space<vmem>>, vector<16xi32>,
      tpu.vector_store %arg8[%swap3A_1777, %swap3A_1778], %add3A_1775 {strides = array<i32>} : memref<5x80xi32, #tpu.memory_space<vmem>>, vector<16xi32>,
      %lt3A = arith.constant 23 : i32
      %lt3A_1780 = arith.cmpi slt, %add3A_1147, %lt3A : i32
      %convert_element_type3A_1781 = arith.extui %lt3A_1780 : i1 to i32
      %cond3A_1782 = arith.constant 0 : i32
      %cond3A_1783 = arith.cmpi ne, %convert_element_type3A_1781, %cond3A_1782 : i32
      scf.if %cond3A_1783 {
        %add3A_1905 = arith.constant 2 : i32
        %add3A_1906 = arith.addi %add3A_1147, %add3A_1905 : i32
        %add3A_1907 = arith.constant 0 : i32
        %add3A_1908 = arith.addi %add3A_1907, %mul3A_2 : i32
        %mul3A_1909 = arith.constant 400 : i32
        %mul3A_1910 = arith.muli %add3A_1906, %mul3A_1909 : i32
        %add3A_1911 = arith.addi %add3A_1908, %mul3A_1910 : i32
        %dma_start3A_1912 = arith.constant 0 : i32
        %dma_start3A_1913 = tpu.memref_slice %arg7[%dma_start3A_1912] : memref<1200xi32, #tpu.memory_space<vmem>> -> memref<400xi32, #tpu.memory_space<vmem>>
        %dma_start3A_1914 = tpu.memref_slice %arg2[%add3A_1911] : memref<960000xi32, #tpu.memory_space<hbm>> -> memref<400xi32, #tpu.memory_space<hbm>>
        %dma_start3A_1915 = arith.constant 0 : i32
        %dma_start3A_1916 = tpu.memref_slice %arg7[%dma_start3A_1915] : memref<1200xi32, #tpu.memory_space<vmem>> -> memref<400xi32, #tpu.memory_space<vmem>>
        %dma_start3A_1917 = tpu.memref_slice %arg2[%add3A_1911] : memref<960000xi32, #tpu.memory_space<hbm>> -> memref<400xi32, #tpu.memory_space<hbm>>
        tpu.enqueue_dma source(%dma_start3A_1917 : memref<400xi32, #tpu.memory_space<hbm>>) target(%dma_start3A_1916 : memref<400xi32, #tpu.memory_space<vmem>>) target_semaphore(%arg13 : memref<!tpu.dma_semaphore, #tpu.memory_space<semaphore_mem>>)
        %add3A_1918 = arith.constant 320000 : i32
        %add3A_1919 = arith.addi %add3A_1918, %mul3A_2 : i32
        %mul3A_1920 = arith.constant 400 : i32
        %mul3A_1921 = arith.muli %add3A_1906, %mul3A_1920 : i32
        %add3A_1922 = arith.addi %add3A_1919, %mul3A_1921 : i32
        %dma_start3A_1923 = arith.constant 400 : i32
        %dma_start3A_1924 = tpu.memref_slice %arg7[%dma_start3A_1923] : memref<1200xi32, #tpu.memory_space<vmem>> -> memref<400xi32, #tpu.memory_space<vmem>>
        %dma_start3A_1925 = tpu.memref_slice %arg2[%add3A_1922] : memref<960000xi32, #tpu.memory_space<hbm>> -> memref<400xi32, #tpu.memory_space<hbm>>
        %dma_start3A_1926 = arith.constant 400 : i32
        %dma_start3A_1927 = tpu.memref_slice %arg7[%dma_start3A_1926] : memref<1200xi32, #tpu.memory_space<vmem>> -> memref<400xi32, #tpu.memory_space<vmem>>
        %dma_start3A_1928 = tpu.memref_slice %arg2[%add3A_1922] : memref<960000xi32, #tpu.memory_space<hbm>> -> memref<400xi32, #tpu.memory_space<hbm>>
        tpu.enqueue_dma source(%dma_start3A_1928 : memref<400xi32, #tpu.memory_space<hbm>>) target(%dma_start3A_1927 : memref<400xi32, #tpu.memory_space<vmem>>) target_semaphore(%arg13 : memref<!tpu.dma_semaphore, #tpu.memory_space<semaphore_mem>>)
        %add3A_1929 = arith.constant 640000 : i32
        %add3A_1930 = arith.addi %add3A_1929, %mul3A_2 : i32
        %mul3A_1931 = arith.constant 400 : i32
        %mul3A_1932 = arith.muli %add3A_1906, %mul3A_1931 : i32
        %add3A_1933 = arith.addi %add3A_1930, %mul3A_1932 : i32
        %dma_start3A_1934 = arith.constant 800 : i32
        %dma_start3A_1935 = tpu.memref_slice %arg7[%dma_start3A_1934] : memref<1200xi32, #tpu.memory_space<vmem>> -> memref<400xi32, #tpu.memory_space<vmem>>
        %dma_start3A_1936 = tpu.memref_slice %arg2[%add3A_1933] : memref<960000xi32, #tpu.memory_space<hbm>> -> memref<400xi32, #tpu.memory_space<hbm>>
        %dma_start3A_1937 = arith.constant 800 : i32
        %dma_start3A_1938 = tpu.memref_slice %arg7[%dma_start3A_1937] : memref<1200xi32, #tpu.memory_space<vmem>> -> memref<400xi32, #tpu.memory_space<vmem>>
        %dma_start3A_1939 = tpu.memref_slice %arg2[%add3A_1933] : memref<960000xi32, #tpu.memory_space<hbm>> -> memref<400xi32, #tpu.memory_space<hbm>>
        tpu.enqueue_dma source(%dma_start3A_1939 : memref<400xi32, #tpu.memory_space<hbm>>) target(%dma_start3A_1938 : memref<400xi32, #tpu.memory_space<vmem>>) target_semaphore(%arg13 : memref<!tpu.dma_semaphore, #tpu.memory_space<semaphore_mem>>)
      } else {
      }
      %sub3A_1784 = arith.constant 1 : i32
      %sub3A_1785 = arith.subi %add3A_1147, %sub3A_1784 : i32
      %mul3A_1786 = arith.constant 400 : i32
      %mul3A_1787 = arith.muli %sub3A_1785, %mul3A_1786 : i32
      %add3A_1788 = arith.addi %mul3A_2, %mul3A_1787 : i32
      %dma_wait3A_1789 = arith.constant 0 : i32
      %dma_wait3A_1790 = tpu.memref_slice %arg4[%add3A_1788, %dma_wait3A_1789] : memref<320000x128xf32, #tpu.memory_space<hbm>> -> memref<400x128xf32, #tpu.memory_space<hbm>>
      %dma_wait3A_1791 = arith.constant 0 : i32
      %dma_wait3A_1792 = tpu.memref_slice %arg4[%add3A_1788, %dma_wait3A_1791] : memref<320000x128xf32, #tpu.memory_space<hbm>> -> memref<400x128xf32, #tpu.memory_space<hbm>>
      tpu.wait_dma2 semaphore(%arg16 : memref<!tpu.dma_semaphore, #tpu.memory_space<semaphore_mem>>) src(%arg10 : memref<400x128xf32, #tpu.memory_space<vmem>>) dst(%dma_wait3A_1792 : memref<400x128xf32, #tpu.memory_space<hbm>>)
      %dma_wait3A_1793 = arith.constant 0 : i32
      %dma_wait3A_1794 = arith.constant 0 : i32
      %dma_wait3A_1795 = arith.constant 0 : i32
      %dma_wait3A_1796 = tpu.memref_slice %arg11[%dma_wait3A_1794, %dma_wait3A_1795] : memref<400x128xf32, #tpu.memory_space<vmem>> -> memref<80x128xf32, #tpu.memory_space<vmem>>
      %dma_wait3A_1797 = arith.constant 0 : i32
      %dma_wait3A_1798 = tpu.memref_slice %arg9[%dma_wait3A_1793, %dma_wait3A_1797] : memref<5x80xi32, #tpu.memory_space<vmem>> -> memref<1x80xi32, #tpu.memory_space<vmem>>
      %dma_wait3A_1799 = tpu.memref_squeeze %dma_wait3A_1798 : memref<1x80xi32, #tpu.memory_space<vmem>> -> memref<80xi32, #tpu.memory_space<vmem>>
      %dma_wait3A_1800 = arith.constant 0 : i32
      %dma_wait3A_1801 = arith.constant 0 : i32
      %dma_wait3A_1802 = tpu.memref_slice %arg5[%dma_wait3A_1800, %dma_wait3A_1801] : memref<60x128xf32, #tpu.memory_space<vmem_shared>> -> memref<60x128xf32, #tpu.memory_space<vmem_shared>>
      tpu.wait_indirect_dma semaphore(%arg15 : memref<!tpu.dma_semaphore, #tpu.memory_space<semaphore_mem>>) src(%dma_wait3A_1802 : memref<60x128xf32, #tpu.memory_space<vmem_shared>>) dst(%dma_wait3A_1796 : memref<80x128xf32, #tpu.memory_space<vmem>>)
      %dma_wait3A_1803 = arith.constant 1 : i32
      %dma_wait3A_1804 = arith.constant 80 : i32
      %dma_wait3A_1805 = arith.constant 0 : i32
      %dma_wait3A_1806 = tpu.memref_slice %arg11[%dma_wait3A_1804, %dma_wait3A_1805] : memref<400x128xf32, #tpu.memory_space<vmem>> -> memref<80x128xf32, #tpu.memory_space<vmem>>
      %dma_wait3A_1807 = arith.constant 0 : i32
      %dma_wait3A_1808 = tpu.memref_slice %arg9[%dma_wait3A_1803, %dma_wait3A_1807] : memref<5x80xi32, #tpu.memory_space<vmem>> -> memref<1x80xi32, #tpu.memory_space<vmem>>
      %dma_wait3A_1809 = tpu.memref_squeeze %dma_wait3A_1808 : memref<1x80xi32, #tpu.memory_space<vmem>> -> memref<80xi32, #tpu.memory_space<vmem>>
      %dma_wait3A_1810 = arith.constant 0 : i32
      %dma_wait3A_1811 = arith.constant 0 : i32
      %dma_wait3A_1812 = tpu.memref_slice %arg5[%dma_wait3A_1810, %dma_wait3A_1811] : memref<60x128xf32, #tpu.memory_space<vmem_shared>> -> memref<60x128xf32, #tpu.memory_space<vmem_shared>>
      tpu.wait_indirect_dma semaphore(%arg15 : memref<!tpu.dma_semaphore, #tpu.memory_space<semaphore_mem>>) src(%dma_wait3A_1812 : memref<60x128xf32, #tpu.memory_space<vmem_shared>>) dst(%dma_wait3A_1806 : memref<80x128xf32, #tpu.memory_space<vmem>>)
      %dma_wait3A_1813 = arith.constant 2 : i32
      %dma_wait3A_1814 = arith.constant 160 : i32
      %dma_wait3A_1815 = arith.constant 0 : i32
      %dma_wait3A_1816 = tpu.memref_slice %arg11[%dma_wait3A_1814, %dma_wait3A_1815] : memref<400x128xf32, #tpu.memory_space<vmem>> -> memref<80x128xf32, #tpu.memory_space<vmem>>
      %dma_wait3A_1817 = arith.constant 0 : i32
      %dma_wait3A_1818 = tpu.memref_slice %arg9[%dma_wait3A_1813, %dma_wait3A_1817] : memref<5x80xi32, #tpu.memory_space<vmem>> -> memref<1x80xi32, #tpu.memory_space<vmem>>
      %dma_wait3A_1819 = tpu.memref_squeeze %dma_wait3A_1818 : memref<1x80xi32, #tpu.memory_space<vmem>> -> memref<80xi32, #tpu.memory_space<vmem>>
      %dma_wait3A_1820 = arith.constant 0 : i32
      %dma_wait3A_1821 = arith.constant 0 : i32
      %dma_wait3A_1822 = tpu.memref_slice %arg5[%dma_wait3A_1820, %dma_wait3A_1821] : memref<60x128xf32, #tpu.memory_space<vmem_shared>> -> memref<60x128xf32, #tpu.memory_space<vmem_shared>>
      tpu.wait_indirect_dma semaphore(%arg15 : memref<!tpu.dma_semaphore, #tpu.memory_space<semaphore_mem>>) src(%dma_wait3A_1822 : memref<60x128xf32, #tpu.memory_space<vmem_shared>>) dst(%dma_wait3A_1816 : memref<80x128xf32, #tpu.memory_space<vmem>>)
      %dma_wait3A_1823 = arith.constant 3 : i32
      %dma_wait3A_1824 = arith.constant 240 : i32
      %dma_wait3A_1825 = arith.constant 0 : i32
      %dma_wait3A_1826 = tpu.memref_slice %arg11[%dma_wait3A_1824, %dma_wait3A_1825] : memref<400x128xf32, #tpu.memory_space<vmem>> -> memref<80x128xf32, #tpu.memory_space<vmem>>
      %dma_wait3A_1827 = arith.constant 0 : i32
      %dma_wait3A_1828 = tpu.memref_slice %arg9[%dma_wait3A_1823, %dma_wait3A_1827] : memref<5x80xi32, #tpu.memory_space<vmem>> -> memref<1x80xi32, #tpu.memory_space<vmem>>
      %dma_wait3A_1829 = tpu.memref_squeeze %dma_wait3A_1828 : memref<1x80xi32, #tpu.memory_space<vmem>> -> memref<80xi32, #tpu.memory_space<vmem>>
      %dma_wait3A_1830 = arith.constant 0 : i32
      %dma_wait3A_1831 = arith.constant 0 : i32
      %dma_wait3A_1832 = tpu.memref_slice %arg5[%dma_wait3A_1830, %dma_wait3A_1831] : memref<60x128xf32, #tpu.memory_space<vmem_shared>> -> memref<60x128xf32, #tpu.memory_space<vmem_shared>>
      tpu.wait_indirect_dma semaphore(%arg15 : memref<!tpu.dma_semaphore, #tpu.memory_space<semaphore_mem>>) src(%dma_wait3A_1832 : memref<60x128xf32, #tpu.memory_space<vmem_shared>>) dst(%dma_wait3A_1826 : memref<80x128xf32, #tpu.memory_space<vmem>>)
      %dma_wait3A_1833 = arith.constant 4 : i32
      %dma_wait3A_1834 = arith.constant 320 : i32
      %dma_wait3A_1835 = arith.constant 0 : i32
      %dma_wait3A_1836 = tpu.memref_slice %arg11[%dma_wait3A_1834, %dma_wait3A_1835] : memref<400x128xf32, #tpu.memory_space<vmem>> -> memref<80x128xf32, #tpu.memory_space<vmem>>
      %dma_wait3A_1837 = arith.constant 0 : i32
      %dma_wait3A_1838 = tpu.memref_slice %arg9[%dma_wait3A_1833, %dma_wait3A_1837] : memref<5x80xi32, #tpu.memory_space<vmem>> -> memref<1x80xi32, #tpu.memory_space<vmem>>
      %dma_wait3A_1839 = tpu.memref_squeeze %dma_wait3A_1838 : memref<1x80xi32, #tpu.memory_space<vmem>> -> memref<80xi32, #tpu.memory_space<vmem>>
      %dma_wait3A_1840 = arith.constant 0 : i32
      %dma_wait3A_1841 = arith.constant 0 : i32
      %dma_wait3A_1842 = tpu.memref_slice %arg5[%dma_wait3A_1840, %dma_wait3A_1841] : memref<60x128xf32, #tpu.memory_space<vmem_shared>> -> memref<60x128xf32, #tpu.memory_space<vmem_shared>>
      tpu.wait_indirect_dma semaphore(%arg15 : memref<!tpu.dma_semaphore, #tpu.memory_space<semaphore_mem>>) src(%dma_wait3A_1842 : memref<60x128xf32, #tpu.memory_space<vmem_shared>>) dst(%dma_wait3A_1836 : memref<80x128xf32, #tpu.memory_space<vmem>>)
      %mul3A_1843 = arith.constant 400 : i32
      %mul3A_1844 = arith.muli %add3A_1147, %mul3A_1843 : i32
      %add3A_1845 = arith.addi %mul3A_2, %mul3A_1844 : i32
      %dma_start3A_1846 = arith.constant 0 : i32
      %dma_start3A_1847 = tpu.memref_slice %arg4[%add3A_1845, %dma_start3A_1846] : memref<320000x128xf32, #tpu.memory_space<hbm>> -> memref<400x128xf32, #tpu.memory_space<hbm>>
      %dma_start3A_1848 = arith.constant 0 : i32
      %dma_start3A_1849 = tpu.memref_slice %arg4[%add3A_1845, %dma_start3A_1848] : memref<320000x128xf32, #tpu.memory_space<hbm>> -> memref<400x128xf32, #tpu.memory_space<hbm>>
      tpu.enqueue_dma source(%arg11 : memref<400x128xf32, #tpu.memory_space<vmem>>) target(%dma_start3A_1849 : memref<400x128xf32, #tpu.memory_space<hbm>>) target_semaphore(%arg17 : memref<!tpu.dma_semaphore, #tpu.memory_space<semaphore_mem>>)
      %dma_start3A_1850 = arith.constant 0 : i32
      %dma_start3A_1851 = arith.constant 0 : i32
      %dma_start3A_1852 = arith.constant 0 : i32
      %dma_start3A_1853 = tpu.memref_slice %arg10[%dma_start3A_1851, %dma_start3A_1852] : memref<400x128xf32, #tpu.memory_space<vmem>> -> memref<80x128xf32, #tpu.memory_space<vmem>>
      %dma_start3A_1854 = arith.constant 0 : i32
      %dma_start3A_1855 = tpu.memref_slice %arg8[%dma_start3A_1850, %dma_start3A_1854] : memref<5x80xi32, #tpu.memory_space<vmem>> -> memref<1x80xi32, #tpu.memory_space<vmem>>
      %dma_start3A_1856 = tpu.memref_squeeze %dma_start3A_1855 : memref<1x80xi32, #tpu.memory_space<vmem>> -> memref<80xi32, #tpu.memory_space<vmem>>
      %dma_start3A_1857 = arith.constant 0 : i32
      %dma_start3A_1858 = arith.constant 0 : i32
      %dma_start3A_1859 = tpu.memref_slice %arg5[%dma_start3A_1857, %dma_start3A_1858] : memref<60x128xf32, #tpu.memory_space<vmem_shared>> -> memref<60x128xf32, #tpu.memory_space<vmem_shared>>
      tpu.enqueue_indirect_dma source(%dma_start3A_1859 : memref<60x128xf32, #tpu.memory_space<vmem_shared>>) target(%dma_start3A_1853 : memref<80x128xf32, #tpu.memory_space<vmem>>) offsets(%dma_start3A_1856 : memref<80xi32, #tpu.memory_space<vmem>>) semaphore(%arg14 : memref<!tpu.dma_semaphore, #tpu.memory_space<semaphore_mem>>)
      %dma_start3A_1860 = arith.constant 1 : i32
      %dma_start3A_1861 = arith.constant 80 : i32
      %dma_start3A_1862 = arith.constant 0 : i32
      %dma_start3A_1863 = tpu.memref_slice %arg10[%dma_start3A_1861, %dma_start3A_1862] : memref<400x128xf32, #tpu.memory_space<vmem>> -> memref<80x128xf32, #tpu.memory_space<vmem>>
      %dma_start3A_1864 = arith.constant 0 : i32
      %dma_start3A_1865 = tpu.memref_slice %arg8[%dma_start3A_1860, %dma_start3A_1864] : memref<5x80xi32, #tpu.memory_space<vmem>> -> memref<1x80xi32, #tpu.memory_space<vmem>>
      %dma_start3A_1866 = tpu.memref_squeeze %dma_start3A_1865 : memref<1x80xi32, #tpu.memory_space<vmem>> -> memref<80xi32, #tpu.memory_space<vmem>>
      %dma_start3A_1867 = arith.constant 0 : i32
      %dma_start3A_1868 = arith.constant 0 : i32
      %dma_start3A_1869 = tpu.memref_slice %arg5[%dma_start3A_1867, %dma_start3A_1868] : memref<60x128xf32, #tpu.memory_space<vmem_shared>> -> memref<60x128xf32, #tpu.memory_space<vmem_shared>>
      tpu.enqueue_indirect_dma source(%dma_start3A_1869 : memref<60x128xf32, #tpu.memory_space<vmem_shared>>) target(%dma_start3A_1863 : memref<80x128xf32, #tpu.memory_space<vmem>>) offsets(%dma_start3A_1866 : memref<80xi32, #tpu.memory_space<vmem>>) semaphore(%arg14 : memref<!tpu.dma_semaphore, #tpu.memory_space<semaphore_mem>>)
      %dma_start3A_1870 = arith.constant 2 : i32
      %dma_start3A_1871 = arith.constant 160 : i32
      %dma_start3A_1872 = arith.constant 0 : i32
      %dma_start3A_1873 = tpu.memref_slice %arg10[%dma_start3A_1871, %dma_start3A_1872] : memref<400x128xf32, #tpu.memory_space<vmem>> -> memref<80x128xf32, #tpu.memory_space<vmem>>
      %dma_start3A_1874 = arith.constant 0 : i32
      %dma_start3A_1875 = tpu.memref_slice %arg8[%dma_start3A_1870, %dma_start3A_1874] : memref<5x80xi32, #tpu.memory_space<vmem>> -> memref<1x80xi32, #tpu.memory_space<vmem>>
      %dma_start3A_1876 = tpu.memref_squeeze %dma_start3A_1875 : memref<1x80xi32, #tpu.memory_space<vmem>> -> memref<80xi32, #tpu.memory_space<vmem>>
      %dma_start3A_1877 = arith.constant 0 : i32
      %dma_start3A_1878 = arith.constant 0 : i32
      %dma_start3A_1879 = tpu.memref_slice %arg5[%dma_start3A_1877, %dma_start3A_1878] : memref<60x128xf32, #tpu.memory_space<vmem_shared>> -> memref<60x128xf32, #tpu.memory_space<vmem_shared>>
      tpu.enqueue_indirect_dma source(%dma_start3A_1879 : memref<60x128xf32, #tpu.memory_space<vmem_shared>>) target(%dma_start3A_1873 : memref<80x128xf32, #tpu.memory_space<vmem>>) offsets(%dma_start3A_1876 : memref<80xi32, #tpu.memory_space<vmem>>) semaphore(%arg14 : memref<!tpu.dma_semaphore, #tpu.memory_space<semaphore_mem>>)
      %dma_start3A_1880 = arith.constant 3 : i32
      %dma_start3A_1881 = arith.constant 240 : i32
      %dma_start3A_1882 = arith.constant 0 : i32
      %dma_start3A_1883 = tpu.memref_slice %arg10[%dma_start3A_1881, %dma_start3A_1882] : memref<400x128xf32, #tpu.memory_space<vmem>> -> memref<80x128xf32, #tpu.memory_space<vmem>>
      %dma_start3A_1884 = arith.constant 0 : i32
      %dma_start3A_1885 = tpu.memref_slice %arg8[%dma_start3A_1880, %dma_start3A_1884] : memref<5x80xi32, #tpu.memory_space<vmem>> -> memref<1x80xi32, #tpu.memory_space<vmem>>
      %dma_start3A_1886 = tpu.memref_squeeze %dma_start3A_1885 : memref<1x80xi32, #tpu.memory_space<vmem>> -> memref<80xi32, #tpu.memory_space<vmem>>
      %dma_start3A_1887 = arith.constant 0 : i32
      %dma_start3A_1888 = arith.constant 0 : i32
      %dma_start3A_1889 = tpu.memref_slice %arg5[%dma_start3A_1887, %dma_start3A_1888] : memref<60x128xf32, #tpu.memory_space<vmem_shared>> -> memref<60x128xf32, #tpu.memory_space<vmem_shared>>
      tpu.enqueue_indirect_dma source(%dma_start3A_1889 : memref<60x128xf32, #tpu.memory_space<vmem_shared>>) target(%dma_start3A_1883 : memref<80x128xf32, #tpu.memory_space<vmem>>) offsets(%dma_start3A_1886 : memref<80xi32, #tpu.memory_space<vmem>>) semaphore(%arg14 : memref<!tpu.dma_semaphore, #tpu.memory_space<semaphore_mem>>)
      %dma_start3A_1890 = arith.constant 4 : i32
      %dma_start3A_1891 = arith.constant 320 : i32
      %dma_start3A_1892 = arith.constant 0 : i32
      %dma_start3A_1893 = tpu.memref_slice %arg10[%dma_start3A_1891, %dma_start3A_1892] : memref<400x128xf32, #tpu.memory_space<vmem>> -> memref<80x128xf32, #tpu.memory_space<vmem>>
      %dma_start3A_1894 = arith.constant 0 : i32
      %dma_start3A_1895 = tpu.memref_slice %arg8[%dma_start3A_1890, %dma_start3A_1894] : memref<5x80xi32, #tpu.memory_space<vmem>> -> memref<1x80xi32, #tpu.memory_space<vmem>>
      %dma_start3A_1896 = tpu.memref_squeeze %dma_start3A_1895 : memref<1x80xi32, #tpu.memory_space<vmem>> -> memref<80xi32, #tpu.memory_space<vmem>>
      %dma_start3A_1897 = arith.constant 0 : i32
      %dma_start3A_1898 = arith.constant 0 : i32
      %dma_start3A_1899 = tpu.memref_slice %arg5[%dma_start3A_1897, %dma_start3A_1898] : memref<60x128xf32, #tpu.memory_space<vmem_shared>> -> memref<60x128xf32, #tpu.memory_space<vmem_shared>>
      tpu.enqueue_indirect_dma source(%dma_start3A_1899 : memref<60x128xf32, #tpu.memory_space<vmem_shared>>) target(%dma_start3A_1893 : memref<80x128xf32, #tpu.memory_space<vmem>>) offsets(%dma_start3A_1896 : memref<80xi32, #tpu.memory_space<vmem>>) semaphore(%arg14 : memref<!tpu.dma_semaphore, #tpu.memory_space<semaphore_mem>>)
      %lt3A_1900 = arith.constant 23 : i32
      %lt3A_1901 = arith.cmpi slt, %add3A_1147, %lt3A_1900 : i32
      %convert_element_type3A_1902 = arith.extui %lt3A_1901 : i1 to i32
      %cond3A_1903 = arith.constant 0 : i32
      %cond3A_1904 = arith.cmpi ne, %convert_element_type3A_1902, %cond3A_1903 : i32
      scf.if %cond3A_1904 {
        %add3A_1905 = arith.constant 2 : i32
        %add3A_1906 = arith.addi %add3A_1147, %add3A_1905 : i32
        %add3A_1907 = arith.constant 0 : i32
        %add3A_1908 = arith.addi %add3A_1907, %mul3A_2 : i32
        %mul3A_1909 = arith.constant 400 : i32
        %mul3A_1910 = arith.muli %add3A_1906, %mul3A_1909 : i32
        %add3A_1911 = arith.addi %add3A_1908, %mul3A_1910 : i32
        %dma_wait3A_1912 = arith.constant 0 : i32
        %dma_wait3A_1913 = tpu.memref_slice %arg7[%dma_wait3A_1912] : memref<1200xi32, #tpu.memory_space<vmem>> -> memref<400xi32, #tpu.memory_space<vmem>>
        %dma_wait3A_1914 = tpu.memref_slice %arg2[%add3A_1911] : memref<960000xi32, #tpu.memory_space<hbm>> -> memref<400xi32, #tpu.memory_space<hbm>>
        %dma_wait3A_1915 = arith.constant 0 : i32
        %dma_wait3A_1916 = tpu.memref_slice %arg7[%dma_wait3A_1915] : memref<1200xi32, #tpu.memory_space<vmem>> -> memref<400xi32, #tpu.memory_space<vmem>>
        %dma_wait3A_1917 = tpu.memref_slice %arg2[%add3A_1911] : memref<960000xi32, #tpu.memory_space<hbm>> -> memref<400xi32, #tpu.memory_space<hbm>>
        tpu.wait_dma2 semaphore(%arg13 : memref<!tpu.dma_semaphore, #tpu.memory_space<semaphore_mem>>) src(%dma_wait3A_1917 : memref<400xi32, #tpu.memory_space<hbm>>) dst(%dma_wait3A_1916 : memref<400xi32, #tpu.memory_space<vmem>>)
        %add3A_1918 = arith.constant 320000 : i32
        %add3A_1919 = arith.addi %add3A_1918, %mul3A_2 : i32
        %mul3A_1920 = arith.constant 400 : i32
        %mul3A_1921 = arith.muli %add3A_1906, %mul3A_1920 : i32
        %add3A_1922 = arith.addi %add3A_1919, %mul3A_1921 : i32
        %dma_wait3A_1923 = arith.constant 400 : i32
        %dma_wait3A_1924 = tpu.memref_slice %arg7[%dma_wait3A_1923] : memref<1200xi32, #tpu.memory_space<vmem>> -> memref<400xi32, #tpu.memory_space<vmem>>
        %dma_wait3A_1925 = tpu.memref_slice %arg2[%add3A_1922] : memref<960000xi32, #tpu.memory_space<hbm>> -> memref<400xi32, #tpu.memory_space<hbm>>
        %dma_wait3A_1926 = arith.constant 400 : i32
        %dma_wait3A_1927 = tpu.memref_slice %arg7[%dma_wait3A_1926] : memref<1200xi32, #tpu.memory_space<vmem>> -> memref<400xi32, #tpu.memory_space<vmem>>
        %dma_wait3A_1928 = tpu.memref_slice %arg2[%add3A_1922] : memref<960000xi32, #tpu.memory_space<hbm>> -> memref<400xi32, #tpu.memory_space<hbm>>
        tpu.wait_dma2 semaphore(%arg13 : memref<!tpu.dma_semaphore, #tpu.memory_space<semaphore_mem>>) src(%dma_wait3A_1928 : memref<400xi32, #tpu.memory_space<hbm>>) dst(%dma_wait3A_1927 : memref<400xi32, #tpu.memory_space<vmem>>)
        %add3A_1929 = arith.constant 640000 : i32
        %add3A_1930 = arith.addi %add3A_1929, %mul3A_2 : i32
        %mul3A_1931 = arith.constant 400 : i32
        %mul3A_1932 = arith.muli %add3A_1906, %mul3A_1931 : i32
        %add3A_1933 = arith.addi %add3A_1930, %mul3A_1932 : i32
        %dma_wait3A_1934 = arith.constant 800 : i32
        %dma_wait3A_1935 = tpu.memref_slice %arg7[%dma_wait3A_1934] : memref<1200xi32, #tpu.memory_space<vmem>> -> memref<400xi32, #tpu.memory_space<vmem>>
        %dma_wait3A_1936 = tpu.memref_slice %arg2[%add3A_1933] : memref<960000xi32, #tpu.memory_space<hbm>> -> memref<400xi32, #tpu.memory_space<hbm>>
        %dma_wait3A_1937 = arith.constant 800 : i32
        %dma_wait3A_1938 = tpu.memref_slice %arg7[%dma_wait3A_1937] : memref<1200xi32, #tpu.memory_space<vmem>> -> memref<400xi32, #tpu.memory_space<vmem>>
        %dma_wait3A_1939 = tpu.memref_slice %arg2[%add3A_1933] : memref<960000xi32, #tpu.memory_space<hbm>> -> memref<400xi32, #tpu.memory_space<hbm>>
        tpu.wait_dma2 semaphore(%arg13 : memref<!tpu.dma_semaphore, #tpu.memory_space<semaphore_mem>>) src(%dma_wait3A_1939 : memref<400xi32, #tpu.memory_space<hbm>>) dst(%dma_wait3A_1938 : memref<400xi32, #tpu.memory_space<vmem>>)
        %get3A_1940 = arith.constant 0 : index
        %get3A_1941 = tpu.vector_load %arg7[%get3A_1940] {strides = array<i32>} : memref<1200xi32, #tpu.memory_space<vmem>>, vector<16xi32>,
        %get3A_1942 = arith.constant 400 : index
        %get3A_1943 = tpu.vector_load %arg7[%get3A_1942] {strides = array<i32>} : memref<1200xi32, #tpu.memory_space<vmem>>, vector<16xi32>,
        %get3A_1944 = arith.constant 800 : index
        %get3A_1945 = tpu.vector_load %arg7[%get3A_1944] {strides = array<i32>} : memref<1200xi32, #tpu.memory_space<vmem>>, vector<16xi32>,
        %mul3A_1946 = arith.constant 12 : i32
        %mul3A_1947 = vector.broadcast %mul3A_1946 : i32 to vector<16xi32>
        %mul3A_1948 = arith.muli %get3A_1941, %mul3A_1947 : vector<16xi32>
        %mul3A_1949 = arith.constant 2 : i32
        %mul3A_1950 = vector.broadcast %mul3A_1949 : i32 to vector<16xi32>
        %mul3A_1951 = arith.muli %get3A_1943, %mul3A_1950 : vector<16xi32>
        %add3A_1952 = arith.addi %mul3A_1948, %mul3A_1951 : vector<16xi32>
        %add3A_1953 = arith.addi %add3A_1952, %get3A_1945 : vector<16xi32>
        %swap3A_1954 = arith.constant 0 : i32
        %swap3A_1955 = arith.index_cast %swap3A_1954 : i32 to index
        %swap3A_1956 = arith.constant 0 : index
        %swap3A_1957 = tpu.vector_load %arg9[%swap3A_1955, %swap3A_1956] {strides = array<i32>} : memref<5x80xi32, #tpu.memory_space<vmem>>, vector<16xi32>,
        tpu.vector_store %arg9[%swap3A_1955, %swap3A_1956], %add3A_1953 {strides = array<i32>} : memref<5x80xi32, #tpu.memory_space<vmem>>, vector<16xi32>,
        %get3A_1958 = arith.constant 16 : index
        %get3A_1959 = tpu.vector_load %arg7[%get3A_1958] {strides = array<i32>} : memref<1200xi32, #tpu.memory_space<vmem>>, vector<16xi32>,
        %get3A_1960 = arith.constant 416 : index
        %get3A_1961 = tpu.vector_load %arg7[%get3A_1960] {strides = array<i32>} : memref<1200xi32, #tpu.memory_space<vmem>>, vector<16xi32>,
        %get3A_1962 = arith.constant 816 : index
        %get3A_1963 = tpu.vector_load %arg7[%get3A_1962] {strides = array<i32>} : memref<1200xi32, #tpu.memory_space<vmem>>, vector<16xi32>,
        %mul3A_1964 = arith.constant 12 : i32
        %mul3A_1965 = vector.broadcast %mul3A_1964 : i32 to vector<16xi32>
        %mul3A_1966 = arith.muli %get3A_1959, %mul3A_1965 : vector<16xi32>
        %mul3A_1967 = arith.constant 2 : i32
        %mul3A_1968 = vector.broadcast %mul3A_1967 : i32 to vector<16xi32>
        %mul3A_1969 = arith.muli %get3A_1961, %mul3A_1968 : vector<16xi32>
        %add3A_1970 = arith.addi %mul3A_1966, %mul3A_1969 : vector<16xi32>
        %add3A_1971 = arith.addi %add3A_1970, %get3A_1963 : vector<16xi32>
        %swap3A_1972 = arith.constant 0 : i32
        %swap3A_1973 = arith.index_cast %swap3A_1972 : i32 to index
        %swap3A_1974 = arith.constant 16 : index
        %swap3A_1975 = tpu.vector_load %arg9[%swap3A_1973, %swap3A_1974] {strides = array<i32>} : memref<5x80xi32, #tpu.memory_space<vmem>>, vector<16xi32>,
        tpu.vector_store %arg9[%swap3A_1973, %swap3A_1974], %add3A_1971 {strides = array<i32>} : memref<5x80xi32, #tpu.memory_space<vmem>>, vector<16xi32>,
        %get3A_1976 = arith.constant 32 : index
        %get3A_1977 = tpu.vector_load %arg7[%get3A_1976] {strides = array<i32>} : memref<1200xi32, #tpu.memory_space<vmem>>, vector<16xi32>,
        %get3A_1978 = arith.constant 432 : index
        %get3A_1979 = tpu.vector_load %arg7[%get3A_1978] {strides = array<i32>} : memref<1200xi32, #tpu.memory_space<vmem>>, vector<16xi32>,
        %get3A_1980 = arith.constant 832 : index
        %get3A_1981 = tpu.vector_load %arg7[%get3A_1980] {strides = array<i32>} : memref<1200xi32, #tpu.memory_space<vmem>>, vector<16xi32>,
        %mul3A_1982 = arith.constant 12 : i32
        %mul3A_1983 = vector.broadcast %mul3A_1982 : i32 to vector<16xi32>
        %mul3A_1984 = arith.muli %get3A_1977, %mul3A_1983 : vector<16xi32>
        %mul3A_1985 = arith.constant 2 : i32
        %mul3A_1986 = vector.broadcast %mul3A_1985 : i32 to vector<16xi32>
        %mul3A_1987 = arith.muli %get3A_1979, %mul3A_1986 : vector<16xi32>
        %add3A_1988 = arith.addi %mul3A_1984, %mul3A_1987 : vector<16xi32>
        %add3A_1989 = arith.addi %add3A_1988, %get3A_1981 : vector<16xi32>
        %swap3A_1990 = arith.constant 0 : i32
        %swap3A_1991 = arith.index_cast %swap3A_1990 : i32 to index
        %swap3A_1992 = arith.constant 32 : index
        %swap3A_1993 = tpu.vector_load %arg9[%swap3A_1991, %swap3A_1992] {strides = array<i32>} : memref<5x80xi32, #tpu.memory_space<vmem>>, vector<16xi32>,
        tpu.vector_store %arg9[%swap3A_1991, %swap3A_1992], %add3A_1989 {strides = array<i32>} : memref<5x80xi32, #tpu.memory_space<vmem>>, vector<16xi32>,
        %get3A_1994 = arith.constant 48 : index
        %get3A_1995 = tpu.vector_load %arg7[%get3A_1994] {strides = array<i32>} : memref<1200xi32, #tpu.memory_space<vmem>>, vector<16xi32>,
        %get3A_1996 = arith.constant 448 : index
        %get3A_1997 = tpu.vector_load %arg7[%get3A_1996] {strides = array<i32>} : memref<1200xi32, #tpu.memory_space<vmem>>, vector<16xi32>,
        %get3A_1998 = arith.constant 848 : index
        %get3A_1999 = tpu.vector_load %arg7[%get3A_1998] {strides = array<i32>} : memref<1200xi32, #tpu.memory_space<vmem>>, vector<16xi32>,
        %mul3A_2000 = arith.constant 12 : i32
        %mul3A_2001 = vector.broadcast %mul3A_2000 : i32 to vector<16xi32>
        %mul3A_2002 = arith.muli %get3A_1995, %mul3A_2001 : vector<16xi32>
        %mul3A_2003 = arith.constant 2 : i32
        %mul3A_2004 = vector.broadcast %mul3A_2003 : i32 to vector<16xi32>
        %mul3A_2005 = arith.muli %get3A_1997, %mul3A_2004 : vector<16xi32>
        %add3A_2006 = arith.addi %mul3A_2002, %mul3A_2005 : vector<16xi32>
        %add3A_2007 = arith.addi %add3A_2006, %get3A_1999 : vector<16xi32>
        %swap3A_2008 = arith.constant 0 : i32
        %swap3A_2009 = arith.index_cast %swap3A_2008 : i32 to index
        %swap3A_2010 = arith.constant 48 : index
        %swap3A_2011 = tpu.vector_load %arg9[%swap3A_2009, %swap3A_2010] {strides = array<i32>} : memref<5x80xi32, #tpu.memory_space<vmem>>, vector<16xi32>,
        tpu.vector_store %arg9[%swap3A_2009, %swap3A_2010], %add3A_2007 {strides = array<i32>} : memref<5x80xi32, #tpu.memory_space<vmem>>, vector<16xi32>,
        %get3A_2012 = arith.constant 64 : index
        %get3A_2013 = tpu.vector_load %arg7[%get3A_2012] {strides = array<i32>} : memref<1200xi32, #tpu.memory_space<vmem>>, vector<16xi32>,
        %get3A_2014 = arith.constant 464 : index
        %get3A_2015 = tpu.vector_load %arg7[%get3A_2014] {strides = array<i32>} : memref<1200xi32, #tpu.memory_space<vmem>>, vector<16xi32>,
        %get3A_2016 = arith.constant 864 : index
        %get3A_2017 = tpu.vector_load %arg7[%get3A_2016] {strides = array<i32>} : memref<1200xi32, #tpu.memory_space<vmem>>, vector<16xi32>,
        %mul3A_2018 = arith.constant 12 : i32
        %mul3A_2019 = vector.broadcast %mul3A_2018 : i32 to vector<16xi32>
        %mul3A_2020 = arith.muli %get3A_2013, %mul3A_2019 : vector<16xi32>
        %mul3A_2021 = arith.constant 2 : i32
        %mul3A_2022 = vector.broadcast %mul3A_2021 : i32 to vector<16xi32>
        %mul3A_2023 = arith.muli %get3A_2015, %mul3A_2022 : vector<16xi32>
        %add3A_2024 = arith.addi %mul3A_2020, %mul3A_2023 : vector<16xi32>
        %add3A_2025 = arith.addi %add3A_2024, %get3A_2017 : vector<16xi32>
        %swap3A_2026 = arith.constant 0 : i32
        %swap3A_2027 = arith.index_cast %swap3A_2026 : i32 to index
        %swap3A_2028 = arith.constant 64 : index
        %swap3A_2029 = tpu.vector_load %arg9[%swap3A_2027, %swap3A_2028] {strides = array<i32>} : memref<5x80xi32, #tpu.memory_space<vmem>>, vector<16xi32>,
        tpu.vector_store %arg9[%swap3A_2027, %swap3A_2028], %add3A_2025 {strides = array<i32>} : memref<5x80xi32, #tpu.memory_space<vmem>>, vector<16xi32>,
        %get3A_2030 = arith.constant 80 : index
        %get3A_2031 = tpu.vector_load %arg7[%get3A_2030] {strides = array<i32>} : memref<1200xi32, #tpu.memory_space<vmem>>, vector<16xi32>,
        %get3A_2032 = arith.constant 480 : index
        %get3A_2033 = tpu.vector_load %arg7[%get3A_2032] {strides = array<i32>} : memref<1200xi32, #tpu.memory_space<vmem>>, vector<16xi32>,
        %get3A_2034 = arith.constant 880 : index
        %get3A_2035 = tpu.vector_load %arg7[%get3A_2034] {strides = array<i32>} : memref<1200xi32, #tpu.memory_space<vmem>>, vector<16xi32>,
        %mul3A_2036 = arith.constant 12 : i32
        %mul3A_2037 = vector.broadcast %mul3A_2036 : i32 to vector<16xi32>
        %mul3A_2038 = arith.muli %get3A_2031, %mul3A_2037 : vector<16xi32>
        %mul3A_2039 = arith.constant 2 : i32
        %mul3A_2040 = vector.broadcast %mul3A_2039 : i32 to vector<16xi32>
        %mul3A_2041 = arith.muli %get3A_2033, %mul3A_2040 : vector<16xi32>
        %add3A_2042 = arith.addi %mul3A_2038, %mul3A_2041 : vector<16xi32>
        %add3A_2043 = arith.addi %add3A_2042, %get3A_2035 : vector<16xi32>
        %swap3A_2044 = arith.constant 1 : i32
        %swap3A_2045 = arith.index_cast %swap3A_2044 : i32 to index
        %swap3A_2046 = arith.constant 0 : index
        %swap3A_2047 = tpu.vector_load %arg9[%swap3A_2045, %swap3A_2046] {strides = array<i32>} : memref<5x80xi32, #tpu.memory_space<vmem>>, vector<16xi32>,
        tpu.vector_store %arg9[%swap3A_2045, %swap3A_2046], %add3A_2043 {strides = array<i32>} : memref<5x80xi32, #tpu.memory_space<vmem>>, vector<16xi32>,
        %get3A_2048 = arith.constant 96 : index
        %get3A_2049 = tpu.vector_load %arg7[%get3A_2048] {strides = array<i32>} : memref<1200xi32, #tpu.memory_space<vmem>>, vector<16xi32>,
        %get3A_2050 = arith.constant 496 : index
        %get3A_2051 = tpu.vector_load %arg7[%get3A_2050] {strides = array<i32>} : memref<1200xi32, #tpu.memory_space<vmem>>, vector<16xi32>,
        %get3A_2052 = arith.constant 896 : index
        %get3A_2053 = tpu.vector_load %arg7[%get3A_2052] {strides = array<i32>} : memref<1200xi32, #tpu.memory_space<vmem>>, vector<16xi32>,
        %mul3A_2054 = arith.constant 12 : i32
        %mul3A_2055 = vector.broadcast %mul3A_2054 : i32 to vector<16xi32>
        %mul3A_2056 = arith.muli %get3A_2049, %mul3A_2055 : vector<16xi32>
        %mul3A_2057 = arith.constant 2 : i32
        %mul3A_2058 = vector.broadcast %mul3A_2057 : i32 to vector<16xi32>
        %mul3A_2059 = arith.muli %get3A_2051, %mul3A_2058 : vector<16xi32>
        %add3A_2060 = arith.addi %mul3A_2056, %mul3A_2059 : vector<16xi32>
        %add3A_2061 = arith.addi %add3A_2060, %get3A_2053 : vector<16xi32>
        %swap3A_2062 = arith.constant 1 : i32
        %swap3A_2063 = arith.index_cast %swap3A_2062 : i32 to index
        %swap3A_2064 = arith.constant 16 : index
        %swap3A_2065 = tpu.vector_load %arg9[%swap3A_2063, %swap3A_2064] {strides = array<i32>} : memref<5x80xi32, #tpu.memory_space<vmem>>, vector<16xi32>,
        tpu.vector_store %arg9[%swap3A_2063, %swap3A_2064], %add3A_2061 {strides = array<i32>} : memref<5x80xi32, #tpu.memory_space<vmem>>, vector<16xi32>,
        %get3A_2066 = arith.constant 112 : index
        %get3A_2067 = tpu.vector_load %arg7[%get3A_2066] {strides = array<i32>} : memref<1200xi32, #tpu.memory_space<vmem>>, vector<16xi32>,
        %get3A_2068 = arith.constant 512 : index
        %get3A_2069 = tpu.vector_load %arg7[%get3A_2068] {strides = array<i32>} : memref<1200xi32, #tpu.memory_space<vmem>>, vector<16xi32>,
        %get3A_2070 = arith.constant 912 : index
        %get3A_2071 = tpu.vector_load %arg7[%get3A_2070] {strides = array<i32>} : memref<1200xi32, #tpu.memory_space<vmem>>, vector<16xi32>,
        %mul3A_2072 = arith.constant 12 : i32
        %mul3A_2073 = vector.broadcast %mul3A_2072 : i32 to vector<16xi32>
        %mul3A_2074 = arith.muli %get3A_2067, %mul3A_2073 : vector<16xi32>
        %mul3A_2075 = arith.constant 2 : i32
        %mul3A_2076 = vector.broadcast %mul3A_2075 : i32 to vector<16xi32>
        %mul3A_2077 = arith.muli %get3A_2069, %mul3A_2076 : vector<16xi32>
        %add3A_2078 = arith.addi %mul3A_2074, %mul3A_2077 : vector<16xi32>
        %add3A_2079 = arith.addi %add3A_2078, %get3A_2071 : vector<16xi32>
        %swap3A_2080 = arith.constant 1 : i32
        %swap3A_2081 = arith.index_cast %swap3A_2080 : i32 to index
        %swap3A_2082 = arith.constant 32 : index
        %swap3A_2083 = tpu.vector_load %arg9[%swap3A_2081, %swap3A_2082] {strides = array<i32>} : memref<5x80xi32, #tpu.memory_space<vmem>>, vector<16xi32>,
        tpu.vector_store %arg9[%swap3A_2081, %swap3A_2082], %add3A_2079 {strides = array<i32>} : memref<5x80xi32, #tpu.memory_space<vmem>>, vector<16xi32>,
        %get3A_2084 = arith.constant 128 : index
        %get3A_2085 = tpu.vector_load %arg7[%get3A_2084] {strides = array<i32>} : memref<1200xi32, #tpu.memory_space<vmem>>, vector<16xi32>,
        %get3A_2086 = arith.constant 528 : index
        %get3A_2087 = tpu.vector_load %arg7[%get3A_2086] {strides = array<i32>} : memref<1200xi32, #tpu.memory_space<vmem>>, vector<16xi32>,
        %get3A_2088 = arith.constant 928 : index
        %get3A_2089 = tpu.vector_load %arg7[%get3A_2088] {strides = array<i32>} : memref<1200xi32, #tpu.memory_space<vmem>>, vector<16xi32>,
        %mul3A_2090 = arith.constant 12 : i32
        %mul3A_2091 = vector.broadcast %mul3A_2090 : i32 to vector<16xi32>
        %mul3A_2092 = arith.muli %get3A_2085, %mul3A_2091 : vector<16xi32>
        %mul3A_2093 = arith.constant 2 : i32
        %mul3A_2094 = vector.broadcast %mul3A_2093 : i32 to vector<16xi32>
        %mul3A_2095 = arith.muli %get3A_2087, %mul3A_2094 : vector<16xi32>
        %add3A_2096 = arith.addi %mul3A_2092, %mul3A_2095 : vector<16xi32>
        %add3A_2097 = arith.addi %add3A_2096, %get3A_2089 : vector<16xi32>
        %swap3A_2098 = arith.constant 1 : i32
        %swap3A_2099 = arith.index_cast %swap3A_2098 : i32 to index
        %swap3A_2100 = arith.constant 48 : index
        %swap3A_2101 = tpu.vector_load %arg9[%swap3A_2099, %swap3A_2100] {strides = array<i32>} : memref<5x80xi32, #tpu.memory_space<vmem>>, vector<16xi32>,
        tpu.vector_store %arg9[%swap3A_2099, %swap3A_2100], %add3A_2097 {strides = array<i32>} : memref<5x80xi32, #tpu.memory_space<vmem>>, vector<16xi32>,
        %get3A_2102 = arith.constant 144 : index
        %get3A_2103 = tpu.vector_load %arg7[%get3A_2102] {strides = array<i32>} : memref<1200xi32, #tpu.memory_space<vmem>>, vector<16xi32>,
        %get3A_2104 = arith.constant 544 : index
        %get3A_2105 = tpu.vector_load %arg7[%get3A_2104] {strides = array<i32>} : memref<1200xi32, #tpu.memory_space<vmem>>, vector<16xi32>,
        %get3A_2106 = arith.constant 944 : index
        %get3A_2107 = tpu.vector_load %arg7[%get3A_2106] {strides = array<i32>} : memref<1200xi32, #tpu.memory_space<vmem>>, vector<16xi32>,
        %mul3A_2108 = arith.constant 12 : i32
        %mul3A_2109 = vector.broadcast %mul3A_2108 : i32 to vector<16xi32>
        %mul3A_2110 = arith.muli %get3A_2103, %mul3A_2109 : vector<16xi32>
        %mul3A_2111 = arith.constant 2 : i32
        %mul3A_2112 = vector.broadcast %mul3A_2111 : i32 to vector<16xi32>
        %mul3A_2113 = arith.muli %get3A_2105, %mul3A_2112 : vector<16xi32>
        %add3A_2114 = arith.addi %mul3A_2110, %mul3A_2113 : vector<16xi32>
        %add3A_2115 = arith.addi %add3A_2114, %get3A_2107 : vector<16xi32>
        %swap3A_2116 = arith.constant 1 : i32
        %swap3A_2117 = arith.index_cast %swap3A_2116 : i32 to index
        %swap3A_2118 = arith.constant 64 : index
        %swap3A_2119 = tpu.vector_load %arg9[%swap3A_2117, %swap3A_2118] {strides = array<i32>} : memref<5x80xi32, #tpu.memory_space<vmem>>, vector<16xi32>,
        tpu.vector_store %arg9[%swap3A_2117, %swap3A_2118], %add3A_2115 {strides = array<i32>} : memref<5x80xi32, #tpu.memory_space<vmem>>, vector<16xi32>,
        %get3A_2120 = arith.constant 160 : index
        %get3A_2121 = tpu.vector_load %arg7[%get3A_2120] {strides = array<i32>} : memref<1200xi32, #tpu.memory_space<vmem>>, vector<16xi32>,
        %get3A_2122 = arith.constant 560 : index
        %get3A_2123 = tpu.vector_load %arg7[%get3A_2122] {strides = array<i32>} : memref<1200xi32, #tpu.memory_space<vmem>>, vector<16xi32>,
        %get3A_2124 = arith.constant 960 : index
        %get3A_2125 = tpu.vector_load %arg7[%get3A_2124] {strides = array<i32>} : memref<1200xi32, #tpu.memory_space<vmem>>, vector<16xi32>,
        %mul3A_2126 = arith.constant 12 : i32
        %mul3A_2127 = vector.broadcast %mul3A_2126 : i32 to vector<16xi32>
        %mul3A_2128 = arith.muli %get3A_2121, %mul3A_2127 : vector<16xi32>
        %mul3A_2129 = arith.constant 2 : i32
        %mul3A_2130 = vector.broadcast %mul3A_2129 : i32 to vector<16xi32>
        %mul3A_2131 = arith.muli %get3A_2123, %mul3A_2130 : vector<16xi32>
        %add3A_2132 = arith.addi %mul3A_2128, %mul3A_2131 : vector<16xi32>
        %add3A_2133 = arith.addi %add3A_2132, %get3A_2125 : vector<16xi32>
        %swap3A_2134 = arith.constant 2 : i32
        %swap3A_2135 = arith.index_cast %swap3A_2134 : i32 to index
        %swap3A_2136 = arith.constant 0 : index
        %swap3A_2137 = tpu.vector_load %arg9[%swap3A_2135, %swap3A_2136] {strides = array<i32>} : memref<5x80xi32, #tpu.memory_space<vmem>>, vector<16xi32>,
        tpu.vector_store %arg9[%swap3A_2135, %swap3A_2136], %add3A_2133 {strides = array<i32>} : memref<5x80xi32, #tpu.memory_space<vmem>>, vector<16xi32>,
        %get3A_2138 = arith.constant 176 : index
        %get3A_2139 = tpu.vector_load %arg7[%get3A_2138] {strides = array<i32>} : memref<1200xi32, #tpu.memory_space<vmem>>, vector<16xi32>,
        %get3A_2140 = arith.constant 576 : index
        %get3A_2141 = tpu.vector_load %arg7[%get3A_2140] {strides = array<i32>} : memref<1200xi32, #tpu.memory_space<vmem>>, vector<16xi32>,
        %get3A_2142 = arith.constant 976 : index
        %get3A_2143 = tpu.vector_load %arg7[%get3A_2142] {strides = array<i32>} : memref<1200xi32, #tpu.memory_space<vmem>>, vector<16xi32>,
        %mul3A_2144 = arith.constant 12 : i32
        %mul3A_2145 = vector.broadcast %mul3A_2144 : i32 to vector<16xi32>
        %mul3A_2146 = arith.muli %get3A_2139, %mul3A_2145 : vector<16xi32>
        %mul3A_2147 = arith.constant 2 : i32
        %mul3A_2148 = vector.broadcast %mul3A_2147 : i32 to vector<16xi32>
        %mul3A_2149 = arith.muli %get3A_2141, %mul3A_2148 : vector<16xi32>
        %add3A_2150 = arith.addi %mul3A_2146, %mul3A_2149 : vector<16xi32>
        %add3A_2151 = arith.addi %add3A_2150, %get3A_2143 : vector<16xi32>
        %swap3A_2152 = arith.constant 2 : i32
        %swap3A_2153 = arith.index_cast %swap3A_2152 : i32 to index
        %swap3A_2154 = arith.constant 16 : index
        %swap3A_2155 = tpu.vector_load %arg9[%swap3A_2153, %swap3A_2154] {strides = array<i32>} : memref<5x80xi32, #tpu.memory_space<vmem>>, vector<16xi32>,
        tpu.vector_store %arg9[%swap3A_2153, %swap3A_2154], %add3A_2151 {strides = array<i32>} : memref<5x80xi32, #tpu.memory_space<vmem>>, vector<16xi32>,
        %get3A_2156 = arith.constant 192 : index
        %get3A_2157 = tpu.vector_load %arg7[%get3A_2156] {strides = array<i32>} : memref<1200xi32, #tpu.memory_space<vmem>>, vector<16xi32>,
        %get3A_2158 = arith.constant 592 : index
        %get3A_2159 = tpu.vector_load %arg7[%get3A_2158] {strides = array<i32>} : memref<1200xi32, #tpu.memory_space<vmem>>, vector<16xi32>,
        %get3A_2160 = arith.constant 992 : index
        %get3A_2161 = tpu.vector_load %arg7[%get3A_2160] {strides = array<i32>} : memref<1200xi32, #tpu.memory_space<vmem>>, vector<16xi32>,
        %mul3A_2162 = arith.constant 12 : i32
        %mul3A_2163 = vector.broadcast %mul3A_2162 : i32 to vector<16xi32>
        %mul3A_2164 = arith.muli %get3A_2157, %mul3A_2163 : vector<16xi32>
        %mul3A_2165 = arith.constant 2 : i32
        %mul3A_2166 = vector.broadcast %mul3A_2165 : i32 to vector<16xi32>
        %mul3A_2167 = arith.muli %get3A_2159, %mul3A_2166 : vector<16xi32>
        %add3A_2168 = arith.addi %mul3A_2164, %mul3A_2167 : vector<16xi32>
        %add3A_2169 = arith.addi %add3A_2168, %get3A_2161 : vector<16xi32>
        %swap3A_2170 = arith.constant 2 : i32
        %swap3A_2171 = arith.index_cast %swap3A_2170 : i32 to index
        %swap3A_2172 = arith.constant 32 : index
        %swap3A_2173 = tpu.vector_load %arg9[%swap3A_2171, %swap3A_2172] {strides = array<i32>} : memref<5x80xi32, #tpu.memory_space<vmem>>, vector<16xi32>,
        tpu.vector_store %arg9[%swap3A_2171, %swap3A_2172], %add3A_2169 {strides = array<i32>} : memref<5x80xi32, #tpu.memory_space<vmem>>, vector<16xi32>,
        %get3A_2174 = arith.constant 208 : index
        %get3A_2175 = tpu.vector_load %arg7[%get3A_2174] {strides = array<i32>} : memref<1200xi32, #tpu.memory_space<vmem>>, vector<16xi32>,
        %get3A_2176 = arith.constant 608 : index
        %get3A_2177 = tpu.vector_load %arg7[%get3A_2176] {strides = array<i32>} : memref<1200xi32, #tpu.memory_space<vmem>>, vector<16xi32>,
        %get3A_2178 = arith.constant 1008 : index
        %get3A_2179 = tpu.vector_load %arg7[%get3A_2178] {strides = array<i32>} : memref<1200xi32, #tpu.memory_space<vmem>>, vector<16xi32>,
        %mul3A_2180 = arith.constant 12 : i32
        %mul3A_2181 = vector.broadcast %mul3A_2180 : i32 to vector<16xi32>
        %mul3A_2182 = arith.muli %get3A_2175, %mul3A_2181 : vector<16xi32>
        %mul3A_2183 = arith.constant 2 : i32
        %mul3A_2184 = vector.broadcast %mul3A_2183 : i32 to vector<16xi32>
        %mul3A_2185 = arith.muli %get3A_2177, %mul3A_2184 : vector<16xi32>
        %add3A_2186 = arith.addi %mul3A_2182, %mul3A_2185 : vector<16xi32>
        %add3A_2187 = arith.addi %add3A_2186, %get3A_2179 : vector<16xi32>
        %swap3A_2188 = arith.constant 2 : i32
        %swap3A_2189 = arith.index_cast %swap3A_2188 : i32 to index
        %swap3A_2190 = arith.constant 48 : index
        %swap3A_2191 = tpu.vector_load %arg9[%swap3A_2189, %swap3A_2190] {strides = array<i32>} : memref<5x80xi32, #tpu.memory_space<vmem>>, vector<16xi32>,
        tpu.vector_store %arg9[%swap3A_2189, %swap3A_2190], %add3A_2187 {strides = array<i32>} : memref<5x80xi32, #tpu.memory_space<vmem>>, vector<16xi32>,
        %get3A_2192 = arith.constant 224 : index
        %get3A_2193 = tpu.vector_load %arg7[%get3A_2192] {strides = array<i32>} : memref<1200xi32, #tpu.memory_space<vmem>>, vector<16xi32>,
        %get3A_2194 = arith.constant 624 : index
        %get3A_2195 = tpu.vector_load %arg7[%get3A_2194] {strides = array<i32>} : memref<1200xi32, #tpu.memory_space<vmem>>, vector<16xi32>,
        %get3A_2196 = arith.constant 1024 : index
        %get3A_2197 = tpu.vector_load %arg7[%get3A_2196] {strides = array<i32>} : memref<1200xi32, #tpu.memory_space<vmem>>, vector<16xi32>,
        %mul3A_2198 = arith.constant 12 : i32
        %mul3A_2199 = vector.broadcast %mul3A_2198 : i32 to vector<16xi32>
        %mul3A_2200 = arith.muli %get3A_2193, %mul3A_2199 : vector<16xi32>
        %mul3A_2201 = arith.constant 2 : i32
        %mul3A_2202 = vector.broadcast %mul3A_2201 : i32 to vector<16xi32>
        %mul3A_2203 = arith.muli %get3A_2195, %mul3A_2202 : vector<16xi32>
        %add3A_2204 = arith.addi %mul3A_2200, %mul3A_2203 : vector<16xi32>
        %add3A_2205 = arith.addi %add3A_2204, %get3A_2197 : vector<16xi32>
        %swap3A_2206 = arith.constant 2 : i32
        %swap3A_2207 = arith.index_cast %swap3A_2206 : i32 to index
        %swap3A_2208 = arith.constant 64 : index
        %swap3A_2209 = tpu.vector_load %arg9[%swap3A_2207, %swap3A_2208] {strides = array<i32>} : memref<5x80xi32, #tpu.memory_space<vmem>>, vector<16xi32>,
        tpu.vector_store %arg9[%swap3A_2207, %swap3A_2208], %add3A_2205 {strides = array<i32>} : memref<5x80xi32, #tpu.memory_space<vmem>>, vector<16xi32>,
        %get3A_2210 = arith.constant 240 : index
        %get3A_2211 = tpu.vector_load %arg7[%get3A_2210] {strides = array<i32>} : memref<1200xi32, #tpu.memory_space<vmem>>, vector<16xi32>,
        %get3A_2212 = arith.constant 640 : index
        %get3A_2213 = tpu.vector_load %arg7[%get3A_2212] {strides = array<i32>} : memref<1200xi32, #tpu.memory_space<vmem>>, vector<16xi32>,
        %get3A_2214 = arith.constant 1040 : index
        %get3A_2215 = tpu.vector_load %arg7[%get3A_2214] {strides = array<i32>} : memref<1200xi32, #tpu.memory_space<vmem>>, vector<16xi32>,
        %mul3A_2216 = arith.constant 12 : i32
        %mul3A_2217 = vector.broadcast %mul3A_2216 : i32 to vector<16xi32>
        %mul3A_2218 = arith.muli %get3A_2211, %mul3A_2217 : vector<16xi32>
        %mul3A_2219 = arith.constant 2 : i32
        %mul3A_2220 = vector.broadcast %mul3A_2219 : i32 to vector<16xi32>
        %mul3A_2221 = arith.muli %get3A_2213, %mul3A_2220 : vector<16xi32>
        %add3A_2222 = arith.addi %mul3A_2218, %mul3A_2221 : vector<16xi32>
        %add3A_2223 = arith.addi %add3A_2222, %get3A_2215 : vector<16xi32>
        %swap3A_2224 = arith.constant 3 : i32
        %swap3A_2225 = arith.index_cast %swap3A_2224 : i32 to index
        %swap3A_2226 = arith.constant 0 : index
        %swap3A_2227 = tpu.vector_load %arg9[%swap3A_2225, %swap3A_2226] {strides = array<i32>} : memref<5x80xi32, #tpu.memory_space<vmem>>, vector<16xi32>,
        tpu.vector_store %arg9[%swap3A_2225, %swap3A_2226], %add3A_2223 {strides = array<i32>} : memref<5x80xi32, #tpu.memory_space<vmem>>, vector<16xi32>,
        %get3A_2228 = arith.constant 256 : index
        %get3A_2229 = tpu.vector_load %arg7[%get3A_2228] {strides = array<i32>} : memref<1200xi32, #tpu.memory_space<vmem>>, vector<16xi32>,
        %get3A_2230 = arith.constant 656 : index
        %get3A_2231 = tpu.vector_load %arg7[%get3A_2230] {strides = array<i32>} : memref<1200xi32, #tpu.memory_space<vmem>>, vector<16xi32>,
        %get3A_2232 = arith.constant 1056 : index
        %get3A_2233 = tpu.vector_load %arg7[%get3A_2232] {strides = array<i32>} : memref<1200xi32, #tpu.memory_space<vmem>>, vector<16xi32>,
        %mul3A_2234 = arith.constant 12 : i32
        %mul3A_2235 = vector.broadcast %mul3A_2234 : i32 to vector<16xi32>
        %mul3A_2236 = arith.muli %get3A_2229, %mul3A_2235 : vector<16xi32>
        %mul3A_2237 = arith.constant 2 : i32
        %mul3A_2238 = vector.broadcast %mul3A_2237 : i32 to vector<16xi32>
        %mul3A_2239 = arith.muli %get3A_2231, %mul3A_2238 : vector<16xi32>
        %add3A_2240 = arith.addi %mul3A_2236, %mul3A_2239 : vector<16xi32>
        %add3A_2241 = arith.addi %add3A_2240, %get3A_2233 : vector<16xi32>
        %swap3A_2242 = arith.constant 3 : i32
        %swap3A_2243 = arith.index_cast %swap3A_2242 : i32 to index
        %swap3A_2244 = arith.constant 16 : index
        %swap3A_2245 = tpu.vector_load %arg9[%swap3A_2243, %swap3A_2244] {strides = array<i32>} : memref<5x80xi32, #tpu.memory_space<vmem>>, vector<16xi32>,
        tpu.vector_store %arg9[%swap3A_2243, %swap3A_2244], %add3A_2241 {strides = array<i32>} : memref<5x80xi32, #tpu.memory_space<vmem>>, vector<16xi32>,
        %get3A_2246 = arith.constant 272 : index
        %get3A_2247 = tpu.vector_load %arg7[%get3A_2246] {strides = array<i32>} : memref<1200xi32, #tpu.memory_space<vmem>>, vector<16xi32>,
        %get3A_2248 = arith.constant 672 : index
        %get3A_2249 = tpu.vector_load %arg7[%get3A_2248] {strides = array<i32>} : memref<1200xi32, #tpu.memory_space<vmem>>, vector<16xi32>,
        %get3A_2250 = arith.constant 1072 : index
        %get3A_2251 = tpu.vector_load %arg7[%get3A_2250] {strides = array<i32>} : memref<1200xi32, #tpu.memory_space<vmem>>, vector<16xi32>,
        %mul3A_2252 = arith.constant 12 : i32
        %mul3A_2253 = vector.broadcast %mul3A_2252 : i32 to vector<16xi32>
        %mul3A_2254 = arith.muli %get3A_2247, %mul3A_2253 : vector<16xi32>
        %mul3A_2255 = arith.constant 2 : i32
        %mul3A_2256 = vector.broadcast %mul3A_2255 : i32 to vector<16xi32>
        %mul3A_2257 = arith.muli %get3A_2249, %mul3A_2256 : vector<16xi32>
        %add3A_2258 = arith.addi %mul3A_2254, %mul3A_2257 : vector<16xi32>
        %add3A_2259 = arith.addi %add3A_2258, %get3A_2251 : vector<16xi32>
        %swap3A_2260 = arith.constant 3 : i32
        %swap3A_2261 = arith.index_cast %swap3A_2260 : i32 to index
        %swap3A_2262 = arith.constant 32 : index
        %swap3A_2263 = tpu.vector_load %arg9[%swap3A_2261, %swap3A_2262] {strides = array<i32>} : memref<5x80xi32, #tpu.memory_space<vmem>>, vector<16xi32>,
        tpu.vector_store %arg9[%swap3A_2261, %swap3A_2262], %add3A_2259 {strides = array<i32>} : memref<5x80xi32, #tpu.memory_space<vmem>>, vector<16xi32>,
        %get3A_2264 = arith.constant 288 : index
        %get3A_2265 = tpu.vector_load %arg7[%get3A_2264] {strides = array<i32>} : memref<1200xi32, #tpu.memory_space<vmem>>, vector<16xi32>,
        %get3A_2266 = arith.constant 688 : index
        %get3A_2267 = tpu.vector_load %arg7[%get3A_2266] {strides = array<i32>} : memref<1200xi32, #tpu.memory_space<vmem>>, vector<16xi32>,
        %get3A_2268 = arith.constant 1088 : index
        %get3A_2269 = tpu.vector_load %arg7[%get3A_2268] {strides = array<i32>} : memref<1200xi32, #tpu.memory_space<vmem>>, vector<16xi32>,
        %mul3A_2270 = arith.constant 12 : i32
        %mul3A_2271 = vector.broadcast %mul3A_2270 : i32 to vector<16xi32>
        %mul3A_2272 = arith.muli %get3A_2265, %mul3A_2271 : vector<16xi32>
        %mul3A_2273 = arith.constant 2 : i32
        %mul3A_2274 = vector.broadcast %mul3A_2273 : i32 to vector<16xi32>
        %mul3A_2275 = arith.muli %get3A_2267, %mul3A_2274 : vector<16xi32>
        %add3A_2276 = arith.addi %mul3A_2272, %mul3A_2275 : vector<16xi32>
        %add3A_2277 = arith.addi %add3A_2276, %get3A_2269 : vector<16xi32>
        %swap3A_2278 = arith.constant 3 : i32
        %swap3A_2279 = arith.index_cast %swap3A_2278 : i32 to index
        %swap3A_2280 = arith.constant 48 : index
        %swap3A_2281 = tpu.vector_load %arg9[%swap3A_2279, %swap3A_2280] {strides = array<i32>} : memref<5x80xi32, #tpu.memory_space<vmem>>, vector<16xi32>,
        tpu.vector_store %arg9[%swap3A_2279, %swap3A_2280], %add3A_2277 {strides = array<i32>} : memref<5x80xi32, #tpu.memory_space<vmem>>, vector<16xi32>,
        %get3A_2282 = arith.constant 304 : index
        %get3A_2283 = tpu.vector_load %arg7[%get3A_2282] {strides = array<i32>} : memref<1200xi32, #tpu.memory_space<vmem>>, vector<16xi32>,
        %get3A_2284 = arith.constant 704 : index
        %get3A_2285 = tpu.vector_load %arg7[%get3A_2284] {strides = array<i32>} : memref<1200xi32, #tpu.memory_space<vmem>>, vector<16xi32>,
        %get3A_2286 = arith.constant 1104 : index
        %get3A_2287 = tpu.vector_load %arg7[%get3A_2286] {strides = array<i32>} : memref<1200xi32, #tpu.memory_space<vmem>>, vector<16xi32>,
        %mul3A_2288 = arith.constant 12 : i32
        %mul3A_2289 = vector.broadcast %mul3A_2288 : i32 to vector<16xi32>
        %mul3A_2290 = arith.muli %get3A_2283, %mul3A_2289 : vector<16xi32>
        %mul3A_2291 = arith.constant 2 : i32
        %mul3A_2292 = vector.broadcast %mul3A_2291 : i32 to vector<16xi32>
        %mul3A_2293 = arith.muli %get3A_2285, %mul3A_2292 : vector<16xi32>
        %add3A_2294 = arith.addi %mul3A_2290, %mul3A_2293 : vector<16xi32>
        %add3A_2295 = arith.addi %add3A_2294, %get3A_2287 : vector<16xi32>
        %swap3A_2296 = arith.constant 3 : i32
        %swap3A_2297 = arith.index_cast %swap3A_2296 : i32 to index
        %swap3A_2298 = arith.constant 64 : index
        %swap3A_2299 = tpu.vector_load %arg9[%swap3A_2297, %swap3A_2298] {strides = array<i32>} : memref<5x80xi32, #tpu.memory_space<vmem>>, vector<16xi32>,
        tpu.vector_store %arg9[%swap3A_2297, %swap3A_2298], %add3A_2295 {strides = array<i32>} : memref<5x80xi32, #tpu.memory_space<vmem>>, vector<16xi32>,
        %get3A_2300 = arith.constant 320 : index
        %get3A_2301 = tpu.vector_load %arg7[%get3A_2300] {strides = array<i32>} : memref<1200xi32, #tpu.memory_space<vmem>>, vector<16xi32>,
        %get3A_2302 = arith.constant 720 : index
        %get3A_2303 = tpu.vector_load %arg7[%get3A_2302] {strides = array<i32>} : memref<1200xi32, #tpu.memory_space<vmem>>, vector<16xi32>,
        %get3A_2304 = arith.constant 1120 : index
        %get3A_2305 = tpu.vector_load %arg7[%get3A_2304] {strides = array<i32>} : memref<1200xi32, #tpu.memory_space<vmem>>, vector<16xi32>,
        %mul3A_2306 = arith.constant 12 : i32
        %mul3A_2307 = vector.broadcast %mul3A_2306 : i32 to vector<16xi32>
        %mul3A_2308 = arith.muli %get3A_2301, %mul3A_2307 : vector<16xi32>
        %mul3A_2309 = arith.constant 2 : i32
        %mul3A_2310 = vector.broadcast %mul3A_2309 : i32 to vector<16xi32>
        %mul3A_2311 = arith.muli %get3A_2303, %mul3A_2310 : vector<16xi32>
        %add3A_2312 = arith.addi %mul3A_2308, %mul3A_2311 : vector<16xi32>
        %add3A_2313 = arith.addi %add3A_2312, %get3A_2305 : vector<16xi32>
        %swap3A_2314 = arith.constant 4 : i32
        %swap3A_2315 = arith.index_cast %swap3A_2314 : i32 to index
        %swap3A_2316 = arith.constant 0 : index
        %swap3A_2317 = tpu.vector_load %arg9[%swap3A_2315, %swap3A_2316] {strides = array<i32>} : memref<5x80xi32, #tpu.memory_space<vmem>>, vector<16xi32>,
        tpu.vector_store %arg9[%swap3A_2315, %swap3A_2316], %add3A_2313 {strides = array<i32>} : memref<5x80xi32, #tpu.memory_space<vmem>>, vector<16xi32>,
        %get3A_2318 = arith.constant 336 : index
        %get3A_2319 = tpu.vector_load %arg7[%get3A_2318] {strides = array<i32>} : memref<1200xi32, #tpu.memory_space<vmem>>, vector<16xi32>,
        %get3A_2320 = arith.constant 736 : index
        %get3A_2321 = tpu.vector_load %arg7[%get3A_2320] {strides = array<i32>} : memref<1200xi32, #tpu.memory_space<vmem>>, vector<16xi32>,
        %get3A_2322 = arith.constant 1136 : index
        %get3A_2323 = tpu.vector_load %arg7[%get3A_2322] {strides = array<i32>} : memref<1200xi32, #tpu.memory_space<vmem>>, vector<16xi32>,
        %mul3A_2324 = arith.constant 12 : i32
        %mul3A_2325 = vector.broadcast %mul3A_2324 : i32 to vector<16xi32>
        %mul3A_2326 = arith.muli %get3A_2319, %mul3A_2325 : vector<16xi32>
        %mul3A_2327 = arith.constant 2 : i32
        %mul3A_2328 = vector.broadcast %mul3A_2327 : i32 to vector<16xi32>
        %mul3A_2329 = arith.muli %get3A_2321, %mul3A_2328 : vector<16xi32>
        %add3A_2330 = arith.addi %mul3A_2326, %mul3A_2329 : vector<16xi32>
        %add3A_2331 = arith.addi %add3A_2330, %get3A_2323 : vector<16xi32>
        %swap3A_2332 = arith.constant 4 : i32
        %swap3A_2333 = arith.index_cast %swap3A_2332 : i32 to index
        %swap3A_2334 = arith.constant 16 : index
        %swap3A_2335 = tpu.vector_load %arg9[%swap3A_2333, %swap3A_2334] {strides = array<i32>} : memref<5x80xi32, #tpu.memory_space<vmem>>, vector<16xi32>,
        tpu.vector_store %arg9[%swap3A_2333, %swap3A_2334], %add3A_2331 {strides = array<i32>} : memref<5x80xi32, #tpu.memory_space<vmem>>, vector<16xi32>,
        %get3A_2336 = arith.constant 352 : index
        %get3A_2337 = tpu.vector_load %arg7[%get3A_2336] {strides = array<i32>} : memref<1200xi32, #tpu.memory_space<vmem>>, vector<16xi32>,
        %get3A_2338 = arith.constant 752 : index
        %get3A_2339 = tpu.vector_load %arg7[%get3A_2338] {strides = array<i32>} : memref<1200xi32, #tpu.memory_space<vmem>>, vector<16xi32>,
        %get3A_2340 = arith.constant 1152 : index
        %get3A_2341 = tpu.vector_load %arg7[%get3A_2340] {strides = array<i32>} : memref<1200xi32, #tpu.memory_space<vmem>>, vector<16xi32>,
        %mul3A_2342 = arith.constant 12 : i32
        %mul3A_2343 = vector.broadcast %mul3A_2342 : i32 to vector<16xi32>
        %mul3A_2344 = arith.muli %get3A_2337, %mul3A_2343 : vector<16xi32>
        %mul3A_2345 = arith.constant 2 : i32
        %mul3A_2346 = vector.broadcast %mul3A_2345 : i32 to vector<16xi32>
        %mul3A_2347 = arith.muli %get3A_2339, %mul3A_2346 : vector<16xi32>
        %add3A_2348 = arith.addi %mul3A_2344, %mul3A_2347 : vector<16xi32>
        %add3A_2349 = arith.addi %add3A_2348, %get3A_2341 : vector<16xi32>
        %swap3A_2350 = arith.constant 4 : i32
        %swap3A_2351 = arith.index_cast %swap3A_2350 : i32 to index
        %swap3A_2352 = arith.constant 32 : index
        %swap3A_2353 = tpu.vector_load %arg9[%swap3A_2351, %swap3A_2352] {strides = array<i32>} : memref<5x80xi32, #tpu.memory_space<vmem>>, vector<16xi32>,
        tpu.vector_store %arg9[%swap3A_2351, %swap3A_2352], %add3A_2349 {strides = array<i32>} : memref<5x80xi32, #tpu.memory_space<vmem>>, vector<16xi32>,
        %get3A_2354 = arith.constant 368 : index
        %get3A_2355 = tpu.vector_load %arg7[%get3A_2354] {strides = array<i32>} : memref<1200xi32, #tpu.memory_space<vmem>>, vector<16xi32>,
        %get3A_2356 = arith.constant 768 : index
        %get3A_2357 = tpu.vector_load %arg7[%get3A_2356] {strides = array<i32>} : memref<1200xi32, #tpu.memory_space<vmem>>, vector<16xi32>,
        %get3A_2358 = arith.constant 1168 : index
        %get3A_2359 = tpu.vector_load %arg7[%get3A_2358] {strides = array<i32>} : memref<1200xi32, #tpu.memory_space<vmem>>, vector<16xi32>,
        %mul3A_2360 = arith.constant 12 : i32
        %mul3A_2361 = vector.broadcast %mul3A_2360 : i32 to vector<16xi32>
        %mul3A_2362 = arith.muli %get3A_2355, %mul3A_2361 : vector<16xi32>
        %mul3A_2363 = arith.constant 2 : i32
        %mul3A_2364 = vector.broadcast %mul3A_2363 : i32 to vector<16xi32>
        %mul3A_2365 = arith.muli %get3A_2357, %mul3A_2364 : vector<16xi32>
        %add3A_2366 = arith.addi %mul3A_2362, %mul3A_2365 : vector<16xi32>
        %add3A_2367 = arith.addi %add3A_2366, %get3A_2359 : vector<16xi32>
        %swap3A_2368 = arith.constant 4 : i32
        %swap3A_2369 = arith.index_cast %swap3A_2368 : i32 to index
        %swap3A_2370 = arith.constant 48 : index
        %swap3A_2371 = tpu.vector_load %arg9[%swap3A_2369, %swap3A_2370] {strides = array<i32>} : memref<5x80xi32, #tpu.memory_space<vmem>>, vector<16xi32>,
        tpu.vector_store %arg9[%swap3A_2369, %swap3A_2370], %add3A_2367 {strides = array<i32>} : memref<5x80xi32, #tpu.memory_space<vmem>>, vector<16xi32>,
        %get3A_2372 = arith.constant 384 : index
        %get3A_2373 = tpu.vector_load %arg7[%get3A_2372] {strides = array<i32>} : memref<1200xi32, #tpu.memory_space<vmem>>, vector<16xi32>,
        %get3A_2374 = arith.constant 784 : index
        %get3A_2375 = tpu.vector_load %arg7[%get3A_2374] {strides = array<i32>} : memref<1200xi32, #tpu.memory_space<vmem>>, vector<16xi32>,
        %get3A_2376 = arith.constant 1184 : index
        %get3A_2377 = tpu.vector_load %arg7[%get3A_2376] {strides = array<i32>} : memref<1200xi32, #tpu.memory_space<vmem>>, vector<16xi32>,
        %mul3A_2378 = arith.constant 12 : i32
        %mul3A_2379 = vector.broadcast %mul3A_2378 : i32 to vector<16xi32>
        %mul3A_2380 = arith.muli %get3A_2373, %mul3A_2379 : vector<16xi32>
        %mul3A_2381 = arith.constant 2 : i32
        %mul3A_2382 = vector.broadcast %mul3A_2381 : i32 to vector<16xi32>
        %mul3A_2383 = arith.muli %get3A_2375, %mul3A_2382 : vector<16xi32>
        %add3A_2384 = arith.addi %mul3A_2380, %mul3A_2383 : vector<16xi32>
        %add3A_2385 = arith.addi %add3A_2384, %get3A_2377 : vector<16xi32>
        %swap3A_2386 = arith.constant 4 : i32
        %swap3A_2387 = arith.index_cast %swap3A_2386 : i32 to index
        %swap3A_2388 = arith.constant 64 : index
        %swap3A_2389 = tpu.vector_load %arg9[%swap3A_2387, %swap3A_2388] {strides = array<i32>} : memref<5x80xi32, #tpu.memory_space<vmem>>, vector<16xi32>,
        tpu.vector_store %arg9[%swap3A_2387, %swap3A_2388], %add3A_2385 {strides = array<i32>} : memref<5x80xi32, #tpu.memory_space<vmem>>, vector<16xi32>,
      } else {
      }
    }
    %scan3A_1074 = arith.constant 12 : i32
    %dma_wait3A_1075 = arith.constant 0 : i32
    %dma_wait3A_1076 = arith.constant 0 : i32
    %dma_wait3A_1077 = arith.constant 0 : i32
    %dma_wait3A_1078 = tpu.memref_slice %arg10[%dma_wait3A_1076, %dma_wait3A_1077] : memref<400x128xf32, #tpu.memory_space<vmem>> -> memref<80x128xf32, #tpu.memory_space<vmem>>
    %dma_wait3A_1079 = arith.constant 0 : i32
    %dma_wait3A_1080 = tpu.memref_slice %arg8[%dma_wait3A_1075, %dma_wait3A_1079] : memref<5x80xi32, #tpu.memory_space<vmem>> -> memref<1x80xi32, #tpu.memory_space<vmem>>
    %dma_wait3A_1081 = tpu.memref_squeeze %dma_wait3A_1080 : memref<1x80xi32, #tpu.memory_space<vmem>> -> memref<80xi32, #tpu.memory_space<vmem>>
    %dma_wait3A_1082 = arith.constant 0 : i32
    %dma_wait3A_1083 = arith.constant 0 : i32
    %dma_wait3A_1084 = tpu.memref_slice %arg5[%dma_wait3A_1082, %dma_wait3A_1083] : memref<60x128xf32, #tpu.memory_space<vmem_shared>> -> memref<60x128xf32, #tpu.memory_space<vmem_shared>>
    tpu.wait_indirect_dma semaphore(%arg14 : memref<!tpu.dma_semaphore, #tpu.memory_space<semaphore_mem>>) src(%dma_wait3A_1084 : memref<60x128xf32, #tpu.memory_space<vmem_shared>>) dst(%dma_wait3A_1078 : memref<80x128xf32, #tpu.memory_space<vmem>>)
    %dma_wait3A_1085 = arith.constant 1 : i32
    %dma_wait3A_1086 = arith.constant 80 : i32
    %dma_wait3A_1087 = arith.constant 0 : i32
    %dma_wait3A_1088 = tpu.memref_slice %arg10[%dma_wait3A_1086, %dma_wait3A_1087] : memref<400x128xf32, #tpu.memory_space<vmem>> -> memref<80x128xf32, #tpu.memory_space<vmem>>
    %dma_wait3A_1089 = arith.constant 0 : i32
    %dma_wait3A_1090 = tpu.memref_slice %arg8[%dma_wait3A_1085, %dma_wait3A_1089] : memref<5x80xi32, #tpu.memory_space<vmem>> -> memref<1x80xi32, #tpu.memory_space<vmem>>
    %dma_wait3A_1091 = tpu.memref_squeeze %dma_wait3A_1090 : memref<1x80xi32, #tpu.memory_space<vmem>> -> memref<80xi32, #tpu.memory_space<vmem>>
    %dma_wait3A_1092 = arith.constant 0 : i32
    %dma_wait3A_1093 = arith.constant 0 : i32
    %dma_wait3A_1094 = tpu.memref_slice %arg5[%dma_wait3A_1092, %dma_wait3A_1093] : memref<60x128xf32, #tpu.memory_space<vmem_shared>> -> memref<60x128xf32, #tpu.memory_space<vmem_shared>>
    tpu.wait_indirect_dma semaphore(%arg14 : memref<!tpu.dma_semaphore, #tpu.memory_space<semaphore_mem>>) src(%dma_wait3A_1094 : memref<60x128xf32, #tpu.memory_space<vmem_shared>>) dst(%dma_wait3A_1088 : memref<80x128xf32, #tpu.memory_space<vmem>>)
    %dma_wait3A_1095 = arith.constant 2 : i32
    %dma_wait3A_1096 = arith.constant 160 : i32
    %dma_wait3A_1097 = arith.constant 0 : i32
    %dma_wait3A_1098 = tpu.memref_slice %arg10[%dma_wait3A_1096, %dma_wait3A_1097] : memref<400x128xf32, #tpu.memory_space<vmem>> -> memref<80x128xf32, #tpu.memory_space<vmem>>
    %dma_wait3A_1099 = arith.constant 0 : i32
    %dma_wait3A_1100 = tpu.memref_slice %arg8[%dma_wait3A_1095, %dma_wait3A_1099] : memref<5x80xi32, #tpu.memory_space<vmem>> -> memref<1x80xi32, #tpu.memory_space<vmem>>
    %dma_wait3A_1101 = tpu.memref_squeeze %dma_wait3A_1100 : memref<1x80xi32, #tpu.memory_space<vmem>> -> memref<80xi32, #tpu.memory_space<vmem>>
    %dma_wait3A_1102 = arith.constant 0 : i32
    %dma_wait3A_1103 = arith.constant 0 : i32
    %dma_wait3A_1104 = tpu.memref_slice %arg5[%dma_wait3A_1102, %dma_wait3A_1103] : memref<60x128xf32, #tpu.memory_space<vmem_shared>> -> memref<60x128xf32, #tpu.memory_space<vmem_shared>>
    tpu.wait_indirect_dma semaphore(%arg14 : memref<!tpu.dma_semaphore, #tpu.memory_space<semaphore_mem>>) src(%dma_wait3A_1104 : memref<60x128xf32, #tpu.memory_space<vmem_shared>>) dst(%dma_wait3A_1098 : memref<80x128xf32, #tpu.memory_space<vmem>>)
    %dma_wait3A_1105 = arith.constant 3 : i32
    %dma_wait3A_1106 = arith.constant 240 : i32
    %dma_wait3A_1107 = arith.constant 0 : i32
    %dma_wait3A_1108 = tpu.memref_slice %arg10[%dma_wait3A_1106, %dma_wait3A_1107] : memref<400x128xf32, #tpu.memory_space<vmem>> -> memref<80x128xf32, #tpu.memory_space<vmem>>
    %dma_wait3A_1109 = arith.constant 0 : i32
    %dma_wait3A_1110 = tpu.memref_slice %arg8[%dma_wait3A_1105, %dma_wait3A_1109] : memref<5x80xi32, #tpu.memory_space<vmem>> -> memref<1x80xi32, #tpu.memory_space<vmem>>
    %dma_wait3A_1111 = tpu.memref_squeeze %dma_wait3A_1110 : memref<1x80xi32, #tpu.memory_space<vmem>> -> memref<80xi32, #tpu.memory_space<vmem>>
    %dma_wait3A_1112 = arith.constant 0 : i32
    %dma_wait3A_1113 = arith.constant 0 : i32
    %dma_wait3A_1114 = tpu.memref_slice %arg5[%dma_wait3A_1112, %dma_wait3A_1113] : memref<60x128xf32, #tpu.memory_space<vmem_shared>> -> memref<60x128xf32, #tpu.memory_space<vmem_shared>>
    tpu.wait_indirect_dma semaphore(%arg14 : memref<!tpu.dma_semaphore, #tpu.memory_space<semaphore_mem>>) src(%dma_wait3A_1114 : memref<60x128xf32, #tpu.memory_space<vmem_shared>>) dst(%dma_wait3A_1108 : memref<80x128xf32, #tpu.memory_space<vmem>>)
    %dma_wait3A_1115 = arith.constant 4 : i32
    %dma_wait3A_1116 = arith.constant 320 : i32
    %dma_wait3A_1117 = arith.constant 0 : i32
    %dma_wait3A_1118 = tpu.memref_slice %arg10[%dma_wait3A_1116, %dma_wait3A_1117] : memref<400x128xf32, #tpu.memory_space<vmem>> -> memref<80x128xf32, #tpu.memory_space<vmem>>
    %dma_wait3A_1119 = arith.constant 0 : i32
    %dma_wait3A_1120 = tpu.memref_slice %arg8[%dma_wait3A_1115, %dma_wait3A_1119] : memref<5x80xi32, #tpu.memory_space<vmem>> -> memref<1x80xi32, #tpu.memory_space<vmem>>
    %dma_wait3A_1121 = tpu.memref_squeeze %dma_wait3A_1120 : memref<1x80xi32, #tpu.memory_space<vmem>> -> memref<80xi32, #tpu.memory_space<vmem>>
    %dma_wait3A_1122 = arith.constant 0 : i32
    %dma_wait3A_1123 = arith.constant 0 : i32
    %dma_wait3A_1124 = tpu.memref_slice %arg5[%dma_wait3A_1122, %dma_wait3A_1123] : memref<60x128xf32, #tpu.memory_space<vmem_shared>> -> memref<60x128xf32, #tpu.memory_space<vmem_shared>>
    tpu.wait_indirect_dma semaphore(%arg14 : memref<!tpu.dma_semaphore, #tpu.memory_space<semaphore_mem>>) src(%dma_wait3A_1124 : memref<60x128xf32, #tpu.memory_space<vmem_shared>>) dst(%dma_wait3A_1118 : memref<80x128xf32, #tpu.memory_space<vmem>>)
    %add3A_1125 = arith.constant 9600 : i32
    %add3A_1126 = arith.addi %mul3A_2, %add3A_1125 : i32
    %dma_start3A_1127 = arith.constant 0 : i32
    %dma_start3A_1128 = tpu.memref_slice %arg4[%add3A_1126, %dma_start3A_1127] : memref<320000x128xf32, #tpu.memory_space<hbm>> -> memref<400x128xf32, #tpu.memory_space<hbm>>
    %dma_start3A_1129 = arith.constant 0 : i32
    %dma_start3A_1130 = tpu.memref_slice %arg4[%add3A_1126, %dma_start3A_1129] : memref<320000x128xf32, #tpu.memory_space<hbm>> -> memref<400x128xf32, #tpu.memory_space<hbm>>
    tpu.enqueue_dma source(%arg10 : memref<400x128xf32, #tpu.memory_space<vmem>>) target(%dma_start3A_1130 : memref<400x128xf32, #tpu.memory_space<hbm>>) target_semaphore(%arg16 : memref<!tpu.dma_semaphore, #tpu.memory_space<semaphore_mem>>)
    %add3A_1131 = arith.constant 9200 : i32
    %add3A_1132 = arith.addi %mul3A_2, %add3A_1131 : i32
    %dma_wait3A_1133 = arith.constant 0 : i32
    %dma_wait3A_1134 = tpu.memref_slice %arg4[%add3A_1132, %dma_wait3A_1133] : memref<320000x128xf32, #tpu.memory_space<hbm>> -> memref<400x128xf32, #tpu.memory_space<hbm>>
    %dma_wait3A_1135 = arith.constant 0 : i32
    %dma_wait3A_1136 = tpu.memref_slice %arg4[%add3A_1132, %dma_wait3A_1135] : memref<320000x128xf32, #tpu.memory_space<hbm>> -> memref<400x128xf32, #tpu.memory_space<hbm>>
    tpu.wait_dma2 semaphore(%arg17 : memref<!tpu.dma_semaphore, #tpu.memory_space<semaphore_mem>>) src(%arg11 : memref<400x128xf32, #tpu.memory_space<vmem>>) dst(%dma_wait3A_1136 : memref<400x128xf32, #tpu.memory_space<hbm>>)
    %add3A_1137 = arith.constant 9600 : i32
    %add3A_1138 = arith.addi %mul3A_2, %add3A_1137 : i32
    %dma_wait3A_1139 = arith.constant 0 : i32
    %dma_wait3A_1140 = tpu.memref_slice %arg4[%add3A_1138, %dma_wait3A_1139] : memref<320000x128xf32, #tpu.memory_space<hbm>> -> memref<400x128xf32, #tpu.memory_space<hbm>>
    %dma_wait3A_1141 = arith.constant 0 : i32
    %dma_wait3A_1142 = tpu.memref_slice %arg4[%add3A_1138, %dma_wait3A_1141] : memref<320000x128xf32, #tpu.memory_space<hbm>> -> memref<400x128xf32, #tpu.memory_space<hbm>>
    tpu.wait_dma2 semaphore(%arg16 : memref<!tpu.dma_semaphore, #tpu.memory_space<semaphore_mem>>) src(%arg10 : memref<400x128xf32, #tpu.memory_space<vmem>>) dst(%dma_wait3A_1142 : memref<400x128xf32, #tpu.memory_space<hbm>>)
    return
  }
}

</mosaic_0001>

<sc_bundles>
// kernel: kernel.3.cloned.1.call-start
scs
__scs_entry_jumppad:
0x0: {  	(pc) =	sbr.rel $0x88, $3  }
0x1: {  	(tag) =	ssettag $0x0;
	lr =	simm.s32 $0x1  }
0x2: {  	[smem:$0x3F9D] =	sst lr;
	_ =	strace $0xD0000000  }
0x3: {  	_ = 	snop  }
0x4: {  	_ = 	snop  }
0x5: {  	_ = 	snop  }
0x6: {  	_ = 	snop  }
0x7: {  	_ = 	snop  }
__scs_overlays_trampoline_lowered:
0x8: {  	[smem:$0x3FAC] =	sst s0  }
0x9: {  	[smem:$0x3FAD] =	sst s1  }
0xa: {  	[smem:$0x3FAE] =	sst s2  }
0xb: {  	[smem:$0x3FAF] =	sst s3  }
0xc: {  	[smem:$0x3FB0] =	sst s4  }
0xd: {  	[smem:$0x3FB1] =	sst s5  }
0xe: {  	[smem:$0x3FB2] =	sst s6  }
0xf: {  	[smem:$0x3FB3] =	sst s7  }
0x10: {  	[smem:$0x3FB4] =	sst s8  }
0x11: {  	[smem:$0x3FB5] =	sst s9;
	s0 =	simm.s32 @!p0 $0x0  }
0x12: {  	s1 =	sld [smem:$0x3F9B];
	s0 =	simm.s32 @p0 $0x1  }
0x13: {  	[smem:$0x3FB6] =	sst s0;
	s0 =	simm.s32 @!p1 $0x0  }
0x14: {  	s2 =	sld [smem:$0x3F9A];
	s0 =	simm.s32 @p1 $0x1  }
0x15: {  	[smem:$0x3FB7] =	sst s0;
	s0 =	simm.s32 @!p2 $0x0  }
0x16: {  	s3 =	sld [smem:$0x3FDB];
	s0 =	simm.s32 @p2 $0x1  }
0x17: {  	s4 =	simm.s32 $0x1BF5;
	[smem:$0x3FB9] =	sst s0  }
0x18: {  	s0 =	sld [smem:$0x3F9C];
	_ =	swait.ge [sflag:s4], $0x0  }
0x19: {  	s7 =	sld [smem:$0x3F9D]  }
0x1a: {  	s8 =	sadd.s32 $0xFFFFE003, lr  }
0x1b: {  	s9 =	sadd.s32 $0xFFFFFEF7, lr;
	s5 =	simm.s32 $0xFFFFFFFF;
	p2 =	slt.u32 s8, $0xFFFFF086  }
0x1c: {  	p1 =	slt.u32 s9, $0xF7A;
	s5 =	simm.s32 @!p2 $0x0  }
0x1d: {  	s5 =	simm.s32 @p1 $0x1;
	p0 =	seq.s32 s7, s2  }
0x1e: {  	s7 =	smul.u32 @!p0 $0xF7A, s2;
	p2 =	seq.s32 @!p0 s5, $0x0  }
0x1f: {  	s9 =	smul.u32 $0xF7A, s1;
	s8 =	simm.s32 @!p0 $0x1BF5;
	p2 =	por !p2, p0  }
0x20: {  	[sflag:s8] =	ssyncset.s32 @!p0 $0xFFFFF086;
	s6 =	sadd.s32 @!p0 s3, s7;
	s7 =	simm.s32 @!p0 $0x108  }
0x21: {  	s3 =	sadd.s32 s3, s9;
	s6 =	sadd.s32 @!p0 $0x88, s6;
	s7 =	simm.s32 @p2 $0x1082  }
0x22: {  	[simem:s7], [sflag:s8] =	dma.local @!p0 [hbm:s6], $0xF7A  }
0x23: {  	s9 =	sor.u32 $0xD0000000, s2;
	s6 =	simm.s32 $0x108;
	_ =	swait.ge @!p0 [sflag:s8], $0x0  }
0x24: {  	s3 =	sadd.s32 $0x88, s3;
	s6 =	simm.s32 @!p1 $0x1082;
	[sflag:s4] =	ssyncset.s32 $0xFFFFF086  }
0x25: {  	[simem:s6], [sflag:s4] =	dma.local [hbm:s3], $0xF7A  }
0x26: {  	[smem:$0x3F9D] =	sst s1;
	(tag) =	ssettag s2;
	_ =	strace s9  }
0x27: {  	s1 =	sld [smem:$0x3FAD]  }
0x28: {  	s2 =	sld [smem:$0x3FAE]  }
0x29: {  	s4 =	sld [smem:$0x3FB0]  }
0x2a: {  	p0 =	seq.s32 s5, $0x0;
	s5 =	sld [smem:$0x3FB1]  }
0x2b: {  	s6 =	sld [smem:$0x3FB2]  }
0x2c: {  	s7 =	sld [smem:$0x3FB3]  }
0x2d: {  	s3 =	simm.s32 $0x108;
	s8 =	sld [smem:$0x3FB4]  }
0x2e: {  	s3 =	simm.s32 @!p0 $0x1082;
	s9 =	sld [smem:$0x3FB5]  }
0x2f: {  	lr =	sadd.s32 s0, s3;
	s0 =	sld [smem:$0x3FAC]  }
0x30: {  	s3 =	sld [smem:$0x3FAF]  }
0x31: {  	[smem:$0x3FB8] =	sst s10  }
0x32: {  	s10 =	sld [smem:$0x3FB6];
	_ =	sdelay $0x3  }
0x33: {  	p0 =	seq.s32 s10, $0x1;
	s10 =	sld [smem:$0x3FB8];
	_ =	sdelay $0x3  }
0x34: {  	[smem:$0x3FB8] =	sst s10  }
0x35: {  	s10 =	sld [smem:$0x3FB7];
	_ =	sdelay $0x3  }
0x36: {  	p1 =	seq.s32 s10, $0x1;
	s10 =	sld [smem:$0x3FB8];
	_ =	sdelay $0x3  }
0x37: {  	[smem:$0x3FB8] =	sst s10  }
0x38: {  	s10 =	sld [smem:$0x3FB9]  }
0x39: {  	_ = 	snop;
	(pc) =	sbr.ind lr, $3  }
0x3a: {  	_ = 	snop  }
0x3b: {  	_ = 	snop  }
0x3c: {  	p2 =	seq.s32 s10, $0x1;
	s10 =	sld [smem:$0x3FB8]  }
0x3d: {  	_ =	shalt  }
0x3e: {  	_ =	shalt  }
0x3f: {  	_ =	shalt  }
0x40: {  	_ =	shalt  }
0x41: {  	_ =	shalt  }
0x42: {  	_ =	shalt  }
0x43: {  	_ =	shalt  }
0x44: {  	_ =	shalt  }
0x45: {  	_ =	shalt  }
0x46: {  	_ =	shalt  }
0x47: {  	_ =	shalt  }
0x48: {  	_ =	shalt  }
0x49: {  	_ =	shalt  }
0x4a: {  	_ =	shalt  }
0x4b: {  	_ =	shalt  }
0x4c: {  	_ =	shalt  }
0x4d: {  	_ =	shalt  }
0x4e: {  	_ =	shalt  }
0x4f: {  	_ =	shalt  }
0x50: {  	_ =	shalt  }
0x51: {  	_ =	shalt  }
0x52: {  	_ =	shalt  }
0x53: {  	_ =	shalt  }
0x54: {  	_ =	shalt  }
0x55: {  	_ =	shalt  }
0x56: {  	_ =	shalt  }
0x57: {  	_ =	shalt  }
0x58: {  	_ =	shalt  }
0x59: {  	_ =	shalt  }
0x5a: {  	_ =	shalt  }
0x5b: {  	_ =	shalt  }
0x5c: {  	_ =	shalt  }
0x5d: {  	_ =	shalt  }
0x5e: {  	_ =	shalt  }
0x5f: {  	_ =	shalt  }
0x60: {  	_ =	shalt  }
0x61: {  	_ =	shalt  }
0x62: {  	_ =	shalt  }
0x63: {  	_ =	shalt  }
0x64: {  	_ =	shalt  }
0x65: {  	_ =	shalt  }
0x66: {  	_ =	shalt  }
0x67: {  	_ =	shalt  }
0x68: {  	_ =	shalt  }
0x69: {  	_ =	shalt  }
0x6a: {  	_ =	shalt  }
0x6b: {  	_ =	shalt  }
0x6c: {  	_ =	shalt  }
0x6d: {  	_ =	shalt  }
0x6e: {  	_ =	shalt  }
0x6f: {  	_ =	shalt  }
0x70: {  	_ =	shalt  }
0x71: {  	_ =	shalt  }
0x72: {  	_ =	shalt  }
0x73: {  	_ =	shalt  }
0x74: {  	_ =	shalt  }
0x75: {  	_ =	shalt  }
0x76: {  	_ =	shalt  }
0x77: {  	_ =	shalt  }
0x78: {  	_ =	shalt  }
0x79: {  	_ =	shalt  }
0x7a: {  	_ =	shalt  }
0x7b: {  	_ =	shalt  }
0x7c: {  	_ =	shalt  }
0x7d: {  	_ =	shalt  }
0x7e: {  	_ =	shalt  }
0x7f: {  	_ =	shalt  }
0x80: {  	_ =	shalt  }
0x81: {  	_ =	shalt  }
0x82: {  	_ =	shalt  }
0x83: {  	_ =	shalt  }
0x84: {  	_ =	shalt  }
0x85: {  	_ =	shalt  }
0x86: {  	_ =	shalt  }
0x87: {  	_ =	shalt  }
.Lfunc_end0:
.L_simem_size_0:
called_computation_lowered:
.L_overlay_start_0:
0x88: {  	s2 =	sld [smem:$0x3FD9]  }
0x89: {  	s3 =	sld [smem:$0x3FFE];
	_ =	sdelay $0x1  }
0x8a: {  	s1 =	srdreg.scid  }
0x8b: {  	s0 =	sand.u32 $0x1, s1  }
0x8c: {  	s17 =	sshll.u32 s0, $0xA;
	s2 =	sadd.s32 s3, s2  }
0x8d: {  	s2 =	sadd.s32 s2, s17  }
0x8e: {  	[smem:$0x3FC4] =	sst s2  }
0x8f: {  	_ = 	snop  }
0x90: {  	s2 =	sld [smem:$0x3FD0];
	(tm) =	ssettm $0x1  }
0x91: {  	s18 =	sld [smem:$0x3FFB];
	_ =	sdelay $0x3  }
0x92: {  	_ =	strace s18  }
0x93: {  	s3 =	sld [smem:$0x3FFC];
	_ =	sdelay $0x3  }
0x94: {  	_ =	strace s3  }
0x95: {  	s3 =	sld [smem:$0x3FFD];
	_ =	sdelay $0x3  }
0x96: {  	_ =	strace s3  }
0x97: {  	_ =	strace $0x8FFFFFFF  }
0x98: {  	s19 =	sld [smem:$0x3FDB];
	_ =	sdelay $0x1  }
0x99: {  	s4 =	simm.s32 $_scs_section_size  }
0x9a: {  	s5 =	simm.s32 $_size__tile_overlayer_lowered;
	s6 =	simm.s32 $_tile_overlayer_lowered  }
0x9b: {  	s22 =	simm.s32 $0x1BFF;
	s21 =	sshll.u32 s6, $0x1;
	s3 =	sadd.s32 s4, s19  }
0x9c: {  	s7 =	simm.s32 $0x0;
	s20 =	sshll.u32 s5, $0x1;
	s5 =	sadd.s32 s21, s3  }
0x9d: {  	[timem:s7], [sflag:s22] =	dma.local [hbm:s5], s20  }
0x9e: {  	_ =	swait.ge [sflag:s22], s20  }
0x9f: {  	s4 =	ssub.s32 $0x0, s20;
	[sflag:s22] =	ssyncset.done $0x0  }
0xa0: {  	[sflag:s22] =	ssyncadd.s32 s4;
	_ =	sdelay $0x1  }
0xa1: {  	s23 =	simm.s32 $0x1B8B  }
0xa2: {  	_ =	swait.ge [sflag:s23], $0x1  }
0xa3: {  	[sflag:s23] =	ssyncset.done $0x0  }
0xa4: {  	s25 =	simm.s32 $0x1B8E;
	s24 =	sld [smem:$0x3FFE];
	[sflag:s23] =	ssyncadd.s32 $0xFFFFFFFF  }
0xa5: {  	s26 =	simm.s32 $execute0_lowered;
	[smem:$0x3FD2] =	sst s25  }
0xa6: {  	s5 =	sshll.u32 s26, $0x1;
	_ =	strace $0x80000046;
	[dreg:$0x1] =	wrdreg $0xFFFFFFFF  }
0xa7: {  	s28 =	simm.s32 $_size_execute0_lowered;
	s3 =	sadd.s32 s3, s5;
	[dreg:$0x0] =	wrdreg $0x0  }
0xa8: {  	s5 =	sshll.u32 s28, $0x1;
	[dreg:$0x2] =	wrdreg s3  }
0xa9: {  	[dreg:$0x3] =	wrdreg s5  }
0xaa: {  	[dreg:$0x4] =	wrdreg $0xC0  }
0xab: {  	_ =	task [dreg:s7], $0x5FFFF  }
0xac: {  	[dreg:$0x1] =	wrdreg $0xFFFFFFFF  }
0xad: {  	[dreg:$0x0] =	wrdreg $0x60  }
0xae: {  	[dreg:$0x2] =	wrdreg s24  }
0xaf: {  	[dreg:$0x3] =	wrdreg s2  }
0xb0: {  	[dreg:$0x4] =	wrdreg $0x0  }
0xb1: {  	[dreg:$0x5] =	wrdreg $0x9  }
0xb2: {  	_ =	task.clear_ibuf [dreg:s7], $0x6FFFF;
	_ =	strace $0x90000046  }
0xb3: {  	s29 =	simm.s32 $0x9;
	_ =	strace $0x80000048  }
0xb4: {  	_ =	swait.ge [sflag:s29], $0x1  }
0xb5: {  	[sflag:s29] =	ssyncadd.s32 $0xFFFFFFFF  }
0xb6: {  	_ =	strace $0x90000048  }
0xb7: {  	_ =	sfence  }
0xb8: {  	s30 =	sld [smem:$0x0];
	_ =	sdelay $0x2  }
0xb9: {  	s31 =	sshll.u32 s1, $0xD;
	s1 =	sshrl.u32 s1, $0x2  }
0xba: {  	s3 =	sand.u32 $0x4000, s31;
	s1 =	sadd.s32 s1, s30  }
0xbb: {  	s0 =	sor.u32 s3, s0;
	s1 =	sshll.u32 s1, $0x11  }
0xbc: {  	s0 =	sor.u32 s1, s0  }
0xbd: {  	s0 =	sadd.s32 $0x8F2B, s0  }
0xbe: {  	[sflag:s0] =	ssyncadd.remote.s32 $0x1  }
0xbf: {  	_ =	sfence.sel $0xFFFF  }
0xc0: {  	[dreg:$0x0] =	wrdreg $0xFFFFFFFF;
	(pc) =	sbr.abs _section_cstart, $3  }
0xc1: {  	[dreg:$0x1] =	wrdreg $0xFFFFFFFF  }
0xc2: {  	_ =	task.clear_ibuf [dreg:s7], $0x2FFFF;
	_ =	strace $0x9FFFFFFF  }
0xc3: {  	(tm) =	ssettm $0x7FFFFFFF  }
tec
execute0_lowered:
.L_overlay_start_1:
0x0: {  	(tag) =	ssettag $0x1  }
0x1: {  	s0 =	rddreg [dreg:$0x0]  }
0x2: {  	s4 =	rddreg [dreg:$0x1]  }
0x3: {  	s1 =	rddreg [dreg:$0x2]  }
0x4: {  	s3 =	srdreg.scid;
	s5 =	stileid.u32;
	s2 =	simm.s32 $0x0  }
0x5: {  	s28 =	simm.s32 $0x50;
	s30 =	simm.s32 $0x13E0;
	s31 =	simm.s32 $0xC60  }
0x6: {  	s6 =	sand.u32 $0x1, s3;
	s10 =	sshll.u32 s5, $0x1;
	s20 =	smul.u32 $0x4E200, s5  }
0x7: {  	[smem:$0x7FF] =	sst s2;
	s7 =	sor.u32 s6, s10;
	s10 =	smul.u32 $0x4E20, s5  }
0x8: {  	s3 =	sadd.s32 $0x800, s0;
	s0 =	sadd.s32 $0x400, s0;
	s13 =	smul.u32 $0x2710, s6  }
0x9: {  	p0 =	sne.s32 s5, $0x0;
	_ =	strace $0x80000047;
	s8 =	smul.u32 $0x2710, s7  }
0xa: {  	[dreg:$0x4] =	wrdreg s0;
	s11 =	ssub.s32 $0x2, s6;
	s7 =	smul.u32 $0x138800, s7  }
0xb: {  	s6 =	smul.u32 $0x27100, s6;
	s5 =	simm.s32 $0x4;
	s9 =	sshrl.u32 s11, $0x1  }
0xc: {  	s0 =	ssub.s32 s11, s9;
	s8 =	sshrl.u32 s8, $0x3;
	s7 =	sshrl.u32 s7, $0x3  }
0xd: {  	s0 =	smax.u32 s0, $0x1;
	s12 =	sadd.s32 s3, s8;
	s8 =	sadd.s32 s13, s10  }
0xe: {  	s7 =	sadd.s32 s4, s7;
	[dreg:$0xc] =	wrdreg s0;
	s4 =	sadd.s32 s20, s4  }
0xf: {  	s11 =	sadd.s32 $0x9C40, s12;
	s14 =	sadd.s32 $0x13880, s12;
	s15 =	sadd.s32 $0x32, s12  }
0x10: {  	s16 =	sadd.s32 $0x9C72, s12;
	[dreg:$0x5] =	wrdreg s12;
	s9 =	sadd.s32 $0x138B2, s12  }
0x11: {  	s17 =	sadd.s32 $0x4B0, s8;
	s7 =	sadd.s32 $0x25800, s7;
	[dreg:$0x6] =	wrdreg s11  }
0x12: {  	s19 =	sadd.s32 $0x4E6B0, s8;
	s21 =	sadd.s32 $0x9C8B0, s8;
	[dreg:$0x7] =	wrdreg s14  }
0x13: {  	s23 =	sadd.s32 s6, s4;
	s24 =	sadd.s32 $0x4E520, s8;
	[dreg:$0x8] =	wrdreg s15  }
0x14: {  	s25 =	sadd.s32 $0x320, s8;
	s26 =	sadd.s32 $0x9C720, s8;
	[dreg:$0x9] =	wrdreg s16  }
0x15: {  	s4 =	simm.s32 $0x8BE0;
	s6 =	simm.s32 $0xDE0;
	[dreg:$0xa] =	wrdreg s9  }
0x16: {  	s8 =	simm.s32 $0x2;
	s12 =	simm.s32 $0x0;
	[dreg:$0xb] =	wrdreg s7  }
0x17: {  	s18 =	sshrl.u32 s17, $0x3;
	s0 =	sshrl.u32 s19, $0x3;
	[dreg:$0xd] =	wrdreg s23  }
0x18: {  	s22 =	sshrl.u32 s21, $0x3;
	[dreg:$0xe] =	wrdreg s25;
	s29 =	sshrl.u32 s26, $0x3  }
0x19: {  	s25 =	simm.s32 $0x63E0;
	s26 =	simm.s32 $0xD60;
	s7 =	simm.s32 $0xB3E0  }
.Ltmp0:
0x1a: {  	s9 =	simm.s32 $0x3;
	s11 =	simm.s32 $0xDBE0;
	(pc) =	sbr.rel .LBB2_1-.Ltmp0, $4  }
0x1b: {  	s16 =	simm.s32 $0x1;
	s17 =	simm.s32 $0x5;
	s13 =	sadd.s32 s18, s3  }
0x1c: {  	s14 =	sadd.s32 s0, s3;
	s15 =	sadd.s32 s22, s3;
	s0 =	sshrl.u32 s24, $0x3  }
0x1d: {  	s19 =	sadd.s32 s29, s3;
	s18 =	sadd.s32 s0, s3;
	s0 =	sshrl.u32 @!p0 s1, $0x3  }
0x1e: {  	s24 =	simm.s32 $0xCE0;
	[dreg:$0xf] =	wrdreg s0;
	s0 =	simm.s32 $0x3BE0  }
.LBB2_5:
0x1f: {  	_ =	swait.ge [sflag:s9], $0x2800  }
0x20: {  	[sflag:s9] =	ssyncset.done $0x0  }
0x21: {  	[sflag:s9] =	ssyncadd.s32 $0xFFFFD800  }
0x22: {  	_ =	swait.ge [sflag:s9], $0x2800  }
0x23: {  	[sflag:s9] =	ssyncset.done $0x0  }
0x24: {  	[sflag:s9] =	ssyncadd.s32 $0xFFFFD800  }
0x25: {  	_ =	swait.ge [sflag:s9], $0x2800  }
0x26: {  	[sflag:s9] =	ssyncset.done $0x0  }
0x27: {  	[sflag:s9] =	ssyncadd.s32 $0xFFFFD800  }
0x28: {  	_ =	swait.ge [sflag:s9], $0x2800  }
0x29: {  	[sflag:s9] =	ssyncset.done $0x0  }
0x2a: {  	[sflag:s9] =	ssyncadd.s32 $0xFFFFD800  }
0x2b: {  	_ =	swait.ge [sflag:s9], $0x2800  }
0x2c: {  	[sflag:s9] =	ssyncset.done $0x0  }
0x2d: {  	s23 =	simm.s32 $0x6;
	s10 =	rddreg [dreg:$0xb];
	[sflag:s9] =	ssyncadd.s32 $0xFFFFD800  }
0x2e: {  	[hbm4b:s10+s2] =	stream.linear.scatter [tilespmem:s30], [sflag:$0x5], $0xC800, $0x38;
	[tilespmem:$0x1A3E0] =	vst v63  }
0x2f: {  	_ =	swait.ge [sflag:s23], $0xC800  }
0x30: {  	[sflag:s23] =	ssyncset.done $0x0  }
0x31: {  	[sflag:s23] =	ssyncadd.s32 $0xFFFF3800  }
0x32: {  	_ =	swait.ge [sflag:s17], $0xC800  }
0x33: {  	s12 =	rddreg [dreg:$0x10]  }
0x34: {  	s29 =	rddreg [dreg:$0xc];
	s12 =	sadd.s32 $0x1, s12  }
0x35: {  	p1 =	sne.s32 s12, s29  }
.Ltmp1:
0x36: {  	_ = 	snop;
	(pc) =	sbr.rel @!p1 .LBB2_6-.Ltmp1, $3  }
0x37: {  	_ =	sdelay $0x1  }
0x38: {  	[sflag:s17] =	ssyncset.done $0x0  }
0x39: {  	[sflag:s17] =	ssyncadd.s32 $0xFFFF3800  }
.LBB2_1:
0x3a: {  	[dreg:$0x10] =	wrdreg s12  }
0x3b: {  	s12 =	rddreg [dreg:$0x4]  }
0x3c: {  	s10 =	simm.s32 @!p0 $0x1C07;
	s20 =	rddreg [dreg:$0xf]  }
0x3d: {  	[spmem:s20], [sflag:s10] =	dma.local @!p0 [hbm:s12], $0x3C0  }
0x3e: {  	s10 =	simm.s32 @!p0 $0x7  }
0x3f: {  	_ =	swait.ge @!p0 [sflag:s10], $0x3C0  }
0x40: {  	[sflag:s10] =	ssyncset.done @!p0 $0x0  }
0x41: {  	[sflag:s10] =	ssyncadd.s32 @!p0 $0xFFFFFC40  }
0x42: {  	[bflag:$0x0] =	sbarrier.arrive $0xFFFF  }
0x43: {  	s29 =	simm.s32 $0x1E0;
	s23 =	rddreg [dreg:$0x5]  }
0x44: {  	[tilespmem:s29], [sflag:$0x1] =	stream.linear.gather [hbm4b:s23+s2], $0x190, $0x38;
	[tilespmem:$0x1A3E0] =	vst v63  }
0x45: {  	s20 =	simm.s32 $0x370;
	s12 =	rddreg [dreg:$0x6]  }
0x46: {  	[tilespmem:s20], [sflag:$0x1] =	stream.linear.gather [hbm4b:s12+s2], $0x190, $0x38;
	[tilespmem:$0x1A3E0] =	vst v63  }
0x47: {  	s22 =	simm.s32 $0x500;
	s21 =	rddreg [dreg:$0x7]  }
0x48: {  	[tilespmem:s22], [sflag:$0x1] =	stream.linear.gather [hbm4b:s21+s2], $0x190, $0x38;
	[tilespmem:$0x1A3E0] =	vst v63  }
0x49: {  	s23 =	rddreg [dreg:$0x8];
	s29 =	simm.s32 $0x6E0  }
0x4a: {  	[tilespmem:s29], [sflag:$0x2] =	stream.linear.gather [hbm4b:s23+s2], $0x190, $0x38;
	[tilespmem:$0x1A3E0] =	vst v63  }
0x4b: {  	s20 =	rddreg [dreg:$0x9];
	s21 =	simm.s32 $0x870  }
0x4c: {  	[tilespmem:s21], [sflag:$0x2] =	stream.linear.gather [hbm4b:s20+s2], $0x190, $0x38;
	[tilespmem:$0x1A3E0] =	vst v63  }
0x4d: {  	s22 =	rddreg [dreg:$0xa];
	s23 =	simm.s32 $0xA00  }
0x4e: {  	[tilespmem:s23], [sflag:$0x2] =	stream.linear.gather [hbm4b:s22+s2], $0x190, $0x38;
	[tilespmem:$0x1A3E0] =	vst v63  }
0x4f: {  	_ =	swait.ge [sflag:s16], $0x190  }
0x50: {  	[sflag:s16] =	ssyncset.done $0x0  }
0x51: {  	[sflag:s16] =	ssyncadd.s32 $0xFFFFFE70  }
0x52: {  	_ =	swait.ge [sflag:s16], $0x190  }
0x53: {  	[sflag:s16] =	ssyncset.done $0x0  }
0x54: {  	[sflag:s16] =	ssyncadd.s32 $0xFFFFFE70  }
0x55: {  	_ =	swait.ge [sflag:s16], $0x190  }
0x56: {  	[sflag:s16] =	ssyncset.done $0x0  }
0x57: {  	[sflag:s16] =	ssyncadd.s32 $0xFFFFFE70  }
0x58: {  	v0 =	vld [tilespmem:$0x1E0]  }
0x59: {  	v1 =	vld [tilespmem:$0x370]  }
0x5a: {  	v2 =	vld [tilespmem:$0x500]  }
0x5b: {  	v3 =	vld [tilespmem:$0x1F0]  }
0x5c: {  	v4 =	vld [tilespmem:$0x380]  }
0x5d: {  	v5 =	vld [tilespmem:$0x510]  }
0x5e: {  	v6 =	vld [tilespmem:$0x200]  }
0x5f: {  	v7 =	vld [tilespmem:$0x390]  }
0x60: {  	v8 =	vld [tilespmem:$0x520]  }
0x61: {  	v9 =	vld [tilespmem:$0x210]  }
0x62: {  	v10 =	vld [tilespmem:$0x3A0]  }
0x63: {  	v11 =	vld [tilespmem:$0x530]  }
0x64: {  	v12 =	vld [tilespmem:$0x220]  }
0x65: {  	v13 =	vld [tilespmem:$0x3B0]  }
0x66: {  	v14 =	vld [tilespmem:$0x540]  }
0x67: {  	v15 =	vld [tilespmem:$0x230]  }
0x68: {  	v16 =	vld [tilespmem:$0x3C0]  }
0x69: {  	v17 =	vld [tilespmem:$0x550]  }
0x6a: {  	v18 =	vld [tilespmem:$0x240]  }
0x6b: {  	v19 =	vld [tilespmem:$0x3D0]  }
0x6c: {  	v20 =	vld [tilespmem:$0x560]  }
0x6d: {  	v21 =	vld [tilespmem:$0x250]  }
0x6e: {  	v22 =	vld [tilespmem:$0x3E0]  }
0x6f: {  	v23 =	vld [tilespmem:$0x570]  }
0x70: {  	v24 =	vld [tilespmem:$0x260]  }
0x71: {  	v25 =	vld [tilespmem:$0x3F0]  }
0x72: {  	v26 =	vld [tilespmem:$0x580]  }
0x73: {  	v27 =	vld [tilespmem:$0x270]  }
0x74: {  	v28 =	vld [tilespmem:$0x400]  }
0x75: {  	v29 =	vld [tilespmem:$0x590]  }
0x76: {  	v30 =	vld [tilespmem:$0x280]  }
0x77: {  	v31 =	vld [tilespmem:$0x410]  }
0x78: {  	v32 =	vld [tilespmem:$0x5A0]  }
0x79: {  	v33 =	vld [tilespmem:$0x290]  }
0x7a: {  	v34 =	vld [tilespmem:$0x420]  }
0x7b: {  	v35 =	vld [tilespmem:$0x5B0]  }
0x7c: {  	v36 =	vld [tilespmem:$0x2A0]  }
0x7d: {  	v37 =	vld [tilespmem:$0x430]  }
0x7e: {  	v38 =	vld [tilespmem:$0x5C0]  }
0x7f: {  	v39 =	vld [tilespmem:$0x2B0]  }
0x80: {  	v40 =	vld [tilespmem:$0x440]  }
0x81: {  	v41 =	vld [tilespmem:$0x5D0]  }
0x82: {  	v42 =	vld [tilespmem:$0x2C0]  }
0x83: {  	v43 =	vld [tilespmem:$0x450]  }
0x84: {  	v44 =	vld [tilespmem:$0x5E0]  }
0x85: {  	v45 =	vld [tilespmem:$0x2D0];
	v0 =	vmul.u32 $0xC, v0  }
0x86: {  	v1 =	vshll.u32 v1, $0x1;
	v46 =	vmul.u32 $0xC, v3;
	v3 =	vld [tilespmem:$0x460];
	v47 =	vshll.u32 v4, $0x1  }
0x87: {  	v48 =	vmul.u32 $0xC, v6;
	v6 =	vld [tilespmem:$0x5F0];
	v49 =	vshll.u32 v7, $0x1;
	v50 =	vmul.u32 $0xC, v9  }
0x88: {  	v9 =	vld [tilespmem:$0x2E0];
	v51 =	vshll.u32 v10, $0x1;
	v52 =	vmul.u32 $0xC, v12;
	v53 =	vshll.u32 v13, $0x1  }
0x89: {  	v54 =	vmul.u32 $0xC, v15;
	v12 =	vld [tilespmem:$0x2F0];
	v55 =	vshll.u32 v16, $0x1;
	v56 =	vmul.u32 $0xC, v18  }
0x8a: {  	v15 =	vld [tilespmem:$0x480];
	v57 =	vshll.u32 v19, $0x1;
	v58 =	vmul.u32 $0xC, v21;
	v59 =	vshll.u32 v22, $0x1  }
0x8b: {  	v16 =	vld [tilespmem:$0x300];
	v60 =	vmul.u32 $0xC, v24;
	v62 =	vshll.u32 v25, $0x1;
	v63 =	vmul.u32 $0xC, v27  }
0x8c: {  	v19 =	vld [tilespmem:$0x490];
	v24 =	vshll.u32 v28, $0x1;
	v27 =	vshll.u32 v31, $0x1;
	v28 =	vmul.u32 $0xC, v33  }
0x8d: {  	v18 =	vld [tilespmem:$0x310];
	v33 =	vshll.u32 v37, $0x1;
	v40 =	vshll.u32 v40, $0x1;
	v42 =	vmul.u32 $0xC, v42  }
0x8e: {  	v22 =	vld [tilespmem:$0x630];
	v0 =	vadd.s32 v0, v1;
	v1 =	vadd.s32 v46, v47;
	v4 =	vadd.s32 v50, v51  }
0x8f: {  	v31 =	vld [tilespmem:$0x320];
	v7 =	vadd.s32 v52, v53;
	v10 =	vadd.s32 v54, v55;
	v0 =	vadd.s32 v2, v0  }
0x90: {  	v37 =	vld [tilespmem:$0x640];
	v61 =	vadd.s32 v58, v59;
	v25 =	vadd.s32 v63, v24;
	v1 =	vadd.s32 v5, v1;
	[tilespmem:$0xBE0] =	vst v0  }
0x91: {  	v46 =	vld [tilespmem:$0x330];
	v2 =	vadd.s32 v48, v49;
	v4 =	vadd.s32 v11, v4;
	v7 =	vadd.s32 v14, v7;
	[tilespmem:$0xBF0] =	vst v1  }
0x92: {  	v50 =	vld [tilespmem:$0x4C0];
	v10 =	vadd.s32 v17, v10;
	v11 =	vadd.s32 v56, v57;
	v48 =	vshll.u32 v43, $0x1;
	[tilespmem:$0xC10] =	vst v4  }
0x93: {  	v52 =	vld [tilespmem:$0x650];
	v49 =	vmul.u32 $0xC, v45;
	v2 =	vadd.s32 v8, v2;
	v11 =	vadd.s32 v20, v11;
	[tilespmem:$0xC20] =	vst v7  }
0x94: {  	v54 =	vld [tilespmem:$0x340];
	v0 =	vadd.s32 v23, v61;
	v23 =	vadd.s32 v60, v62;
	[tilespmem:$0xC60] =	vst v10;
	v51 =	vadd.s32 v42, v48  }
0x95: {  	v63 =	vld [tilespmem:$0x350];
	[tilespmem:$0xC00] =	vst v2;
	v1 =	vadd.s32 v26, v23;
	v26 =	vmul.u32 $0xC, v30;
	v2 =	vadd.s32 v29, v25  }
0x96: {  	v5 =	vld [tilespmem:$0x470];
	v29 =	vshll.u32 v34, $0x1;
	v30 =	vmul.u32 $0xC, v36;
	[tilespmem:$0xC70] =	vst v11;
	v36 =	vmul.u32 $0xC, v39  }
0x97: {  	v14 =	vld [tilespmem:$0x610];
	[tilespmem:$0xC80] =	vst v0;
	v3 =	vshll.u32 v3, $0x1;
	v53 =	vmul.u32 $0xC, v9;
	v55 =	vmul.u32 $0xC, v12  }
0x98: {  	v17 =	vld [tilespmem:$0x4A0];
	v58 =	vshll.u32 v15, $0x1;
	v59 =	vmul.u32 $0xC, v16;
	v62 =	vshll.u32 v19, $0x1;
	[tilespmem:$0xC90] =	vst v1  }
0x99: {  	v56 =	vld [tilespmem:$0x4D0];
	v16 =	vmul.u32 $0xC, v18;
	v7 =	vadd.s32 v28, v29;
	[tilespmem:$0xCA0] =	vst v2;
	v2 =	vadd.s32 v44, v51  }
0x9a: {  	v20 =	vld [tilespmem:$0x620];
	v3 =	vadd.s32 v49, v3;
	v4 =	vadd.s32 v26, v27;
	v7 =	vadd.s32 v35, v7;
	[tilespmem:$0xD20] =	vst v2  }
0x9b: {  	v8 =	vld [tilespmem:$0x600];
	v10 =	vadd.s32 v30, v33;
	v47 =	vadd.s32 v36, v40;
	v3 =	vadd.s32 v6, v3;
	[tilespmem:$0xCF0] =	vst v7  }
0x9c: {  	v34 =	vld [tilespmem:$0x4B0];
	v61 =	vadd.s32 v55, v58;
	v15 =	vadd.s32 v59, v62;
	v4 =	vadd.s32 v32, v4;
	[tilespmem:$0xD60] =	vst v3  }
0x9d: {  	v18 =	vld [tilespmem:$0x4E0];
	v28 =	vmul.u32 $0xC, v46;
	v6 =	vmul.u32 $0xC, v63;
	v39 =	vadd.s32 v38, v10;
	[tilespmem:$0xCE0] =	vst v4  }
0x9e: {  	v23 =	vld [tilespmem:$0x360];
	v1 =	vadd.s32 v41, v47;
	v5 =	vshll.u32 v5, $0x1;
	v19 =	vshll.u32 v17, $0x1;
	[tilespmem:$0xD00] =	vst v39  }
0x9f: {  	v29 =	vld [tilespmem:$0x4F0];
	v57 =	vadd.s32 v53, v5;
	[tilespmem:$0xD10] =	vst v1;
	v1 =	vadd.s32 v14, v61;
	v2 =	vadd.s32 v20, v15  }
0xa0: {  	v32 =	vld [tilespmem:$0x670];
	v20 =	vmul.u32 $0xC, v31;
	v24 =	vadd.s32 v16, v19;
	v31 =	vshll.u32 v50, $0x1;
	[tilespmem:$0xD80] =	vst v1  }
0xa1: {  	v35 =	vld [tilespmem:$0x680];
	v0 =	vadd.s32 v8, v57;
	v27 =	vshll.u32 v34, $0x1;
	[tilespmem:$0xD90] =	vst v2;
	v33 =	vadd.s32 v28, v31  }
0xa2: {  	v60 =	vld [tilespmem:$0x660];
	v34 =	vmul.u32 $0xC, v54;
	v39 =	vshll.u32 v18, $0x1;
	[tilespmem:$0xD70] =	vst v0;
	v0 =	vadd.s32 v22, v24  }
0xa3: {  	v40 =	vmul.u32 $0xC, v23;
	v30 =	vadd.s32 v20, v27;
	v36 =	vadd.s32 v52, v33;
	[tilespmem:$0xDA0] =	vst v0  }
0xa4: {  	v42 =	vadd.s32 v6, v39;
	v43 =	vshll.u32 v29, $0x1;
	v1 =	vadd.s32 v37, v30;
	[tilespmem:$0xDF0] =	vst v36  }
0xa5: {  	v37 =	vshll.u32 v56, $0x1;
	v45 =	vadd.s32 v40, v43;
	[tilespmem:$0xDE0] =	vst v1;
	v44 =	vadd.s32 v32, v42  }
0xa6: {  	v38 =	vadd.s32 v34, v37;
	v46 =	vadd.s32 v35, v45;
	[tilespmem:$0xE10] =	vst v44  }
0xa7: {  	v41 =	vadd.s32 v60, v38;
	[tilespmem:$0xE20] =	vst v46  }
0xa8: {  	s29 =	simm.s32 $0xBE0;
	[tilespmem:$0xE00] =	vst v41  }
0xa9: {  	[tilespmem:s30], [sflag:$0x3] =	stream.indirect.gather [spmem:s1], $0x80, s29, s28, $0xb8;
	[tilespmem:$0x1A3E0] =	vst v63  }
0xaa: {  	_ = 	snop  }
0xab: {  	[tilespmem:s0], [sflag:$0x3] =	stream.indirect.gather [spmem:s1], $0x80, s31, s28, $0xb8;
	[tilespmem:$0x1A3E0] =	vst v63  }
0xac: {  	_ = 	snop  }
0xad: {  	[tilespmem:s25], [sflag:$0x3] =	stream.indirect.gather [spmem:s1], $0x80, s24, s28, $0xb8;
	[tilespmem:$0x1A3E0] =	vst v63  }
0xae: {  	_ = 	snop  }
0xaf: {  	[tilespmem:s4], [sflag:$0x3] =	stream.indirect.gather [spmem:s1], $0x80, s26, s28, $0xb8;
	[tilespmem:$0x1A3E0] =	vst v63  }
0xb0: {  	_ = 	snop  }
0xb1: {  	[tilespmem:s7], [sflag:$0x3] =	stream.indirect.gather [spmem:s1], $0x80, s6, s28, $0xb8;
	[tilespmem:$0x1A3E0] =	vst v63  }
0xb2: {  	_ =	swait.ge [sflag:s8], $0x190  }
0xb3: {  	[sflag:s8] =	ssyncset.done $0x0  }
0xb4: {  	[sflag:s8] =	ssyncadd.s32 $0xFFFFFE70  }
0xb5: {  	_ =	swait.ge [sflag:s8], $0x190  }
0xb6: {  	[sflag:s8] =	ssyncset.done $0x0  }
0xb7: {  	[sflag:s8] =	ssyncadd.s32 $0xFFFFFE70  }
0xb8: {  	_ =	swait.ge [sflag:s8], $0x190  }
0xb9: {  	[sflag:s8] =	ssyncset.done $0x0  }
0xba: {  	[sflag:s8] =	ssyncadd.s32 $0xFFFFFE70  }
0xbb: {  	v47 =	vld [tilespmem:$0x6E0]  }
0xbc: {  	v1 =	vld [tilespmem:$0x870]  }
0xbd: {  	v2 =	vld [tilespmem:$0xA00]  }
0xbe: {  	v48 =	vld [tilespmem:$0x6F0]  }
0xbf: {  	v49 =	vld [tilespmem:$0x880]  }
0xc0: {  	v5 =	vld [tilespmem:$0xA10]  }
0xc1: {  	v50 =	vld [tilespmem:$0x700]  }
0xc2: {  	v51 =	vld [tilespmem:$0x890]  }
0xc3: {  	v8 =	vld [tilespmem:$0xA20]  }
0xc4: {  	v52 =	vld [tilespmem:$0x710]  }
0xc5: {  	v53 =	vld [tilespmem:$0x8A0]  }
0xc6: {  	v11 =	vld [tilespmem:$0xA30]  }
0xc7: {  	v54 =	vld [tilespmem:$0x720]  }
0xc8: {  	v55 =	vld [tilespmem:$0x8B0]  }
0xc9: {  	v14 =	vld [tilespmem:$0xA40]  }
0xca: {  	v56 =	vld [tilespmem:$0x730]  }
0xcb: {  	v57 =	vld [tilespmem:$0x8C0]  }
0xcc: {  	v17 =	vld [tilespmem:$0xA50]  }
0xcd: {  	v58 =	vld [tilespmem:$0x740]  }
0xce: {  	v59 =	vld [tilespmem:$0x8D0]  }
0xcf: {  	v20 =	vld [tilespmem:$0xA60]  }
0xd0: {  	v60 =	vld [tilespmem:$0x750]  }
0xd1: {  	v61 =	vld [tilespmem:$0x8E0]  }
0xd2: {  	v23 =	vld [tilespmem:$0xA70]  }
0xd3: {  	v62 =	vld [tilespmem:$0x760]  }
0xd4: {  	v63 =	vld [tilespmem:$0x8F0]  }
0xd5: {  	v26 =	vld [tilespmem:$0xA80]  }
0xd6: {  	v27 =	vld [tilespmem:$0x770]  }
0xd7: {  	v28 =	vld [tilespmem:$0x900]  }
0xd8: {  	v29 =	vld [tilespmem:$0xA90]  }
0xd9: {  	v30 =	vld [tilespmem:$0x780]  }
0xda: {  	v31 =	vld [tilespmem:$0x910]  }
0xdb: {  	v32 =	vld [tilespmem:$0xAA0]  }
0xdc: {  	v33 =	vld [tilespmem:$0x790]  }
0xdd: {  	v34 =	vld [tilespmem:$0x920]  }
0xde: {  	v35 =	vld [tilespmem:$0xAB0]  }
0xdf: {  	v36 =	vld [tilespmem:$0x7A0]  }
0xe0: {  	v37 =	vld [tilespmem:$0x930]  }
0xe1: {  	v38 =	vld [tilespmem:$0xAC0]  }
0xe2: {  	v39 =	vld [tilespmem:$0x7B0]  }
0xe3: {  	v40 =	vld [tilespmem:$0x940]  }
0xe4: {  	v41 =	vld [tilespmem:$0xAD0]  }
0xe5: {  	v42 =	vld [tilespmem:$0x7C0]  }
0xe6: {  	v43 =	vld [tilespmem:$0x950]  }
0xe7: {  	v44 =	vld [tilespmem:$0xAE0]  }
0xe8: {  	v45 =	vld [tilespmem:$0x7D0];
	v0 =	vmul.u32 $0xC, v47  }
0xe9: {  	v3 =	vld [tilespmem:$0x960];
	v1 =	vshll.u32 v1, $0x1;
	v47 =	vmul.u32 $0xC, v48;
	v48 =	vshll.u32 v49, $0x1  }
0xea: {  	v6 =	vld [tilespmem:$0xAF0];
	v49 =	vmul.u32 $0xC, v50;
	v50 =	vshll.u32 v51, $0x1;
	v51 =	vmul.u32 $0xC, v52  }
0xeb: {  	v9 =	vld [tilespmem:$0x7E0];
	v52 =	vshll.u32 v53, $0x1;
	v53 =	vmul.u32 $0xC, v54;
	v54 =	vshll.u32 v55, $0x1  }
0xec: {  	v12 =	vld [tilespmem:$0x7F0];
	v55 =	vmul.u32 $0xC, v56;
	v56 =	vshll.u32 v57, $0x1;
	v57 =	vmul.u32 $0xC, v58  }
0xed: {  	v15 =	vld [tilespmem:$0x980];
	v58 =	vshll.u32 v59, $0x1;
	v59 =	vmul.u32 $0xC, v60;
	v60 =	vshll.u32 v61, $0x1  }
0xee: {  	v16 =	vld [tilespmem:$0x800];
	v61 =	vmul.u32 $0xC, v62;
	v63 =	vshll.u32 v63, $0x1;
	v24 =	vmul.u32 $0xC, v27  }
0xef: {  	v19 =	vld [tilespmem:$0x990];
	v27 =	vshll.u32 v28, $0x1;
	v30 =	vmul.u32 $0xC, v30;
	v31 =	vshll.u32 v31, $0x1  }
0xf0: {  	v18 =	vld [tilespmem:$0x810];
	v46 =	vmul.u32 $0xC, v33;
	v3 =	vshll.u32 v3, $0x1;
	v0 =	vadd.s32 v0, v1  }
0xf1: {  	v22 =	vld [tilespmem:$0xB30];
	v1 =	vadd.s32 v47, v48;
	v4 =	vadd.s32 v51, v52;
	v7 =	vadd.s32 v53, v54  }
0xf2: {  	v10 =	vadd.s32 v55, v56;
	v62 =	vadd.s32 v59, v60;
	v51 =	vld [tilespmem:$0x9B0];
	v0 =	vadd.s32 v2, v0  }
0xf3: {  	v25 =	vadd.s32 v61, v63;
	v28 =	vadd.s32 v24, v27;
	v53 =	vld [tilespmem:$0xB40];
	v1 =	vadd.s32 v5, v1;
	[tilespmem:$0xFE0] =	vst v0  }
0xf4: {  	v47 =	vshll.u32 v34, $0x1;
	v48 =	vmul.u32 $0xC, v36;
	v61 =	vld [tilespmem:$0x9C0];
	v4 =	vadd.s32 v11, v4;
	[tilespmem:$0xFF0] =	vst v1  }
0xf5: {  	v52 =	vmul.u32 $0xC, v39;
	v55 =	vshll.u32 v40, $0x1;
	v63 =	vld [tilespmem:$0xB50];
	v7 =	vadd.s32 v14, v7;
	[tilespmem:$0x1010] =	vst v4  }
0xf6: {  	v56 =	vmul.u32 $0xC, v42;
	v27 =	vld [tilespmem:$0x840];
	v2 =	vadd.s32 v49, v50;
	v10 =	vadd.s32 v17, v10;
	[tilespmem:$0x1020] =	vst v7  }
0xf7: {  	v59 =	vshll.u32 v43, $0x1;
	v36 =	vld [tilespmem:$0x850];
	v11 =	vadd.s32 v57, v58;
	v2 =	vadd.s32 v8, v2;
	[tilespmem:$0x1060] =	vst v10  }
0xf8: {  	v60 =	vmul.u32 $0xC, v45;
	v24 =	vmul.u32 $0xC, v9;
	v39 =	vld [tilespmem:$0x9E0];
	v11 =	vadd.s32 v20, v11;
	[tilespmem:$0x1000] =	vst v2  }
0xf9: {  	v5 =	vld [tilespmem:$0x970];
	v50 =	vshll.u32 v37, $0x1;
	v0 =	vadd.s32 v23, v62;
	v1 =	vadd.s32 v26, v25;
	[tilespmem:$0x1070] =	vst v11  }
0xfa: {  	v14 =	vld [tilespmem:$0xB10];
	v4 =	vadd.s32 v30, v31;
	v7 =	vadd.s32 v46, v47;
	v10 =	vadd.s32 v48, v50;
	[tilespmem:$0x1080] =	vst v0  }
0xfb: {  	v17 =	vld [tilespmem:$0x9A0];
	v58 =	vadd.s32 v52, v55;
	v62 =	vadd.s32 v56, v59;
	v2 =	vadd.s32 v29, v28;
	[tilespmem:$0x1090] =	vst v1  }
0xfc: {  	v49 =	vld [tilespmem:$0x820];
	v3 =	vadd.s32 v60, v3;
	v31 =	vshll.u32 v15, $0x1;
	v4 =	vadd.s32 v32, v4;
	[tilespmem:$0x10A0] =	vst v2  }
0xfd: {  	v57 =	vld [tilespmem:$0x830];
	v7 =	vadd.s32 v35, v7;
	v54 =	vadd.s32 v38, v10;
	v1 =	vadd.s32 v41, v58;
	[tilespmem:$0x10E0] =	vst v4  }
0xfe: {  	v20 =	vld [tilespmem:$0xB20];
	v3 =	vadd.s32 v6, v3;
	v28 =	vmul.u32 $0xC, v12;
	v32 =	vmul.u32 $0xC, v16;
	[tilespmem:$0x10F0] =	vst v7  }
0xff: {  	v8 =	vld [tilespmem:$0xB00];
	v35 =	vshll.u32 v19, $0x1;
	v38 =	vmul.u32 $0xC, v18;
	v2 =	vadd.s32 v44, v62;
	[tilespmem:$0x1100] =	vst v54  }
0x100: {  	v42 =	vld [tilespmem:$0x860];
	[tilespmem:$0x1110] =	vst v1;
	v34 =	vadd.s32 v28, v31;
	v37 =	vadd.s32 v32, v35;
	v44 =	vshll.u32 v51, $0x1  }
0x101: {  	v46 =	vld [tilespmem:$0x9F0];
	[tilespmem:$0x1160] =	vst v3;
	v48 =	vshll.u32 v61, $0x1;
	v51 =	vmul.u32 $0xC, v27;
	v6 =	vmul.u32 $0xC, v36  }
0x102: {  	v29 =	vld [tilespmem:$0x9D0];
	[tilespmem:$0x1120] =	vst v2;
	v5 =	vshll.u32 v5, $0x1;
	v1 =	vadd.s32 v14, v34;
	v40 =	vshll.u32 v17, $0x1  }
0x103: {  	v52 =	vld [tilespmem:$0xB80];
	v41 =	vmul.u32 $0xC, v49;
	v30 =	vadd.s32 v24, v5;
	v2 =	vadd.s32 v20, v37;
	[tilespmem:$0x1180] =	vst v1  }
0x104: {  	v33 =	vld [tilespmem:$0xB60];
	v45 =	vmul.u32 $0xC, v57;
	v43 =	vadd.s32 v38, v40;
	v0 =	vadd.s32 v8, v30;
	[tilespmem:$0x1190] =	vst v2  }
0x105: {  	v49 =	vld [tilespmem:$0xB70];
	v57 =	vmul.u32 $0xC, v42;
	v47 =	vadd.s32 v41, v44;
	[tilespmem:$0x1170] =	vst v0;
	v0 =	vadd.s32 v22, v43  }
0x106: {  	v60 =	vshll.u32 v46, $0x1;
	v50 =	vadd.s32 v45, v48;
	v1 =	vadd.s32 v53, v47;
	[tilespmem:$0x11A0] =	vst v0  }
.Ltmp2:
0x107: {  	v54 =	vshll.u32 v29, $0x1;
	v62 =	vadd.s32 v57, v60;
	v53 =	vadd.s32 v63, v50;
	[tilespmem:$0x11E0] =	vst v1;
	(pc) =	sbr.rel .LBB2_2-.Ltmp2, $4  }
0x108: {  	v56 =	vshll.u32 v39, $0x1;
	v55 =	vadd.s32 v51, v54;
	v63 =	vadd.s32 v52, v62;
	[tilespmem:$0x11F0] =	vst v53  }
0x109: {  	v59 =	vadd.s32 v6, v56;
	v58 =	vadd.s32 v33, v55;
	[tilespmem:$0x1220] =	vst v63  }
0x10a: {  	s12 =	rddreg [dreg:$0xe];
	[tilespmem:$0x1200] =	vst v58;
	v61 =	vadd.s32 v49, v59  }
0x10b: {  	s10 =	simm.s32 $0x1;
	s21 =	simm.s32 $0x0;
	s20 =	rddreg [dreg:$0xd];
	[tilespmem:$0x1210] =	vst v61  }
.LBB2_4:
0x10c: {  	s21 =	sadd.s32 $0x64, s21  }
0x10d: {  	p1 =	sne.s32 s21, $0x4B0  }
.Ltmp3:
0x10e: {  	_ = 	snop;
	(pc) =	sbr.rel @!p1 .LBB2_5-.Ltmp3, $2  }
0x10f: {  	_ =	sdelay $0x2  }
0x110: {  	s20 =	sadd.s32 $0x3200, s20;
	s12 =	sadd.s32 $0x320, s12;
	s10 =	sadd.s32 $0x2, s10  }
.LBB2_2:
0x111: {  	s22 =	sshrl.u32 s12, $0x3  }
0x112: {  	s23 =	simm.s32 $0x1E0;
	s22 =	sadd.s32 s3, s22  }
0x113: {  	[tilespmem:s23], [sflag:$0x1] =	stream.linear.gather [hbm4b:s22+s2], $0x190, $0x38;
	[tilespmem:$0x1A3E0] =	vst v63  }
0x114: {  	s29 =	simm.s32 $0x370;
	p1 =	seq.s32 s21, $0x0;
	s23 =	sadd.s32 s21, s18  }
0x115: {  	[tilespmem:s29], [sflag:$0x1] =	stream.linear.gather [hbm4b:s23+s2], $0x190, $0x38;
	[tilespmem:$0x1A3E0] =	vst v63  }
0x116: {  	s22 =	simm.s32 @!p1 $0x6;
	s23 =	sadd.s32 s21, s19;
	s29 =	simm.s32 $0x500  }
0x117: {  	[tilespmem:s29], [sflag:$0x1] =	stream.linear.gather [hbm4b:s23+s2], $0x190, $0x38;
	[tilespmem:$0x1A3E0] =	vst v63  }
0x118: {  	_ =	swait.ge @!p1 [sflag:s22], $0xC800  }
0x119: {  	[sflag:s22] =	ssyncset.done @!p1 $0x0  }
0x11a: {  	[sflag:s22] =	ssyncadd.s32 @!p1 $0xFFFF3800  }
0x11b: {  	_ =	swait.ge [sflag:s9], $0x2800  }
0x11c: {  	[sflag:s9] =	ssyncset.done $0x0  }
0x11d: {  	[sflag:s9] =	ssyncadd.s32 $0xFFFFD800  }
0x11e: {  	_ =	swait.ge [sflag:s9], $0x2800  }
0x11f: {  	[sflag:s9] =	ssyncset.done $0x0  }
0x120: {  	[sflag:s9] =	ssyncadd.s32 $0xFFFFD800  }
0x121: {  	_ =	swait.ge [sflag:s9], $0x2800  }
0x122: {  	[sflag:s9] =	ssyncset.done $0x0  }
0x123: {  	[sflag:s9] =	ssyncadd.s32 $0xFFFFD800  }
0x124: {  	_ =	swait.ge [sflag:s9], $0x2800  }
0x125: {  	[sflag:s9] =	ssyncset.done $0x0  }
0x126: {  	[sflag:s9] =	ssyncadd.s32 $0xFFFFD800  }
0x127: {  	_ =	swait.ge [sflag:s9], $0x2800  }
0x128: {  	[sflag:s9] =	ssyncset.done $0x0  }
0x129: {  	[sflag:s9] =	ssyncadd.s32 $0xFFFFD800  }
0x12a: {  	[hbm4b:s20+s2] =	stream.linear.scatter [tilespmem:s30], [sflag:$0x5], $0xC800, $0x38;
	[tilespmem:$0x1A3E0] =	vst v63  }
0x12b: {  	s29 =	simm.s32 $0xFE0  }
0x12c: {  	[tilespmem:s11], [sflag:$0x4] =	stream.indirect.gather [spmem:s1], $0x80, s29, s28, $0xb8;
	[tilespmem:$0x1A3E0] =	vst v63  }
0x12d: {  	s23 =	simm.s32 $0x1060;
	s29 =	simm.s32 $0x103E0  }
0x12e: {  	[tilespmem:s29], [sflag:$0x4] =	stream.indirect.gather [spmem:s1], $0x80, s23, s28, $0xb8;
	[tilespmem:$0x1A3E0] =	vst v63  }
0x12f: {  	s23 =	simm.s32 $0x10E0;
	s29 =	simm.s32 $0x12BE0  }
0x130: {  	[tilespmem:s29], [sflag:$0x4] =	stream.indirect.gather [spmem:s1], $0x80, s23, s28, $0xb8;
	[tilespmem:$0x1A3E0] =	vst v63  }
0x131: {  	s23 =	simm.s32 $0x1160;
	s29 =	simm.s32 $0x153E0  }
0x132: {  	[tilespmem:s29], [sflag:$0x4] =	stream.indirect.gather [spmem:s1], $0x80, s23, s28, $0xb8;
	[tilespmem:$0x1A3E0] =	vst v63  }
0x133: {  	s23 =	simm.s32 $0x11E0;
	s29 =	simm.s32 $0x17BE0  }
0x134: {  	[tilespmem:s29], [sflag:$0x4] =	stream.indirect.gather [spmem:s1], $0x80, s23, s28, $0xb8;
	[tilespmem:$0x1A3E0] =	vst v63  }
0x135: {  	_ =	swait.ge [sflag:s16], $0x190  }
0x136: {  	[sflag:s16] =	ssyncset.done $0x0  }
0x137: {  	[sflag:s16] =	ssyncadd.s32 $0xFFFFFE70  }
0x138: {  	_ =	swait.ge [sflag:s16], $0x190  }
0x139: {  	[sflag:s16] =	ssyncset.done $0x0  }
0x13a: {  	[sflag:s16] =	ssyncadd.s32 $0xFFFFFE70  }
0x13b: {  	_ =	swait.ge [sflag:s16], $0x190  }
0x13c: {  	[sflag:s16] =	ssyncset.done $0x0  }
0x13d: {  	[sflag:s16] =	ssyncadd.s32 $0xFFFFFE70  }
0x13e: {  	v0 =	vld [tilespmem:$0x1E0]  }
0x13f: {  	v1 =	vld [tilespmem:$0x370]  }
0x140: {  	v2 =	vld [tilespmem:$0x500]  }
0x141: {  	v3 =	vld [tilespmem:$0x1F0]  }
0x142: {  	v4 =	vld [tilespmem:$0x380]  }
0x143: {  	v5 =	vld [tilespmem:$0x510]  }
0x144: {  	v6 =	vld [tilespmem:$0x200]  }
0x145: {  	v7 =	vld [tilespmem:$0x390]  }
0x146: {  	v8 =	vld [tilespmem:$0x520]  }
0x147: {  	v9 =	vld [tilespmem:$0x210]  }
0x148: {  	v10 =	vld [tilespmem:$0x3A0]  }
0x149: {  	v11 =	vld [tilespmem:$0x530]  }
0x14a: {  	v12 =	vld [tilespmem:$0x220]  }
0x14b: {  	v13 =	vld [tilespmem:$0x3B0]  }
0x14c: {  	v14 =	vld [tilespmem:$0x540]  }
0x14d: {  	v15 =	vld [tilespmem:$0x230]  }
0x14e: {  	v16 =	vld [tilespmem:$0x3C0]  }
0x14f: {  	v17 =	vld [tilespmem:$0x550]  }
0x150: {  	v18 =	vld [tilespmem:$0x240]  }
0x151: {  	v19 =	vld [tilespmem:$0x3D0]  }
0x152: {  	v20 =	vld [tilespmem:$0x560]  }
0x153: {  	v21 =	vld [tilespmem:$0x250]  }
0x154: {  	v22 =	vld [tilespmem:$0x3E0]  }
0x155: {  	v23 =	vld [tilespmem:$0x570]  }
0x156: {  	v24 =	vld [tilespmem:$0x260]  }
0x157: {  	v25 =	vld [tilespmem:$0x3F0]  }
0x158: {  	v26 =	vld [tilespmem:$0x580]  }
0x159: {  	v27 =	vld [tilespmem:$0x270]  }
0x15a: {  	v28 =	vld [tilespmem:$0x400]  }
0x15b: {  	v29 =	vld [tilespmem:$0x590]  }
0x15c: {  	v30 =	vld [tilespmem:$0x280]  }
0x15d: {  	v31 =	vld [tilespmem:$0x410]  }
0x15e: {  	v32 =	vld [tilespmem:$0x5A0]  }
0x15f: {  	v33 =	vld [tilespmem:$0x290]  }
0x160: {  	v34 =	vld [tilespmem:$0x420]  }
0x161: {  	v35 =	vld [tilespmem:$0x5B0]  }
0x162: {  	v36 =	vld [tilespmem:$0x2A0]  }
0x163: {  	v37 =	vld [tilespmem:$0x430]  }
0x164: {  	v38 =	vld [tilespmem:$0x5C0]  }
0x165: {  	v39 =	vld [tilespmem:$0x2B0]  }
0x166: {  	v40 =	vld [tilespmem:$0x440]  }
0x167: {  	v41 =	vld [tilespmem:$0x5D0]  }
0x168: {  	v42 =	vld [tilespmem:$0x2C0]  }
0x169: {  	v43 =	vld [tilespmem:$0x450]  }
0x16a: {  	v44 =	vld [tilespmem:$0x5E0]  }
0x16b: {  	v45 =	vld [tilespmem:$0x2D0];
	v0 =	vmul.u32 $0xC, v0  }
0x16c: {  	v1 =	vshll.u32 v1, $0x1;
	v47 =	vmul.u32 $0xC, v3;
	v3 =	vld [tilespmem:$0x460];
	v48 =	vshll.u32 v4, $0x1  }
0x16d: {  	v49 =	vmul.u32 $0xC, v6;
	v6 =	vld [tilespmem:$0x5F0];
	v50 =	vshll.u32 v7, $0x1;
	v51 =	vmul.u32 $0xC, v9  }
0x16e: {  	v9 =	vld [tilespmem:$0x2E0];
	v52 =	vshll.u32 v10, $0x1;
	v53 =	vmul.u32 $0xC, v12;
	v54 =	vshll.u32 v13, $0x1  }
0x16f: {  	v55 =	vmul.u32 $0xC, v15;
	v12 =	vld [tilespmem:$0x2F0];
	v56 =	vshll.u32 v16, $0x1;
	v57 =	vmul.u32 $0xC, v18  }
0x170: {  	v15 =	vld [tilespmem:$0x480];
	v58 =	vshll.u32 v19, $0x1;
	v59 =	vmul.u32 $0xC, v21;
	v60 =	vshll.u32 v22, $0x1  }
0x171: {  	v16 =	vld [tilespmem:$0x300];
	v61 =	vmul.u32 $0xC, v24;
	v63 =	vshll.u32 v25, $0x1;
	v24 =	vmul.u32 $0xC, v27  }
0x172: {  	v19 =	vld [tilespmem:$0x490];
	v27 =	vshll.u32 v28, $0x1;
	v30 =	vmul.u32 $0xC, v30;
	v31 =	vshll.u32 v31, $0x1  }
0x173: {  	v18 =	vld [tilespmem:$0x310];
	v46 =	vmul.u32 $0xC, v33;
	v0 =	vadd.s32 v0, v1;
	v1 =	vadd.s32 v47, v48  }
0x174: {  	v22 =	vld [tilespmem:$0x630];
	v4 =	vadd.s32 v51, v52;
	v7 =	vadd.s32 v53, v54;
	v10 =	vadd.s32 v55, v56  }
0x175: {  	v62 =	vadd.s32 v59, v60;
	v25 =	vadd.s32 v61, v63;
	v51 =	vld [tilespmem:$0x4B0];
	v0 =	vadd.s32 v2, v0  }
0x176: {  	v28 =	vadd.s32 v24, v27;
	v47 =	vshll.u32 v34, $0x1;
	v53 =	vld [tilespmem:$0x640];
	v1 =	vadd.s32 v5, v1;
	[tilespmem:$0xBE0] =	vst v0  }
0x177: {  	v48 =	vmul.u32 $0xC, v36;
	v52 =	vmul.u32 $0xC, v39;
	v61 =	vld [tilespmem:$0x4C0];
	v4 =	vadd.s32 v11, v4;
	[tilespmem:$0xBF0] =	vst v1  }
0x178: {  	v55 =	vshll.u32 v40, $0x1;
	v56 =	vmul.u32 $0xC, v42;
	v63 =	vld [tilespmem:$0x650];
	v7 =	vadd.s32 v14, v7;
	[tilespmem:$0xC10] =	vst v4  }
0x179: {  	v59 =	vshll.u32 v43, $0x1;
	v27 =	vld [tilespmem:$0x340];
	v2 =	vadd.s32 v49, v50;
	v10 =	vadd.s32 v17, v10;
	[tilespmem:$0xC20] =	vst v7  }
0x17a: {  	v60 =	vmul.u32 $0xC, v45;
	v36 =	vld [tilespmem:$0x350];
	v11 =	vadd.s32 v57, v58;
	v2 =	vadd.s32 v8, v2;
	[tilespmem:$0xC60] =	vst v10  }
0x17b: {  	v39 =	vld [tilespmem:$0x4E0];
	v50 =	vshll.u32 v37, $0x1;
	v11 =	vadd.s32 v20, v11;
	v0 =	vadd.s32 v23, v62;
	[tilespmem:$0xC00] =	vst v2  }
0x17c: {  	v5 =	vld [tilespmem:$0x470];
	v1 =	vadd.s32 v26, v25;
	v4 =	vadd.s32 v30, v31;
	v7 =	vadd.s32 v46, v47;
	[tilespmem:$0xC70] =	vst v11  }
0x17d: {  	v14 =	vld [tilespmem:$0x610];
	v10 =	vadd.s32 v48, v50;
	v58 =	vadd.s32 v52, v55;
	v62 =	vadd.s32 v56, v59;
	[tilespmem:$0xC80] =	vst v0  }
0x17e: {  	v17 =	vld [tilespmem:$0x4A0];
	v2 =	vadd.s32 v29, v28;
	v4 =	vadd.s32 v32, v4;
	v7 =	vadd.s32 v35, v7;
	[tilespmem:$0xC90] =	vst v1  }
0x17f: {  	v49 =	vld [tilespmem:$0x320];
	v54 =	vadd.s32 v38, v10;
	v1 =	vadd.s32 v41, v58;
	v3 =	vshll.u32 v3, $0x1;
	[tilespmem:$0xCA0] =	vst v2  }
0x180: {  	v57 =	vld [tilespmem:$0x330];
	v24 =	vmul.u32 $0xC, v9;
	v28 =	vmul.u32 $0xC, v12;
	v31 =	vshll.u32 v15, $0x1;
	[tilespmem:$0xCE0] =	vst v4  }
0x181: {  	v20 =	vld [tilespmem:$0x620];
	v32 =	vmul.u32 $0xC, v16;
	v35 =	vshll.u32 v19, $0x1;
	v3 =	vadd.s32 v60, v3;
	[tilespmem:$0xCF0] =	vst v7  }
0x182: {  	v8 =	vld [tilespmem:$0x600];
	v38 =	vmul.u32 $0xC, v18;
	v2 =	vadd.s32 v44, v62;
	[tilespmem:$0xD00] =	vst v54;
	v3 =	vadd.s32 v6, v3  }
0x183: {  	v42 =	vld [tilespmem:$0x360];
	[tilespmem:$0xD10] =	vst v1;
	v34 =	vadd.s32 v28, v31;
	v37 =	vadd.s32 v32, v35;
	v44 =	vshll.u32 v51, $0x1  }
0x184: {  	v46 =	vld [tilespmem:$0x4F0];
	[tilespmem:$0xD20] =	vst v2;
	v48 =	vshll.u32 v61, $0x1;
	v51 =	vmul.u32 $0xC, v27;
	v6 =	vmul.u32 $0xC, v36  }
0x185: {  	v29 =	vld [tilespmem:$0x4D0];
	v5 =	vshll.u32 v5, $0x1;
	v1 =	vadd.s32 v14, v34;
	[tilespmem:$0xD60] =	vst v3;
	v40 =	vshll.u32 v17, $0x1  }
0x186: {  	v52 =	vld [tilespmem:$0x680];
	v41 =	vmul.u32 $0xC, v49;
	v30 =	vadd.s32 v24, v5;
	v2 =	vadd.s32 v20, v37;
	[tilespmem:$0xD80] =	vst v1  }
0x187: {  	v33 =	vld [tilespmem:$0x660];
	v45 =	vmul.u32 $0xC, v57;
	v43 =	vadd.s32 v38, v40;
	v0 =	vadd.s32 v8, v30;
	[tilespmem:$0xD90] =	vst v2  }
0x188: {  	v49 =	vld [tilespmem:$0x670];
	v57 =	vmul.u32 $0xC, v42;
	v47 =	vadd.s32 v41, v44;
	[tilespmem:$0xD70] =	vst v0;
	v0 =	vadd.s32 v22, v43  }
0x189: {  	v60 =	vshll.u32 v46, $0x1;
	v50 =	vadd.s32 v45, v48;
	v1 =	vadd.s32 v53, v47;
	[tilespmem:$0xDA0] =	vst v0  }
0x18a: {  	v54 =	vshll.u32 v29, $0x1;
	v62 =	vadd.s32 v57, v60;
	v53 =	vadd.s32 v63, v50;
	[tilespmem:$0xDE0] =	vst v1  }
0x18b: {  	v56 =	vshll.u32 v39, $0x1;
	v55 =	vadd.s32 v51, v54;
	v63 =	vadd.s32 v52, v62;
	[tilespmem:$0xDF0] =	vst v53  }
0x18c: {  	v59 =	vadd.s32 v6, v56;
	v58 =	vadd.s32 v33, v55;
	[tilespmem:$0xE20] =	vst v63  }
0x18d: {  	p1 =	sgt.u32 s10, $0x16;
	[tilespmem:$0xE00] =	vst v58;
	v61 =	vadd.s32 v49, v59  }
0x18e: {  	s22 =	sadd.s32 @!p1 s21, s13;
	s23 =	simm.s32 @!p1 $0x0;
	s29 =	simm.s32 @!p1 $0x6E0;
	[tilespmem:$0xE10] =	vst v61  }
0x18f: {  	[tilespmem:s29], [sflag:$0x2] =	stream.linear.gather @!p1 [hbm4b:s22+s23], $0x190, $0x38;
	[tilespmem:$0x1A3E0] =	vst v63  }
0x190: {  	s22 =	sadd.s32 @!p1 s21, s14;
	s29 =	simm.s32 @!p1 $0x870  }
0x191: {  	[tilespmem:s29], [sflag:$0x2] =	stream.linear.gather @!p1 [hbm4b:s22+s23], $0x190, $0x38;
	[tilespmem:$0x1A3E0] =	vst v63  }
0x192: {  	s22 =	sadd.s32 @!p1 s21, s15;
	s29 =	simm.s32 @!p1 $0xA00  }
0x193: {  	[tilespmem:s29], [sflag:$0x2] =	stream.linear.gather @!p1 [hbm4b:s22+s23], $0x190, $0x38;
	[tilespmem:$0x1A3E0] =	vst v63  }
0x194: {  	_ =	swait.ge [sflag:s17], $0xC800  }
0x195: {  	[sflag:s17] =	ssyncset.done $0x0  }
0x196: {  	[sflag:s17] =	ssyncadd.s32 $0xFFFF3800  }
0x197: {  	_ =	swait.ge [sflag:s5], $0x2800  }
0x198: {  	[sflag:s5] =	ssyncset.done $0x0  }
0x199: {  	[sflag:s5] =	ssyncadd.s32 $0xFFFFD800  }
0x19a: {  	_ =	swait.ge [sflag:s5], $0x2800  }
0x19b: {  	[sflag:s5] =	ssyncset.done $0x0  }
0x19c: {  	[sflag:s5] =	ssyncadd.s32 $0xFFFFD800  }
0x19d: {  	_ =	swait.ge [sflag:s5], $0x2800  }
0x19e: {  	[sflag:s5] =	ssyncset.done $0x0  }
0x19f: {  	[sflag:s5] =	ssyncadd.s32 $0xFFFFD800  }
0x1a0: {  	_ =	swait.ge [sflag:s5], $0x2800  }
0x1a1: {  	[sflag:s5] =	ssyncset.done $0x0  }
0x1a2: {  	[sflag:s5] =	ssyncadd.s32 $0xFFFFD800  }
0x1a3: {  	_ =	swait.ge [sflag:s5], $0x2800  }
0x1a4: {  	[sflag:s5] =	ssyncset.done $0x0  }
0x1a5: {  	s23 =	sadd.s32 $0x1900, s20;
	[sflag:s5] =	ssyncadd.s32 $0xFFFFD800  }
0x1a6: {  	[hbm4b:s23+s2] =	stream.linear.scatter [tilespmem:s11], [sflag:$0x6], $0xC800, $0x38;
	[tilespmem:$0x1A3E0] =	vst v63  }
0x1a7: {  	s29 =	simm.s32 $0xBE0  }
0x1a8: {  	[tilespmem:s30], [sflag:$0x3] =	stream.indirect.gather [spmem:s1], $0x80, s29, s28, $0xb8;
	[tilespmem:$0x1A3E0] =	vst v63  }
0x1a9: {  	_ = 	snop  }
0x1aa: {  	[tilespmem:s0], [sflag:$0x3] =	stream.indirect.gather [spmem:s1], $0x80, s31, s28, $0xb8;
	[tilespmem:$0x1A3E0] =	vst v63  }
0x1ab: {  	_ = 	snop  }
0x1ac: {  	[tilespmem:s25], [sflag:$0x3] =	stream.indirect.gather [spmem:s1], $0x80, s24, s28, $0xb8;
	[tilespmem:$0x1A3E0] =	vst v63  }
.Ltmp4:
0x1ad: {  	_ = 	snop;
	(pc) =	sbr.rel @p1 .LBB2_4-.Ltmp4, $4  }
0x1ae: {  	_ = 	snop  }
0x1af: {  	[tilespmem:s4], [sflag:$0x3] =	stream.indirect.gather [spmem:s1], $0x80, s26, s28, $0xb8;
	[tilespmem:$0x1A3E0] =	vst v63  }
0x1b0: {  	_ = 	snop  }
0x1b1: {  	[tilespmem:s7], [sflag:$0x3] =	stream.indirect.gather [spmem:s1], $0x80, s6, s28, $0xb8;
	[tilespmem:$0x1A3E0] =	vst v63  }
0x1b2: {  	_ =	swait.ge [sflag:s8], $0x190  }
0x1b3: {  	[sflag:s8] =	ssyncset.done $0x0  }
0x1b4: {  	[sflag:s8] =	ssyncadd.s32 $0xFFFFFE70  }
0x1b5: {  	_ =	swait.ge [sflag:s8], $0x190  }
0x1b6: {  	[sflag:s8] =	ssyncset.done $0x0  }
0x1b7: {  	[sflag:s8] =	ssyncadd.s32 $0xFFFFFE70  }
0x1b8: {  	_ =	swait.ge [sflag:s8], $0x190  }
0x1b9: {  	[sflag:s8] =	ssyncset.done $0x0  }
0x1ba: {  	[sflag:s8] =	ssyncadd.s32 $0xFFFFFE70  }
0x1bb: {  	v0 =	vld [tilespmem:$0x6E0]  }
0x1bc: {  	v1 =	vld [tilespmem:$0x870]  }
0x1bd: {  	v2 =	vld [tilespmem:$0xA00]  }
0x1be: {  	v3 =	vld [tilespmem:$0x6F0]  }
0x1bf: {  	v4 =	vld [tilespmem:$0x880]  }
0x1c0: {  	v5 =	vld [tilespmem:$0xA10]  }
0x1c1: {  	v6 =	vld [tilespmem:$0x700]  }
0x1c2: {  	v7 =	vld [tilespmem:$0x890]  }
0x1c3: {  	v8 =	vld [tilespmem:$0xA20]  }
0x1c4: {  	v9 =	vld [tilespmem:$0x710]  }
0x1c5: {  	v10 =	vld [tilespmem:$0x8A0]  }
0x1c6: {  	v11 =	vld [tilespmem:$0xA30]  }
0x1c7: {  	v12 =	vld [tilespmem:$0x720]  }
0x1c8: {  	v13 =	vld [tilespmem:$0x8B0]  }
0x1c9: {  	v14 =	vld [tilespmem:$0xA40]  }
0x1ca: {  	v15 =	vld [tilespmem:$0x730]  }
0x1cb: {  	v16 =	vld [tilespmem:$0x8C0]  }
0x1cc: {  	v17 =	vld [tilespmem:$0xA50]  }
0x1cd: {  	v18 =	vld [tilespmem:$0x740]  }
0x1ce: {  	v19 =	vld [tilespmem:$0x8D0]  }
0x1cf: {  	v20 =	vld [tilespmem:$0xA60]  }
0x1d0: {  	v21 =	vld [tilespmem:$0x750]  }
0x1d1: {  	v22 =	vld [tilespmem:$0x8E0]  }
0x1d2: {  	v23 =	vld [tilespmem:$0xA70]  }
0x1d3: {  	v24 =	vld [tilespmem:$0x760]  }
0x1d4: {  	v25 =	vld [tilespmem:$0x8F0]  }
0x1d5: {  	v26 =	vld [tilespmem:$0xA80]  }
0x1d6: {  	v27 =	vld [tilespmem:$0x770]  }
0x1d7: {  	v28 =	vld [tilespmem:$0x900]  }
0x1d8: {  	v29 =	vld [tilespmem:$0xA90]  }
0x1d9: {  	v30 =	vld [tilespmem:$0x780]  }
0x1da: {  	v31 =	vld [tilespmem:$0x910]  }
0x1db: {  	v32 =	vld [tilespmem:$0xAA0]  }
0x1dc: {  	v33 =	vld [tilespmem:$0x790]  }
0x1dd: {  	v34 =	vld [tilespmem:$0x920]  }
0x1de: {  	v35 =	vld [tilespmem:$0xAB0]  }
0x1df: {  	v36 =	vld [tilespmem:$0x7A0]  }
0x1e0: {  	v37 =	vld [tilespmem:$0x930]  }
0x1e1: {  	v38 =	vld [tilespmem:$0xAC0]  }
0x1e2: {  	v39 =	vld [tilespmem:$0x7B0]  }
0x1e3: {  	v40 =	vld [tilespmem:$0x940]  }
0x1e4: {  	v41 =	vld [tilespmem:$0xAD0]  }
0x1e5: {  	v42 =	vld [tilespmem:$0x7C0]  }
0x1e6: {  	v43 =	vld [tilespmem:$0x950]  }
0x1e7: {  	v44 =	vld [tilespmem:$0xAE0]  }
0x1e8: {  	v45 =	vld [tilespmem:$0x7D0];
	v0 =	vmul.u32 $0xC, v0  }
0x1e9: {  	v1 =	vshll.u32 v1, $0x1;
	v47 =	vmul.u32 $0xC, v3;
	v3 =	vld [tilespmem:$0x960];
	v48 =	vshll.u32 v4, $0x1  }
0x1ea: {  	v49 =	vmul.u32 $0xC, v6;
	v6 =	vld [tilespmem:$0xAF0];
	v50 =	vshll.u32 v7, $0x1;
	v51 =	vmul.u32 $0xC, v9  }
0x1eb: {  	v9 =	vld [tilespmem:$0x7E0];
	v52 =	vshll.u32 v10, $0x1;
	v53 =	vmul.u32 $0xC, v12;
	v54 =	vshll.u32 v13, $0x1  }
0x1ec: {  	v55 =	vmul.u32 $0xC, v15;
	v12 =	vld [tilespmem:$0x7F0];
	v56 =	vshll.u32 v16, $0x1;
	v57 =	vmul.u32 $0xC, v18  }
0x1ed: {  	v15 =	vld [tilespmem:$0x980];
	v58 =	vshll.u32 v19, $0x1;
	v59 =	vmul.u32 $0xC, v21;
	v60 =	vshll.u32 v22, $0x1  }
0x1ee: {  	v16 =	vld [tilespmem:$0x800];
	v61 =	vmul.u32 $0xC, v24;
	v63 =	vshll.u32 v25, $0x1;
	v24 =	vmul.u32 $0xC, v27  }
0x1ef: {  	v19 =	vld [tilespmem:$0x990];
	v27 =	vshll.u32 v28, $0x1;
	v30 =	vmul.u32 $0xC, v30;
	v31 =	vshll.u32 v31, $0x1  }
0x1f0: {  	v18 =	vld [tilespmem:$0x810];
	v46 =	vmul.u32 $0xC, v33;
	v0 =	vadd.s32 v0, v1;
	v1 =	vadd.s32 v47, v48  }
0x1f1: {  	v22 =	vld [tilespmem:$0xB30];
	v4 =	vadd.s32 v51, v52;
	v7 =	vadd.s32 v53, v54;
	v10 =	vadd.s32 v55, v56  }
0x1f2: {  	v62 =	vadd.s32 v59, v60;
	v25 =	vadd.s32 v61, v63;
	v51 =	vld [tilespmem:$0x9B0];
	v0 =	vadd.s32 v2, v0  }
0x1f3: {  	v28 =	vadd.s32 v24, v27;
	v47 =	vshll.u32 v34, $0x1;
	v53 =	vld [tilespmem:$0xB40];
	v1 =	vadd.s32 v5, v1;
	[tilespmem:$0xFE0] =	vst v0  }
0x1f4: {  	v48 =	vmul.u32 $0xC, v36;
	v52 =	vmul.u32 $0xC, v39;
	v61 =	vld [tilespmem:$0x9C0];
	v4 =	vadd.s32 v11, v4;
	[tilespmem:$0xFF0] =	vst v1  }
0x1f5: {  	v55 =	vshll.u32 v40, $0x1;
	v56 =	vmul.u32 $0xC, v42;
	v63 =	vld [tilespmem:$0xB50];
	v7 =	vadd.s32 v14, v7;
	[tilespmem:$0x1010] =	vst v4  }
0x1f6: {  	v59 =	vshll.u32 v43, $0x1;
	v27 =	vld [tilespmem:$0x840];
	v2 =	vadd.s32 v49, v50;
	v10 =	vadd.s32 v17, v10;
	[tilespmem:$0x1020] =	vst v7  }
0x1f7: {  	v60 =	vmul.u32 $0xC, v45;
	v36 =	vld [tilespmem:$0x850];
	v11 =	vadd.s32 v57, v58;
	v2 =	vadd.s32 v8, v2;
	[tilespmem:$0x1060] =	vst v10  }
0x1f8: {  	v39 =	vld [tilespmem:$0x9E0];
	v50 =	vshll.u32 v37, $0x1;
	v11 =	vadd.s32 v20, v11;
	v0 =	vadd.s32 v23, v62;
	[tilespmem:$0x1000] =	vst v2  }
0x1f9: {  	v5 =	vld [tilespmem:$0x970];
	v1 =	vadd.s32 v26, v25;
	v4 =	vadd.s32 v30, v31;
	v7 =	vadd.s32 v46, v47;
	[tilespmem:$0x1070] =	vst v11  }
0x1fa: {  	v14 =	vld [tilespmem:$0xB10];
	v10 =	vadd.s32 v48, v50;
	v58 =	vadd.s32 v52, v55;
	v62 =	vadd.s32 v56, v59;
	[tilespmem:$0x1080] =	vst v0  }
0x1fb: {  	v17 =	vld [tilespmem:$0x9A0];
	v2 =	vadd.s32 v29, v28;
	v4 =	vadd.s32 v32, v4;
	v7 =	vadd.s32 v35, v7;
	[tilespmem:$0x1090] =	vst v1  }
0x1fc: {  	v49 =	vld [tilespmem:$0x820];
	v54 =	vadd.s32 v38, v10;
	v1 =	vadd.s32 v41, v58;
	v3 =	vshll.u32 v3, $0x1;
	[tilespmem:$0x10A0] =	vst v2  }
0x1fd: {  	v57 =	vld [tilespmem:$0x830];
	v24 =	vmul.u32 $0xC, v9;
	v28 =	vmul.u32 $0xC, v12;
	v31 =	vshll.u32 v15, $0x1;
	[tilespmem:$0x10E0] =	vst v4  }
0x1fe: {  	v20 =	vld [tilespmem:$0xB20];
	v32 =	vmul.u32 $0xC, v16;
	v35 =	vshll.u32 v19, $0x1;
	v3 =	vadd.s32 v60, v3;
	[tilespmem:$0x10F0] =	vst v7  }
0x1ff: {  	v8 =	vld [tilespmem:$0xB00];
	v38 =	vmul.u32 $0xC, v18;
	v2 =	vadd.s32 v44, v62;
	[tilespmem:$0x1100] =	vst v54;
	v3 =	vadd.s32 v6, v3  }
0x200: {  	v42 =	vld [tilespmem:$0x860];
	[tilespmem:$0x1110] =	vst v1;
	v34 =	vadd.s32 v28, v31;
	v37 =	vadd.s32 v32, v35;
	v44 =	vshll.u32 v51, $0x1  }
0x201: {  	v46 =	vld [tilespmem:$0x9F0];
	[tilespmem:$0x1120] =	vst v2;
	v48 =	vshll.u32 v61, $0x1;
	v51 =	vmul.u32 $0xC, v27;
	v6 =	vmul.u32 $0xC, v36  }
0x202: {  	v29 =	vld [tilespmem:$0x9D0];
	v5 =	vshll.u32 v5, $0x1;
	v1 =	vadd.s32 v14, v34;
	[tilespmem:$0x1160] =	vst v3;
	v40 =	vshll.u32 v17, $0x1  }
0x203: {  	v52 =	vld [tilespmem:$0xB80];
	v41 =	vmul.u32 $0xC, v49;
	v30 =	vadd.s32 v24, v5;
	v2 =	vadd.s32 v20, v37;
	[tilespmem:$0x1180] =	vst v1  }
0x204: {  	v33 =	vld [tilespmem:$0xB60];
	v45 =	vmul.u32 $0xC, v57;
	v43 =	vadd.s32 v38, v40;
	v0 =	vadd.s32 v8, v30;
	[tilespmem:$0x1190] =	vst v2  }
0x205: {  	v49 =	vld [tilespmem:$0xB70];
	v57 =	vmul.u32 $0xC, v42;
	v47 =	vadd.s32 v41, v44;
	[tilespmem:$0x1170] =	vst v0;
	v0 =	vadd.s32 v22, v43  }
0x206: {  	v60 =	vshll.u32 v46, $0x1;
	v50 =	vadd.s32 v45, v48;
	v1 =	vadd.s32 v53, v47;
	[tilespmem:$0x11A0] =	vst v0  }
.Ltmp5:
0x207: {  	v54 =	vshll.u32 v29, $0x1;
	v62 =	vadd.s32 v57, v60;
	v53 =	vadd.s32 v63, v50;
	[tilespmem:$0x11E0] =	vst v1;
	(pc) =	sbr.rel .LBB2_4-.Ltmp5, $4  }
0x208: {  	v56 =	vshll.u32 v39, $0x1;
	v55 =	vadd.s32 v51, v54;
	v63 =	vadd.s32 v52, v62;
	[tilespmem:$0x11F0] =	vst v53  }
0x209: {  	v59 =	vadd.s32 v6, v56;
	v58 =	vadd.s32 v33, v55;
	[tilespmem:$0x1220] =	vst v63  }
0x20a: {  	[tilespmem:$0x1200] =	vst v58;
	v61 =	vadd.s32 v49, v59  }
0x20b: {  	[tilespmem:$0x1210] =	vst v61  }
.LBB2_6:
0x20c: {  	_ =	sfence.sel $0x180000  }
0x20d: {  	[bflag:$0x0] =	sbarrier.arrive $0xFFFF  }
0x20e: {  	_ =	strace $0x90000047  }
0x20f: {  	[bflag:$0x2] =	sbarrier.arrive $0xFFFF  }
0x210: {  	s0 =	rddreg [dreg:$0x3]  }
0x211: {  	s0 =	sadd.s32 @!p0 $0x100000, s0  }
0x212: {  	[sflag:s0] =	ssyncadd.tile.s32 @!p0 $0x1;
	_ =	shalt  }
.Lfunc_end2:
_tile_overlayer_lowered:
.L_overlay_start_2:
0x213: {  	(tag) =	ssettag $0x2  }
0x214: {  	s0 =	rddreg [dreg:$0x0];
	s2 =	stileid.u32  }
0x215: {  	s1 =	rddreg [dreg:$0x1];
	p0 =	sne.s32 s2, $0x0  }
0x216: {  	s3 =	rddreg [dreg:$0x2];
	[bflag:$0x3] =	sbarrier.arrive $0xFFFF;
	s2 =	simm.s32 @!p0 $0x1C07  }
0x217: {  	[timem:s3], [sflag:s2] =	dma.local @!p0 [hbm:s0], s1  }
0x218: {  	s0 =	simm.s32 @!p0 $0x7  }
0x219: {  	_ =	swait.ge @!p0 [sflag:s0], s1  }
0x21a: {  	s1 =	ssub.s32 @!p0 $0x0, s1;
	[sflag:s0] =	ssyncset.done @!p0 $0x0  }
0x21b: {  	[sflag:s0] =	ssyncadd.s32 @!p0 s1  }
0x21c: {  	[bflag:$0x3] =	sbarrier.arrive $0xFFFF  }
0x21d: {  	_ =	shalt  }

</sc_bundles>
